<compile_context>
chip_gen: v7x
topology: tpu7x:2x2x1
jax: 0.10.2.dev20260603
libtpu: 0.0.44.dev20260713+nightly
codegen_flags: <defaults>
</compile_context>

<pallas_src>
import functools

import jax
import jax.numpy as jnp
from jax import lax
from jax.experimental import pallas as pl
from jax.experimental.pallas import tpu as pltpu
from jax.experimental.pallas import tpu_sc as plsc

VOCAB = 1000000
DIM = 64
B = 16384
CTX = 5

NC = 2
NS = 16
L = 16
NW = NC * NS
BPW = B // NW
CB = 128
NCHUNK = BPW // CB
PAIRS = CB * CTX
NBUF = 2


def _skipgram_body(tgt_hbm, ctx_hbm, tt_hbm, ct_hbm, out_hbm,
                   ti_v, craw_v, ci_v, we_v, ce_v, out_v, sems):
    wid = lax.axis_index("s") * NC + lax.axis_index("c")
    base = wid * BPW

    lanes = lax.iota(jnp.int32, L)

    def stage_and_fire(g, s):
        b0 = base + g * CB
        pltpu.sync_copy(tgt_hbm.at[pl.ds(b0, CB)], ti_v.at[s])
        pltpu.sync_copy(ctx_hbm.at[pl.ds(b0 * CTX, PAIRS)], craw_v.at[s])

        def regroup(i, _):
            b16 = i * L + lanes
            for c in range(CTX):
                vals = plsc.load_gather(craw_v, [jnp.full((L,), s, jnp.int32),
                                                 b16 * CTX + c])
                plsc.store_scatter(
                    ci_v, [jnp.full((L,), s, jnp.int32),
                           jnp.full((L,), c, jnp.int32), b16], vals)
            return 0

        lax.fori_loop(0, CB // L, regroup, 0)

        cps = [pltpu.async_copy(tt_hbm.at[ti_v.at[s]], we_v.at[s], sems[s])]
        for c in range(CTX):
            cps.append(pltpu.async_copy(
                ct_hbm.at[ci_v.at[s, c]], ce_v.at[s, c], sems[s]))
        return cps

    def compute(g, s, cps):
        b0 = base + g * CB
        for cp in cps:
            cp.wait()

        def group(bg, _):
            b16 = bg * L + lanes
            szero = jnp.full((L,), s, jnp.int32)
            czero = [jnp.full((L,), c, jnp.int32) for c in range(CTX)]

            def dstep(d, accs):
                ds = jnp.full((L,), 0, jnp.int32) + d
                wv = plsc.load_gather(we_v, [szero, b16, ds])
                return tuple(
                    accs[c] + plsc.load_gather(ce_v, [szero, czero[c], b16, ds]) * wv
                    for c in range(CTX)
                )

            accs = lax.fori_loop(
                0, DIM, dstep,
                tuple(jnp.zeros((L,), jnp.float32) for _ in range(CTX)),
                unroll=4)
            for c in range(CTX):
                plsc.store_scatter(out_v, [b16 * CTX + c], accs[c])
            return 0

        lax.fori_loop(0, CB // L, group, 0)
        pltpu.sync_copy(out_v, out_hbm.at[pl.ds(b0 * CTX, PAIRS)])

    cps = stage_and_fire(0, 0)
    for g in range(NCHUNK):
        nxt = stage_and_fire(g + 1, (g + 1) % NBUF) if g + 1 < NCHUNK else None
        compute(g, g % NBUF, cps)
        cps = nxt


def kernel(target, context, target_table, context_table):
    tgt = target.reshape(B)
    ctx = context.reshape(B * CTX)

    run = pl.kernel(
        _skipgram_body,
        out_type=jax.ShapeDtypeStruct((B * CTX,), jnp.float32),
        mesh=plsc.VectorSubcoreMesh(core_axis_name="c", subcore_axis_name="s"),
        scratch_types=[
            pltpu.VMEM((NBUF, CB), jnp.int32),
            pltpu.VMEM((NBUF, PAIRS), jnp.int32),
            pltpu.VMEM((NBUF, CTX, CB), jnp.int32),
            pltpu.VMEM((NBUF, CB, DIM), jnp.float32),
            pltpu.VMEM((NBUF, CTX, CB, DIM), jnp.float32),
            pltpu.VMEM((PAIRS,), jnp.float32),
            [pltpu.SemaphoreType.DMA] * NBUF,
        ],
        compiler_params=pltpu.CompilerParams(
            needs_layout_passes=False, use_tc_tiling_on_sc=False),
    )
    out = run(tgt, ctx, target_table, context_table)
    return out.reshape(B, CTX)

# --- scband reference (transcript-rebuilt; emitter-appended) ---
"""Pipeline reference for scband-skipgram-38414187495981 (READ-ONLY COPY).

The authoritative reference and input builder live on the scoring server;
editing this copy changes nothing except your own understanding.
"""

import jax, jax.numpy as jnp
import numpy as np

VOCAB = 1000000
DIM = 64
B = 16384
CTX = 5


def setup_inputs(seed: int = 0) -> dict:
    key = jax.random.key(seed)
    k1, k2, k3, k4 = jax.random.split(key, 4)
    target = jax.random.randint(k1, (B, 1), 0, VOCAB)
    context = jax.random.randint(k2, (B, CTX, 1), 0, VOCAB)
    # Keras 'uniform' embeddings_initializer draws from U(-0.05, 0.05)
    target_table = jax.random.uniform(k3, (VOCAB, DIM), dtype=jnp.float32, minval=-0.05, maxval=0.05)
    context_table = jax.random.uniform(k4, (VOCAB, DIM), dtype=jnp.float32, minval=-0.05, maxval=0.05)
    return {"target": target, "context": context, "target_table": target_table, "context_table": context_table}


def reference(target, context, target_table, context_table):
    # target: [B, 1] -> we: [B, 1, DIM]
    we = jnp.take(target_table, target, axis=0)
    # context: [B, CTX, 1] -> ce: [B, CTX, 1, DIM]
    ce = jnp.take(context_table, context, axis=0)
    # Keras Dot(axes=(3, 2))([ce, we]) -> batched dot over embedding dim -> [B, CTX, 1, 1]
    dots = jnp.einsum('bcxd,byd->bcxy', ce, we)
    # Flatten -> [B, CTX]
    return dots.reshape(dots.shape[0], -1)

if __name__ == "__main__":
    import jax
    _d = setup_inputs()
    print(jax.jit(kernel)(*tuple(_d.values())))

</pallas_src>

<mosaic_0001>
#map = affine_map<(d0, d1) -> (0)>
#map1 = affine_map<(d0, d1) -> (0, 0)>
module attributes {stable_mosaic.version = 14 : i64} {
  func.func @_skipgram_body(%arg0: i32, %arg1: i32, %arg2: memref<16384xi32, #tpu.memory_space<hbm>>, %arg3: memref<81920xi32, #tpu.memory_space<hbm>>, %arg4: memref<1000000x64xf32, #tpu.memory_space<hbm>>, %arg5: memref<1000000x64xf32, #tpu.memory_space<hbm>>, %arg6: memref<81920xf32, #tpu.memory_space<hbm>>, %arg7: memref<2x128xi32, #tpu.memory_space<vmem>>, %arg8: memref<2x640xi32, #tpu.memory_space<vmem>>, %arg9: memref<2x5x128xi32, #tpu.memory_space<vmem>>, %arg10: memref<2x128x64xf32, #tpu.memory_space<vmem>>, %arg11: memref<2x5x128x64xf32, #tpu.memory_space<vmem>>, %arg12: memref<640xf32, #tpu.memory_space<vmem>>, %arg13: memref<!tpu.dma_semaphore, #tpu.memory_space<semaphore_mem>>, %arg14: memref<!tpu.dma_semaphore, #tpu.memory_space<semaphore_mem>>) attributes {dimension_semantics = [#tpu.dimension_semantics<core_parallel>, #tpu.dimension_semantics<subcore_parallel>], iteration_bounds = array<i64: 2, 16>, scalar_prefetch = 0 : i64, scratch_operands = 8 : i64, tpu.core_type = #tpu.core_type<sc_vector_subcore>, window_params = [{transform_indices = #map}, {transform_indices = #map}, {transform_indices = #map1}, {transform_indices = #map1}, {transform_indices = #map}]} {
    %mul3A = arith.constant 2 : i32
    %mul3A_0 = arith.muli %arg1, %mul3A : i32
    %add3A = arith.addi %mul3A_0, %arg0 : i32
    %mul3A_1 = arith.constant 512 : i32
    %mul3A_2 = arith.muli %add3A, %mul3A_1 : i32
    %iota3A = tpu.iota {dimensions = array<i32: 0>} : vector<16xi32>
    %add3A_3 = arith.constant 0 : i32
    %add3A_4 = arith.addi %mul3A_2, %add3A_3 : i32
    %run_scoped3A = arith.constant 0 : i32
    "tpu.region"() ({
      %run_scoped3A_751 = tpu.sem_alloc : memref<!tpu.dma_semaphore, #tpu.memory_space<semaphore_mem>>
      %dma_start3A_752 = arith.constant 0 : i32
      %dma_start3A_753 = tpu.memref_slice %arg7[%run_scoped3A, %dma_start3A_752] : memref<2x128xi32, #tpu.memory_space<vmem>> -> memref<1x128xi32, #tpu.memory_space<vmem>>
      %dma_start3A_754 = tpu.memref_squeeze %dma_start3A_753 : memref<1x128xi32, #tpu.memory_space<vmem>> -> memref<128xi32, #tpu.memory_space<vmem>>
      %dma_start3A_755 = tpu.memref_slice %arg2[%add3A_4] : memref<16384xi32, #tpu.memory_space<hbm>> -> memref<128xi32, #tpu.memory_space<hbm>>
      %dma_start3A_756 = arith.constant 0 : i32
      %dma_start3A_757 = tpu.memref_slice %arg7[%run_scoped3A, %dma_start3A_756] : memref<2x128xi32, #tpu.memory_space<vmem>> -> memref<1x128xi32, #tpu.memory_space<vmem>>
      %dma_start3A_758 = tpu.memref_squeeze %dma_start3A_757 : memref<1x128xi32, #tpu.memory_space<vmem>> -> memref<128xi32, #tpu.memory_space<vmem>>
      %dma_start3A_759 = tpu.memref_slice %arg2[%add3A_4] : memref<16384xi32, #tpu.memory_space<hbm>> -> memref<128xi32, #tpu.memory_space<hbm>>
      tpu.enqueue_dma source(%dma_start3A_759 : memref<128xi32, #tpu.memory_space<hbm>>) target(%dma_start3A_758 : memref<128xi32, #tpu.memory_space<vmem>>) target_semaphore(%run_scoped3A_751 : memref<!tpu.dma_semaphore, #tpu.memory_space<semaphore_mem>>)
      %dma_wait3A_760 = arith.constant 0 : i32
      %dma_wait3A_761 = tpu.memref_slice %arg7[%run_scoped3A, %dma_wait3A_760] : memref<2x128xi32, #tpu.memory_space<vmem>> -> memref<1x128xi32, #tpu.memory_space<vmem>>
      %dma_wait3A_762 = tpu.memref_squeeze %dma_wait3A_761 : memref<1x128xi32, #tpu.memory_space<vmem>> -> memref<128xi32, #tpu.memory_space<vmem>>
      %dma_wait3A_763 = tpu.memref_slice %arg2[%add3A_4] : memref<16384xi32, #tpu.memory_space<hbm>> -> memref<128xi32, #tpu.memory_space<hbm>>
      %dma_wait3A_764 = arith.constant 0 : i32
      %dma_wait3A_765 = tpu.memref_slice %arg7[%run_scoped3A, %dma_wait3A_764] : memref<2x128xi32, #tpu.memory_space<vmem>> -> memref<1x128xi32, #tpu.memory_space<vmem>>
      %dma_wait3A_766 = tpu.memref_squeeze %dma_wait3A_765 : memref<1x128xi32, #tpu.memory_space<vmem>> -> memref<128xi32, #tpu.memory_space<vmem>>
      %dma_wait3A_767 = tpu.memref_slice %arg2[%add3A_4] : memref<16384xi32, #tpu.memory_space<hbm>> -> memref<128xi32, #tpu.memory_space<hbm>>
      tpu.wait_dma2 semaphore(%run_scoped3A_751 : memref<!tpu.dma_semaphore, #tpu.memory_space<semaphore_mem>>) src(%dma_wait3A_767 : memref<128xi32, #tpu.memory_space<hbm>>) dst(%dma_wait3A_766 : memref<128xi32, #tpu.memory_space<vmem>>)
      tpu.yield
    }) : () -> ()
    %mul3A_5 = arith.constant 5 : i32
    %mul3A_6 = arith.muli %add3A_4, %mul3A_5 : i32
    %run_scoped3A_7 = arith.constant 0 : i32
    "tpu.region"() ({
      %run_scoped3A_751 = tpu.sem_alloc : memref<!tpu.dma_semaphore, #tpu.memory_space<semaphore_mem>>
      %dma_start3A_752 = arith.constant 0 : i32
      %dma_start3A_753 = tpu.memref_slice %arg8[%run_scoped3A_7, %dma_start3A_752] : memref<2x640xi32, #tpu.memory_space<vmem>> -> memref<1x640xi32, #tpu.memory_space<vmem>>
      %dma_start3A_754 = tpu.memref_squeeze %dma_start3A_753 : memref<1x640xi32, #tpu.memory_space<vmem>> -> memref<640xi32, #tpu.memory_space<vmem>>
      %dma_start3A_755 = tpu.memref_slice %arg3[%mul3A_6] : memref<81920xi32, #tpu.memory_space<hbm>> -> memref<640xi32, #tpu.memory_space<hbm>>
      %dma_start3A_756 = arith.constant 0 : i32
      %dma_start3A_757 = tpu.memref_slice %arg8[%run_scoped3A_7, %dma_start3A_756] : memref<2x640xi32, #tpu.memory_space<vmem>> -> memref<1x640xi32, #tpu.memory_space<vmem>>
      %dma_start3A_758 = tpu.memref_squeeze %dma_start3A_757 : memref<1x640xi32, #tpu.memory_space<vmem>> -> memref<640xi32, #tpu.memory_space<vmem>>
      %dma_start3A_759 = tpu.memref_slice %arg3[%mul3A_6] : memref<81920xi32, #tpu.memory_space<hbm>> -> memref<640xi32, #tpu.memory_space<hbm>>
      tpu.enqueue_dma source(%dma_start3A_759 : memref<640xi32, #tpu.memory_space<hbm>>) target(%dma_start3A_758 : memref<640xi32, #tpu.memory_space<vmem>>) target_semaphore(%run_scoped3A_751 : memref<!tpu.dma_semaphore, #tpu.memory_space<semaphore_mem>>)
      %dma_wait3A_760 = arith.constant 0 : i32
      %dma_wait3A_761 = tpu.memref_slice %arg8[%run_scoped3A_7, %dma_wait3A_760] : memref<2x640xi32, #tpu.memory_space<vmem>> -> memref<1x640xi32, #tpu.memory_space<vmem>>
      %dma_wait3A_762 = tpu.memref_squeeze %dma_wait3A_761 : memref<1x640xi32, #tpu.memory_space<vmem>> -> memref<640xi32, #tpu.memory_space<vmem>>
      %dma_wait3A_763 = tpu.memref_slice %arg3[%mul3A_6] : memref<81920xi32, #tpu.memory_space<hbm>> -> memref<640xi32, #tpu.memory_space<hbm>>
      %dma_wait3A_764 = arith.constant 0 : i32
      %dma_wait3A_765 = tpu.memref_slice %arg8[%run_scoped3A_7, %dma_wait3A_764] : memref<2x640xi32, #tpu.memory_space<vmem>> -> memref<1x640xi32, #tpu.memory_space<vmem>>
      %dma_wait3A_766 = tpu.memref_squeeze %dma_wait3A_765 : memref<1x640xi32, #tpu.memory_space<vmem>> -> memref<640xi32, #tpu.memory_space<vmem>>
      %dma_wait3A_767 = tpu.memref_slice %arg3[%mul3A_6] : memref<81920xi32, #tpu.memory_space<hbm>> -> memref<640xi32, #tpu.memory_space<hbm>>
      tpu.wait_dma2 semaphore(%run_scoped3A_751 : memref<!tpu.dma_semaphore, #tpu.memory_space<semaphore_mem>>) src(%dma_wait3A_767 : memref<640xi32, #tpu.memory_space<hbm>>) dst(%dma_wait3A_766 : memref<640xi32, #tpu.memory_space<vmem>>)
      tpu.yield
    }) : () -> ()
    %scan3A = arith.constant 0 : i32
    %scan3A_8 = arith.constant 0 : i32
    %scan3A_9 = arith.constant 8 : i32
    %scan3A_10 = arith.addi %scan3A_8, %scan3A_9 : i32
    %scan3A_11 = arith.constant 1 : i32
    %scan3A_12 = scf.for %scan3A_751 = %scan3A_8 to %scan3A_10 step %scan3A_11 iter_args(%scan3A_752 = %scan3A) -> (i32)  : i32 {
      %mul3A_753 = arith.constant 16 : i32
      %mul3A_754 = arith.muli %scan3A_751, %mul3A_753 : i32
      %add3A_755 = vector.broadcast %mul3A_754 : i32 to vector<16xi32>
      %add3A_756 = arith.addi %add3A_755, %iota3A : vector<16xi32>
      %broadcast_in_dim3A = arith.constant 0 : i32
      %broadcast_in_dim3A_757 = vector.broadcast %broadcast_in_dim3A : i32 to vector<16xi32>
      %mul3A_758 = arith.constant 5 : i32
      %mul3A_759 = vector.broadcast %mul3A_758 : i32 to vector<16xi32>
      %mul3A_760 = arith.muli %add3A_756, %mul3A_759 : vector<16xi32>
      %add3A_761 = arith.constant 0 : i32
      %add3A_762 = vector.broadcast %add3A_761 : i32 to vector<16xi32>
      %add3A_763 = arith.addi %mul3A_760, %add3A_762 : vector<16xi32>
      %gather3A = tpu.vector_load_idx %arg8[%broadcast_in_dim3A_757, %add3A_763] : memref<2x640xi32, #tpu.memory_space<vmem>>[vector<16xi32>, vector<16xi32>], vector<16xi32>,
      %broadcast_in_dim3A_764 = arith.constant 0 : i32
      %broadcast_in_dim3A_765 = vector.broadcast %broadcast_in_dim3A_764 : i32 to vector<16xi32>
      %broadcast_in_dim3A_766 = arith.constant 0 : i32
      %broadcast_in_dim3A_767 = vector.broadcast %broadcast_in_dim3A_766 : i32 to vector<16xi32>
      tpu.vector_store_idx %arg9[%broadcast_in_dim3A_765, %broadcast_in_dim3A_767, %add3A_756], %gather3A : memref<2x5x128xi32, #tpu.memory_space<vmem>>[vector<16xi32>, vector<16xi32>, vector<16xi32>], vector<16xi32>,
      %broadcast_in_dim3A_768 = arith.constant 0 : i32
      %broadcast_in_dim3A_769 = vector.broadcast %broadcast_in_dim3A_768 : i32 to vector<16xi32>
      %mul3A_770 = arith.constant 5 : i32
      %mul3A_771 = vector.broadcast %mul3A_770 : i32 to vector<16xi32>
      %mul3A_772 = arith.muli %add3A_756, %mul3A_771 : vector<16xi32>
      %add3A_773 = arith.constant 1 : i32
      %add3A_774 = vector.broadcast %add3A_773 : i32 to vector<16xi32>
      %add3A_775 = arith.addi %mul3A_772, %add3A_774 : vector<16xi32>
      %gather3A_776 = tpu.vector_load_idx %arg8[%broadcast_in_dim3A_769, %add3A_775] : memref<2x640xi32, #tpu.memory_space<vmem>>[vector<16xi32>, vector<16xi32>], vector<16xi32>,
      %broadcast_in_dim3A_777 = arith.constant 0 : i32
      %broadcast_in_dim3A_778 = vector.broadcast %broadcast_in_dim3A_777 : i32 to vector<16xi32>
      %broadcast_in_dim3A_779 = arith.constant 1 : i32
      %broadcast_in_dim3A_780 = vector.broadcast %broadcast_in_dim3A_779 : i32 to vector<16xi32>
      tpu.vector_store_idx %arg9[%broadcast_in_dim3A_778, %broadcast_in_dim3A_780, %add3A_756], %gather3A_776 : memref<2x5x128xi32, #tpu.memory_space<vmem>>[vector<16xi32>, vector<16xi32>, vector<16xi32>], vector<16xi32>,
      %broadcast_in_dim3A_781 = arith.constant 0 : i32
      %broadcast_in_dim3A_782 = vector.broadcast %broadcast_in_dim3A_781 : i32 to vector<16xi32>
      %mul3A_783 = arith.constant 5 : i32
      %mul3A_784 = vector.broadcast %mul3A_783 : i32 to vector<16xi32>
      %mul3A_785 = arith.muli %add3A_756, %mul3A_784 : vector<16xi32>
      %add3A_786 = arith.constant 2 : i32
      %add3A_787 = vector.broadcast %add3A_786 : i32 to vector<16xi32>
      %add3A_788 = arith.addi %mul3A_785, %add3A_787 : vector<16xi32>
      %gather3A_789 = tpu.vector_load_idx %arg8[%broadcast_in_dim3A_782, %add3A_788] : memref<2x640xi32, #tpu.memory_space<vmem>>[vector<16xi32>, vector<16xi32>], vector<16xi32>,
      %broadcast_in_dim3A_790 = arith.constant 0 : i32
      %broadcast_in_dim3A_791 = vector.broadcast %broadcast_in_dim3A_790 : i32 to vector<16xi32>
      %broadcast_in_dim3A_792 = arith.constant 2 : i32
      %broadcast_in_dim3A_793 = vector.broadcast %broadcast_in_dim3A_792 : i32 to vector<16xi32>
      tpu.vector_store_idx %arg9[%broadcast_in_dim3A_791, %broadcast_in_dim3A_793, %add3A_756], %gather3A_789 : memref<2x5x128xi32, #tpu.memory_space<vmem>>[vector<16xi32>, vector<16xi32>, vector<16xi32>], vector<16xi32>,
      %broadcast_in_dim3A_794 = arith.constant 0 : i32
      %broadcast_in_dim3A_795 = vector.broadcast %broadcast_in_dim3A_794 : i32 to vector<16xi32>
      %mul3A_796 = arith.constant 5 : i32
      %mul3A_797 = vector.broadcast %mul3A_796 : i32 to vector<16xi32>
      %mul3A_798 = arith.muli %add3A_756, %mul3A_797 : vector<16xi32>
      %add3A_799 = arith.constant 3 : i32
      %add3A_800 = vector.broadcast %add3A_799 : i32 to vector<16xi32>
      %add3A_801 = arith.addi %mul3A_798, %add3A_800 : vector<16xi32>
      %gather3A_802 = tpu.vector_load_idx %arg8[%broadcast_in_dim3A_795, %add3A_801] : memref<2x640xi32, #tpu.memory_space<vmem>>[vector<16xi32>, vector<16xi32>], vector<16xi32>,
      %broadcast_in_dim3A_803 = arith.constant 0 : i32
      %broadcast_in_dim3A_804 = vector.broadcast %broadcast_in_dim3A_803 : i32 to vector<16xi32>
      %broadcast_in_dim3A_805 = arith.constant 3 : i32
      %broadcast_in_dim3A_806 = vector.broadcast %broadcast_in_dim3A_805 : i32 to vector<16xi32>
      tpu.vector_store_idx %arg9[%broadcast_in_dim3A_804, %broadcast_in_dim3A_806, %add3A_756], %gather3A_802 : memref<2x5x128xi32, #tpu.memory_space<vmem>>[vector<16xi32>, vector<16xi32>, vector<16xi32>], vector<16xi32>,
      %broadcast_in_dim3A_807 = arith.constant 0 : i32
      %broadcast_in_dim3A_808 = vector.broadcast %broadcast_in_dim3A_807 : i32 to vector<16xi32>
      %mul3A_809 = arith.constant 5 : i32
      %mul3A_810 = vector.broadcast %mul3A_809 : i32 to vector<16xi32>
      %mul3A_811 = arith.muli %add3A_756, %mul3A_810 : vector<16xi32>
      %add3A_812 = arith.constant 4 : i32
      %add3A_813 = vector.broadcast %add3A_812 : i32 to vector<16xi32>
      %add3A_814 = arith.addi %mul3A_811, %add3A_813 : vector<16xi32>
      %gather3A_815 = tpu.vector_load_idx %arg8[%broadcast_in_dim3A_808, %add3A_814] : memref<2x640xi32, #tpu.memory_space<vmem>>[vector<16xi32>, vector<16xi32>], vector<16xi32>,
      %broadcast_in_dim3A_816 = arith.constant 0 : i32
      %broadcast_in_dim3A_817 = vector.broadcast %broadcast_in_dim3A_816 : i32 to vector<16xi32>
      %broadcast_in_dim3A_818 = arith.constant 4 : i32
      %broadcast_in_dim3A_819 = vector.broadcast %broadcast_in_dim3A_818 : i32 to vector<16xi32>
      tpu.vector_store_idx %arg9[%broadcast_in_dim3A_817, %broadcast_in_dim3A_819, %add3A_756], %gather3A_815 : memref<2x5x128xi32, #tpu.memory_space<vmem>>[vector<16xi32>, vector<16xi32>, vector<16xi32>], vector<16xi32>,
      %scan3A_820 = arith.constant 0 : i32
      scf.yield %scan3A_820 : i32
    }
    %scan3A_13 = arith.constant 8 : i32
    %dma_start3A = arith.constant 0 : i32
    %dma_start3A_14 = arith.constant 0 : i32
    %dma_start3A_15 = arith.constant 0 : i32
    %dma_start3A_16 = arith.constant 0 : i32
    %dma_start3A_17 = tpu.memref_slice %arg10[%dma_start3A_14, %dma_start3A_15, %dma_start3A_16] : memref<2x128x64xf32, #tpu.memory_space<vmem>> -> memref<1x128x64xf32, #tpu.memory_space<vmem>>
    %dma_start3A_18 = tpu.memref_squeeze %dma_start3A_17 : memref<1x128x64xf32, #tpu.memory_space<vmem>> -> memref<128x64xf32, #tpu.memory_space<vmem>>
    %dma_start3A_19 = arith.constant 0 : i32
    %dma_start3A_20 = tpu.memref_slice %arg7[%dma_start3A, %dma_start3A_19] : memref<2x128xi32, #tpu.memory_space<vmem>> -> memref<1x128xi32, #tpu.memory_space<vmem>>
    %dma_start3A_21 = tpu.memref_squeeze %dma_start3A_20 : memref<1x128xi32, #tpu.memory_space<vmem>> -> memref<128xi32, #tpu.memory_space<vmem>>
    %dma_start3A_22 = arith.constant 0 : i32
    %dma_start3A_23 = arith.constant 0 : i32
    %dma_start3A_24 = tpu.memref_slice %arg4[%dma_start3A_22, %dma_start3A_23] : memref<1000000x64xf32, #tpu.memory_space<hbm>> -> memref<1000000x64xf32, #tpu.memory_space<hbm>>
    tpu.enqueue_indirect_dma source(%dma_start3A_24 : memref<1000000x64xf32, #tpu.memory_space<hbm>>) target(%dma_start3A_18 : memref<128x64xf32, #tpu.memory_space<vmem>>) offsets(%dma_start3A_21 : memref<128xi32, #tpu.memory_space<vmem>>) semaphore(%arg13 : memref<!tpu.dma_semaphore, #tpu.memory_space<semaphore_mem>>)
    %dma_start3A_25 = arith.constant 0 : i32
    %dma_start3A_26 = arith.constant 0 : i32
    %dma_start3A_27 = arith.constant 0 : i32
    %dma_start3A_28 = arith.constant 0 : i32
    %dma_start3A_29 = arith.constant 0 : i32
    %dma_start3A_30 = arith.constant 0 : i32
    %dma_start3A_31 = tpu.memref_slice %arg11[%dma_start3A_27, %dma_start3A_28, %dma_start3A_29, %dma_start3A_30] : memref<2x5x128x64xf32, #tpu.memory_space<vmem>> -> memref<1x1x128x64xf32, #tpu.memory_space<vmem>>
    %dma_start3A_32 = tpu.memref_squeeze %dma_start3A_31 : memref<1x1x128x64xf32, #tpu.memory_space<vmem>> -> memref<128x64xf32, #tpu.memory_space<vmem>>
    %dma_start3A_33 = arith.constant 0 : i32
    %dma_start3A_34 = tpu.memref_slice %arg9[%dma_start3A_25, %dma_start3A_26, %dma_start3A_33] : memref<2x5x128xi32, #tpu.memory_space<vmem>> -> memref<1x1x128xi32, #tpu.memory_space<vmem>>
    %dma_start3A_35 = tpu.memref_squeeze %dma_start3A_34 : memref<1x1x128xi32, #tpu.memory_space<vmem>> -> memref<128xi32, #tpu.memory_space<vmem>>
    %dma_start3A_36 = arith.constant 0 : i32
    %dma_start3A_37 = arith.constant 0 : i32
    %dma_start3A_38 = tpu.memref_slice %arg5[%dma_start3A_36, %dma_start3A_37] : memref<1000000x64xf32, #tpu.memory_space<hbm>> -> memref<1000000x64xf32, #tpu.memory_space<hbm>>
    tpu.enqueue_indirect_dma source(%dma_start3A_38 : memref<1000000x64xf32, #tpu.memory_space<hbm>>) target(%dma_start3A_32 : memref<128x64xf32, #tpu.memory_space<vmem>>) offsets(%dma_start3A_35 : memref<128xi32, #tpu.memory_space<vmem>>) semaphore(%arg13 : memref<!tpu.dma_semaphore, #tpu.memory_space<semaphore_mem>>)
    %dma_start3A_39 = arith.constant 0 : i32
    %dma_start3A_40 = arith.constant 1 : i32
    %dma_start3A_41 = arith.constant 0 : i32
    %dma_start3A_42 = arith.constant 1 : i32
    %dma_start3A_43 = arith.constant 0 : i32
    %dma_start3A_44 = arith.constant 0 : i32
    %dma_start3A_45 = tpu.memref_slice %arg11[%dma_start3A_41, %dma_start3A_42, %dma_start3A_43, %dma_start3A_44] : memref<2x5x128x64xf32, #tpu.memory_space<vmem>> -> memref<1x1x128x64xf32, #tpu.memory_space<vmem>>
    %dma_start3A_46 = tpu.memref_squeeze %dma_start3A_45 : memref<1x1x128x64xf32, #tpu.memory_space<vmem>> -> memref<128x64xf32, #tpu.memory_space<vmem>>
    %dma_start3A_47 = arith.constant 0 : i32
    %dma_start3A_48 = tpu.memref_slice %arg9[%dma_start3A_39, %dma_start3A_40, %dma_start3A_47] : memref<2x5x128xi32, #tpu.memory_space<vmem>> -> memref<1x1x128xi32, #tpu.memory_space<vmem>>
    %dma_start3A_49 = tpu.memref_squeeze %dma_start3A_48 : memref<1x1x128xi32, #tpu.memory_space<vmem>> -> memref<128xi32, #tpu.memory_space<vmem>>
    %dma_start3A_50 = arith.constant 0 : i32
    %dma_start3A_51 = arith.constant 0 : i32
    %dma_start3A_52 = tpu.memref_slice %arg5[%dma_start3A_50, %dma_start3A_51] : memref<1000000x64xf32, #tpu.memory_space<hbm>> -> memref<1000000x64xf32, #tpu.memory_space<hbm>>
    tpu.enqueue_indirect_dma source(%dma_start3A_52 : memref<1000000x64xf32, #tpu.memory_space<hbm>>) target(%dma_start3A_46 : memref<128x64xf32, #tpu.memory_space<vmem>>) offsets(%dma_start3A_49 : memref<128xi32, #tpu.memory_space<vmem>>) semaphore(%arg13 : memref<!tpu.dma_semaphore, #tpu.memory_space<semaphore_mem>>)
    %dma_start3A_53 = arith.constant 0 : i32
    %dma_start3A_54 = arith.constant 2 : i32
    %dma_start3A_55 = arith.constant 0 : i32
    %dma_start3A_56 = arith.constant 2 : i32
    %dma_start3A_57 = arith.constant 0 : i32
    %dma_start3A_58 = arith.constant 0 : i32
    %dma_start3A_59 = tpu.memref_slice %arg11[%dma_start3A_55, %dma_start3A_56, %dma_start3A_57, %dma_start3A_58] : memref<2x5x128x64xf32, #tpu.memory_space<vmem>> -> memref<1x1x128x64xf32, #tpu.memory_space<vmem>>
    %dma_start3A_60 = tpu.memref_squeeze %dma_start3A_59 : memref<1x1x128x64xf32, #tpu.memory_space<vmem>> -> memref<128x64xf32, #tpu.memory_space<vmem>>
    %dma_start3A_61 = arith.constant 0 : i32
    %dma_start3A_62 = tpu.memref_slice %arg9[%dma_start3A_53, %dma_start3A_54, %dma_start3A_61] : memref<2x5x128xi32, #tpu.memory_space<vmem>> -> memref<1x1x128xi32, #tpu.memory_space<vmem>>
    %dma_start3A_63 = tpu.memref_squeeze %dma_start3A_62 : memref<1x1x128xi32, #tpu.memory_space<vmem>> -> memref<128xi32, #tpu.memory_space<vmem>>
    %dma_start3A_64 = arith.constant 0 : i32
    %dma_start3A_65 = arith.constant 0 : i32
    %dma_start3A_66 = tpu.memref_slice %arg5[%dma_start3A_64, %dma_start3A_65] : memref<1000000x64xf32, #tpu.memory_space<hbm>> -> memref<1000000x64xf32, #tpu.memory_space<hbm>>
    tpu.enqueue_indirect_dma source(%dma_start3A_66 : memref<1000000x64xf32, #tpu.memory_space<hbm>>) target(%dma_start3A_60 : memref<128x64xf32, #tpu.memory_space<vmem>>) offsets(%dma_start3A_63 : memref<128xi32, #tpu.memory_space<vmem>>) semaphore(%arg13 : memref<!tpu.dma_semaphore, #tpu.memory_space<semaphore_mem>>)
    %dma_start3A_67 = arith.constant 0 : i32
    %dma_start3A_68 = arith.constant 3 : i32
    %dma_start3A_69 = arith.constant 0 : i32
    %dma_start3A_70 = arith.constant 3 : i32
    %dma_start3A_71 = arith.constant 0 : i32
    %dma_start3A_72 = arith.constant 0 : i32
    %dma_start3A_73 = tpu.memref_slice %arg11[%dma_start3A_69, %dma_start3A_70, %dma_start3A_71, %dma_start3A_72] : memref<2x5x128x64xf32, #tpu.memory_space<vmem>> -> memref<1x1x128x64xf32, #tpu.memory_space<vmem>>
    %dma_start3A_74 = tpu.memref_squeeze %dma_start3A_73 : memref<1x1x128x64xf32, #tpu.memory_space<vmem>> -> memref<128x64xf32, #tpu.memory_space<vmem>>
    %dma_start3A_75 = arith.constant 0 : i32
    %dma_start3A_76 = tpu.memref_slice %arg9[%dma_start3A_67, %dma_start3A_68, %dma_start3A_75] : memref<2x5x128xi32, #tpu.memory_space<vmem>> -> memref<1x1x128xi32, #tpu.memory_space<vmem>>
    %dma_start3A_77 = tpu.memref_squeeze %dma_start3A_76 : memref<1x1x128xi32, #tpu.memory_space<vmem>> -> memref<128xi32, #tpu.memory_space<vmem>>
    %dma_start3A_78 = arith.constant 0 : i32
    %dma_start3A_79 = arith.constant 0 : i32
    %dma_start3A_80 = tpu.memref_slice %arg5[%dma_start3A_78, %dma_start3A_79] : memref<1000000x64xf32, #tpu.memory_space<hbm>> -> memref<1000000x64xf32, #tpu.memory_space<hbm>>
    tpu.enqueue_indirect_dma source(%dma_start3A_80 : memref<1000000x64xf32, #tpu.memory_space<hbm>>) target(%dma_start3A_74 : memref<128x64xf32, #tpu.memory_space<vmem>>) offsets(%dma_start3A_77 : memref<128xi32, #tpu.memory_space<vmem>>) semaphore(%arg13 : memref<!tpu.dma_semaphore, #tpu.memory_space<semaphore_mem>>)
    %dma_start3A_81 = arith.constant 0 : i32
    %dma_start3A_82 = arith.constant 4 : i32
    %dma_start3A_83 = arith.constant 0 : i32
    %dma_start3A_84 = arith.constant 4 : i32
    %dma_start3A_85 = arith.constant 0 : i32
    %dma_start3A_86 = arith.constant 0 : i32
    %dma_start3A_87 = tpu.memref_slice %arg11[%dma_start3A_83, %dma_start3A_84, %dma_start3A_85, %dma_start3A_86] : memref<2x5x128x64xf32, #tpu.memory_space<vmem>> -> memref<1x1x128x64xf32, #tpu.memory_space<vmem>>
    %dma_start3A_88 = tpu.memref_squeeze %dma_start3A_87 : memref<1x1x128x64xf32, #tpu.memory_space<vmem>> -> memref<128x64xf32, #tpu.memory_space<vmem>>
    %dma_start3A_89 = arith.constant 0 : i32
    %dma_start3A_90 = tpu.memref_slice %arg9[%dma_start3A_81, %dma_start3A_82, %dma_start3A_89] : memref<2x5x128xi32, #tpu.memory_space<vmem>> -> memref<1x1x128xi32, #tpu.memory_space<vmem>>
    %dma_start3A_91 = tpu.memref_squeeze %dma_start3A_90 : memref<1x1x128xi32, #tpu.memory_space<vmem>> -> memref<128xi32, #tpu.memory_space<vmem>>
    %dma_start3A_92 = arith.constant 0 : i32
    %dma_start3A_93 = arith.constant 0 : i32
    %dma_start3A_94 = tpu.memref_slice %arg5[%dma_start3A_92, %dma_start3A_93] : memref<1000000x64xf32, #tpu.memory_space<hbm>> -> memref<1000000x64xf32, #tpu.memory_space<hbm>>
    tpu.enqueue_indirect_dma source(%dma_start3A_94 : memref<1000000x64xf32, #tpu.memory_space<hbm>>) target(%dma_start3A_88 : memref<128x64xf32, #tpu.memory_space<vmem>>) offsets(%dma_start3A_91 : memref<128xi32, #tpu.memory_space<vmem>>) semaphore(%arg13 : memref<!tpu.dma_semaphore, #tpu.memory_space<semaphore_mem>>)
    %add3A_95 = arith.constant 128 : i32
    %add3A_96 = arith.addi %mul3A_2, %add3A_95 : i32
    %run_scoped3A_97 = arith.constant 1 : i32
    "tpu.region"() ({
      %run_scoped3A_751 = tpu.sem_alloc : memref<!tpu.dma_semaphore, #tpu.memory_space<semaphore_mem>>
      %dma_start3A_752 = arith.constant 0 : i32
      %dma_start3A_753 = tpu.memref_slice %arg7[%run_scoped3A_97, %dma_start3A_752] : memref<2x128xi32, #tpu.memory_space<vmem>> -> memref<1x128xi32, #tpu.memory_space<vmem>>
      %dma_start3A_754 = tpu.memref_squeeze %dma_start3A_753 : memref<1x128xi32, #tpu.memory_space<vmem>> -> memref<128xi32, #tpu.memory_space<vmem>>
      %dma_start3A_755 = tpu.memref_slice %arg2[%add3A_96] : memref<16384xi32, #tpu.memory_space<hbm>> -> memref<128xi32, #tpu.memory_space<hbm>>
      %dma_start3A_756 = arith.constant 0 : i32
      %dma_start3A_757 = tpu.memref_slice %arg7[%run_scoped3A_97, %dma_start3A_756] : memref<2x128xi32, #tpu.memory_space<vmem>> -> memref<1x128xi32, #tpu.memory_space<vmem>>
      %dma_start3A_758 = tpu.memref_squeeze %dma_start3A_757 : memref<1x128xi32, #tpu.memory_space<vmem>> -> memref<128xi32, #tpu.memory_space<vmem>>
      %dma_start3A_759 = tpu.memref_slice %arg2[%add3A_96] : memref<16384xi32, #tpu.memory_space<hbm>> -> memref<128xi32, #tpu.memory_space<hbm>>
      tpu.enqueue_dma source(%dma_start3A_759 : memref<128xi32, #tpu.memory_space<hbm>>) target(%dma_start3A_758 : memref<128xi32, #tpu.memory_space<vmem>>) target_semaphore(%run_scoped3A_751 : memref<!tpu.dma_semaphore, #tpu.memory_space<semaphore_mem>>)
      %dma_wait3A_760 = arith.constant 0 : i32
      %dma_wait3A_761 = tpu.memref_slice %arg7[%run_scoped3A_97, %dma_wait3A_760] : memref<2x128xi32, #tpu.memory_space<vmem>> -> memref<1x128xi32, #tpu.memory_space<vmem>>
      %dma_wait3A_762 = tpu.memref_squeeze %dma_wait3A_761 : memref<1x128xi32, #tpu.memory_space<vmem>> -> memref<128xi32, #tpu.memory_space<vmem>>
      %dma_wait3A_763 = tpu.memref_slice %arg2[%add3A_96] : memref<16384xi32, #tpu.memory_space<hbm>> -> memref<128xi32, #tpu.memory_space<hbm>>
      %dma_wait3A_764 = arith.constant 0 : i32
      %dma_wait3A_765 = tpu.memref_slice %arg7[%run_scoped3A_97, %dma_wait3A_764] : memref<2x128xi32, #tpu.memory_space<vmem>> -> memref<1x128xi32, #tpu.memory_space<vmem>>
      %dma_wait3A_766 = tpu.memref_squeeze %dma_wait3A_765 : memref<1x128xi32, #tpu.memory_space<vmem>> -> memref<128xi32, #tpu.memory_space<vmem>>
      %dma_wait3A_767 = tpu.memref_slice %arg2[%add3A_96] : memref<16384xi32, #tpu.memory_space<hbm>> -> memref<128xi32, #tpu.memory_space<hbm>>
      tpu.wait_dma2 semaphore(%run_scoped3A_751 : memref<!tpu.dma_semaphore, #tpu.memory_space<semaphore_mem>>) src(%dma_wait3A_767 : memref<128xi32, #tpu.memory_space<hbm>>) dst(%dma_wait3A_766 : memref<128xi32, #tpu.memory_space<vmem>>)
      tpu.yield
    }) : () -> ()
    %mul3A_98 = arith.constant 5 : i32
    %mul3A_99 = arith.muli %add3A_96, %mul3A_98 : i32
    %run_scoped3A_100 = arith.constant 1 : i32
    "tpu.region"() ({
      %run_scoped3A_751 = tpu.sem_alloc : memref<!tpu.dma_semaphore, #tpu.memory_space<semaphore_mem>>
      %dma_start3A_752 = arith.constant 0 : i32
      %dma_start3A_753 = tpu.memref_slice %arg8[%run_scoped3A_100, %dma_start3A_752] : memref<2x640xi32, #tpu.memory_space<vmem>> -> memref<1x640xi32, #tpu.memory_space<vmem>>
      %dma_start3A_754 = tpu.memref_squeeze %dma_start3A_753 : memref<1x640xi32, #tpu.memory_space<vmem>> -> memref<640xi32, #tpu.memory_space<vmem>>
      %dma_start3A_755 = tpu.memref_slice %arg3[%mul3A_99] : memref<81920xi32, #tpu.memory_space<hbm>> -> memref<640xi32, #tpu.memory_space<hbm>>
      %dma_start3A_756 = arith.constant 0 : i32
      %dma_start3A_757 = tpu.memref_slice %arg8[%run_scoped3A_100, %dma_start3A_756] : memref<2x640xi32, #tpu.memory_space<vmem>> -> memref<1x640xi32, #tpu.memory_space<vmem>>
      %dma_start3A_758 = tpu.memref_squeeze %dma_start3A_757 : memref<1x640xi32, #tpu.memory_space<vmem>> -> memref<640xi32, #tpu.memory_space<vmem>>
      %dma_start3A_759 = tpu.memref_slice %arg3[%mul3A_99] : memref<81920xi32, #tpu.memory_space<hbm>> -> memref<640xi32, #tpu.memory_space<hbm>>
      tpu.enqueue_dma source(%dma_start3A_759 : memref<640xi32, #tpu.memory_space<hbm>>) target(%dma_start3A_758 : memref<640xi32, #tpu.memory_space<vmem>>) target_semaphore(%run_scoped3A_751 : memref<!tpu.dma_semaphore, #tpu.memory_space<semaphore_mem>>)
      %dma_wait3A_760 = arith.constant 0 : i32
      %dma_wait3A_761 = tpu.memref_slice %arg8[%run_scoped3A_100, %dma_wait3A_760] : memref<2x640xi32, #tpu.memory_space<vmem>> -> memref<1x640xi32, #tpu.memory_space<vmem>>
      %dma_wait3A_762 = tpu.memref_squeeze %dma_wait3A_761 : memref<1x640xi32, #tpu.memory_space<vmem>> -> memref<640xi32, #tpu.memory_space<vmem>>
      %dma_wait3A_763 = tpu.memref_slice %arg3[%mul3A_99] : memref<81920xi32, #tpu.memory_space<hbm>> -> memref<640xi32, #tpu.memory_space<hbm>>
      %dma_wait3A_764 = arith.constant 0 : i32
      %dma_wait3A_765 = tpu.memref_slice %arg8[%run_scoped3A_100, %dma_wait3A_764] : memref<2x640xi32, #tpu.memory_space<vmem>> -> memref<1x640xi32, #tpu.memory_space<vmem>>
      %dma_wait3A_766 = tpu.memref_squeeze %dma_wait3A_765 : memref<1x640xi32, #tpu.memory_space<vmem>> -> memref<640xi32, #tpu.memory_space<vmem>>
      %dma_wait3A_767 = tpu.memref_slice %arg3[%mul3A_99] : memref<81920xi32, #tpu.memory_space<hbm>> -> memref<640xi32, #tpu.memory_space<hbm>>
      tpu.wait_dma2 semaphore(%run_scoped3A_751 : memref<!tpu.dma_semaphore, #tpu.memory_space<semaphore_mem>>) src(%dma_wait3A_767 : memref<640xi32, #tpu.memory_space<hbm>>) dst(%dma_wait3A_766 : memref<640xi32, #tpu.memory_space<vmem>>)
      tpu.yield
    }) : () -> ()
    %scan3A_101 = arith.constant 0 : i32
    %scan3A_102 = arith.constant 0 : i32
    %scan3A_103 = arith.constant 8 : i32
    %scan3A_104 = arith.addi %scan3A_102, %scan3A_103 : i32
    %scan3A_105 = arith.constant 1 : i32
    %scan3A_106 = scf.for %scan3A_751 = %scan3A_102 to %scan3A_104 step %scan3A_105 iter_args(%scan3A_752 = %scan3A_101) -> (i32)  : i32 {
      %mul3A_753 = arith.constant 16 : i32
      %mul3A_754 = arith.muli %scan3A_751, %mul3A_753 : i32
      %add3A_755 = vector.broadcast %mul3A_754 : i32 to vector<16xi32>
      %add3A_756 = arith.addi %add3A_755, %iota3A : vector<16xi32>
      %broadcast_in_dim3A = arith.constant 1 : i32
      %broadcast_in_dim3A_757 = vector.broadcast %broadcast_in_dim3A : i32 to vector<16xi32>
      %mul3A_758 = arith.constant 5 : i32
      %mul3A_759 = vector.broadcast %mul3A_758 : i32 to vector<16xi32>
      %mul3A_760 = arith.muli %add3A_756, %mul3A_759 : vector<16xi32>
      %add3A_761 = arith.constant 0 : i32
      %add3A_762 = vector.broadcast %add3A_761 : i32 to vector<16xi32>
      %add3A_763 = arith.addi %mul3A_760, %add3A_762 : vector<16xi32>
      %gather3A = tpu.vector_load_idx %arg8[%broadcast_in_dim3A_757, %add3A_763] : memref<2x640xi32, #tpu.memory_space<vmem>>[vector<16xi32>, vector<16xi32>], vector<16xi32>,
      %broadcast_in_dim3A_764 = arith.constant 1 : i32
      %broadcast_in_dim3A_765 = vector.broadcast %broadcast_in_dim3A_764 : i32 to vector<16xi32>
      %broadcast_in_dim3A_766 = arith.constant 0 : i32
      %broadcast_in_dim3A_767 = vector.broadcast %broadcast_in_dim3A_766 : i32 to vector<16xi32>
      tpu.vector_store_idx %arg9[%broadcast_in_dim3A_765, %broadcast_in_dim3A_767, %add3A_756], %gather3A : memref<2x5x128xi32, #tpu.memory_space<vmem>>[vector<16xi32>, vector<16xi32>, vector<16xi32>], vector<16xi32>,
      %broadcast_in_dim3A_768 = arith.constant 1 : i32
      %broadcast_in_dim3A_769 = vector.broadcast %broadcast_in_dim3A_768 : i32 to vector<16xi32>
      %mul3A_770 = arith.constant 5 : i32
      %mul3A_771 = vector.broadcast %mul3A_770 : i32 to vector<16xi32>
      %mul3A_772 = arith.muli %add3A_756, %mul3A_771 : vector<16xi32>
      %add3A_773 = arith.constant 1 : i32
      %add3A_774 = vector.broadcast %add3A_773 : i32 to vector<16xi32>
      %add3A_775 = arith.addi %mul3A_772, %add3A_774 : vector<16xi32>
      %gather3A_776 = tpu.vector_load_idx %arg8[%broadcast_in_dim3A_769, %add3A_775] : memref<2x640xi32, #tpu.memory_space<vmem>>[vector<16xi32>, vector<16xi32>], vector<16xi32>,
      %broadcast_in_dim3A_777 = arith.constant 1 : i32
      %broadcast_in_dim3A_778 = vector.broadcast %broadcast_in_dim3A_777 : i32 to vector<16xi32>
      %broadcast_in_dim3A_779 = arith.constant 1 : i32
      %broadcast_in_dim3A_780 = vector.broadcast %broadcast_in_dim3A_779 : i32 to vector<16xi32>
      tpu.vector_store_idx %arg9[%broadcast_in_dim3A_778, %broadcast_in_dim3A_780, %add3A_756], %gather3A_776 : memref<2x5x128xi32, #tpu.memory_space<vmem>>[vector<16xi32>, vector<16xi32>, vector<16xi32>], vector<16xi32>,
      %broadcast_in_dim3A_781 = arith.constant 1 : i32
      %broadcast_in_dim3A_782 = vector.broadcast %broadcast_in_dim3A_781 : i32 to vector<16xi32>
      %mul3A_783 = arith.constant 5 : i32
      %mul3A_784 = vector.broadcast %mul3A_783 : i32 to vector<16xi32>
      %mul3A_785 = arith.muli %add3A_756, %mul3A_784 : vector<16xi32>
      %add3A_786 = arith.constant 2 : i32
      %add3A_787 = vector.broadcast %add3A_786 : i32 to vector<16xi32>
      %add3A_788 = arith.addi %mul3A_785, %add3A_787 : vector<16xi32>
      %gather3A_789 = tpu.vector_load_idx %arg8[%broadcast_in_dim3A_782, %add3A_788] : memref<2x640xi32, #tpu.memory_space<vmem>>[vector<16xi32>, vector<16xi32>], vector<16xi32>,
      %broadcast_in_dim3A_790 = arith.constant 1 : i32
      %broadcast_in_dim3A_791 = vector.broadcast %broadcast_in_dim3A_790 : i32 to vector<16xi32>
      %broadcast_in_dim3A_792 = arith.constant 2 : i32
      %broadcast_in_dim3A_793 = vector.broadcast %broadcast_in_dim3A_792 : i32 to vector<16xi32>
      tpu.vector_store_idx %arg9[%broadcast_in_dim3A_791, %broadcast_in_dim3A_793, %add3A_756], %gather3A_789 : memref<2x5x128xi32, #tpu.memory_space<vmem>>[vector<16xi32>, vector<16xi32>, vector<16xi32>], vector<16xi32>,
      %broadcast_in_dim3A_794 = arith.constant 1 : i32
      %broadcast_in_dim3A_795 = vector.broadcast %broadcast_in_dim3A_794 : i32 to vector<16xi32>
      %mul3A_796 = arith.constant 5 : i32
      %mul3A_797 = vector.broadcast %mul3A_796 : i32 to vector<16xi32>
      %mul3A_798 = arith.muli %add3A_756, %mul3A_797 : vector<16xi32>
      %add3A_799 = arith.constant 3 : i32
      %add3A_800 = vector.broadcast %add3A_799 : i32 to vector<16xi32>
      %add3A_801 = arith.addi %mul3A_798, %add3A_800 : vector<16xi32>
      %gather3A_802 = tpu.vector_load_idx %arg8[%broadcast_in_dim3A_795, %add3A_801] : memref<2x640xi32, #tpu.memory_space<vmem>>[vector<16xi32>, vector<16xi32>], vector<16xi32>,
      %broadcast_in_dim3A_803 = arith.constant 1 : i32
      %broadcast_in_dim3A_804 = vector.broadcast %broadcast_in_dim3A_803 : i32 to vector<16xi32>
      %broadcast_in_dim3A_805 = arith.constant 3 : i32
      %broadcast_in_dim3A_806 = vector.broadcast %broadcast_in_dim3A_805 : i32 to vector<16xi32>
      tpu.vector_store_idx %arg9[%broadcast_in_dim3A_804, %broadcast_in_dim3A_806, %add3A_756], %gather3A_802 : memref<2x5x128xi32, #tpu.memory_space<vmem>>[vector<16xi32>, vector<16xi32>, vector<16xi32>], vector<16xi32>,
      %broadcast_in_dim3A_807 = arith.constant 1 : i32
      %broadcast_in_dim3A_808 = vector.broadcast %broadcast_in_dim3A_807 : i32 to vector<16xi32>
      %mul3A_809 = arith.constant 5 : i32
      %mul3A_810 = vector.broadcast %mul3A_809 : i32 to vector<16xi32>
      %mul3A_811 = arith.muli %add3A_756, %mul3A_810 : vector<16xi32>
      %add3A_812 = arith.constant 4 : i32
      %add3A_813 = vector.broadcast %add3A_812 : i32 to vector<16xi32>
      %add3A_814 = arith.addi %mul3A_811, %add3A_813 : vector<16xi32>
      %gather3A_815 = tpu.vector_load_idx %arg8[%broadcast_in_dim3A_808, %add3A_814] : memref<2x640xi32, #tpu.memory_space<vmem>>[vector<16xi32>, vector<16xi32>], vector<16xi32>,
      %broadcast_in_dim3A_816 = arith.constant 1 : i32
      %broadcast_in_dim3A_817 = vector.broadcast %broadcast_in_dim3A_816 : i32 to vector<16xi32>
      %broadcast_in_dim3A_818 = arith.constant 4 : i32
      %broadcast_in_dim3A_819 = vector.broadcast %broadcast_in_dim3A_818 : i32 to vector<16xi32>
      tpu.vector_store_idx %arg9[%broadcast_in_dim3A_817, %broadcast_in_dim3A_819, %add3A_756], %gather3A_815 : memref<2x5x128xi32, #tpu.memory_space<vmem>>[vector<16xi32>, vector<16xi32>, vector<16xi32>], vector<16xi32>,
      %scan3A_820 = arith.constant 0 : i32
      scf.yield %scan3A_820 : i32
    }
    %scan3A_107 = arith.constant 8 : i32
    %dma_start3A_108 = arith.constant 1 : i32
    %dma_start3A_109 = arith.constant 1 : i32
    %dma_start3A_110 = arith.constant 0 : i32
    %dma_start3A_111 = arith.constant 0 : i32
    %dma_start3A_112 = tpu.memref_slice %arg10[%dma_start3A_109, %dma_start3A_110, %dma_start3A_111] : memref<2x128x64xf32, #tpu.memory_space<vmem>> -> memref<1x128x64xf32, #tpu.memory_space<vmem>>
    %dma_start3A_113 = tpu.memref_squeeze %dma_start3A_112 : memref<1x128x64xf32, #tpu.memory_space<vmem>> -> memref<128x64xf32, #tpu.memory_space<vmem>>
    %dma_start3A_114 = arith.constant 0 : i32
    %dma_start3A_115 = tpu.memref_slice %arg7[%dma_start3A_108, %dma_start3A_114] : memref<2x128xi32, #tpu.memory_space<vmem>> -> memref<1x128xi32, #tpu.memory_space<vmem>>
    %dma_start3A_116 = tpu.memref_squeeze %dma_start3A_115 : memref<1x128xi32, #tpu.memory_space<vmem>> -> memref<128xi32, #tpu.memory_space<vmem>>
    %dma_start3A_117 = arith.constant 0 : i32
    %dma_start3A_118 = arith.constant 0 : i32
    %dma_start3A_119 = tpu.memref_slice %arg4[%dma_start3A_117, %dma_start3A_118] : memref<1000000x64xf32, #tpu.memory_space<hbm>> -> memref<1000000x64xf32, #tpu.memory_space<hbm>>
    tpu.enqueue_indirect_dma source(%dma_start3A_119 : memref<1000000x64xf32, #tpu.memory_space<hbm>>) target(%dma_start3A_113 : memref<128x64xf32, #tpu.memory_space<vmem>>) offsets(%dma_start3A_116 : memref<128xi32, #tpu.memory_space<vmem>>) semaphore(%arg14 : memref<!tpu.dma_semaphore, #tpu.memory_space<semaphore_mem>>)
    %dma_start3A_120 = arith.constant 1 : i32
    %dma_start3A_121 = arith.constant 0 : i32
    %dma_start3A_122 = arith.constant 1 : i32
    %dma_start3A_123 = arith.constant 0 : i32
    %dma_start3A_124 = arith.constant 0 : i32
    %dma_start3A_125 = arith.constant 0 : i32
    %dma_start3A_126 = tpu.memref_slice %arg11[%dma_start3A_122, %dma_start3A_123, %dma_start3A_124, %dma_start3A_125] : memref<2x5x128x64xf32, #tpu.memory_space<vmem>> -> memref<1x1x128x64xf32, #tpu.memory_space<vmem>>
    %dma_start3A_127 = tpu.memref_squeeze %dma_start3A_126 : memref<1x1x128x64xf32, #tpu.memory_space<vmem>> -> memref<128x64xf32, #tpu.memory_space<vmem>>
    %dma_start3A_128 = arith.constant 0 : i32
    %dma_start3A_129 = tpu.memref_slice %arg9[%dma_start3A_120, %dma_start3A_121, %dma_start3A_128] : memref<2x5x128xi32, #tpu.memory_space<vmem>> -> memref<1x1x128xi32, #tpu.memory_space<vmem>>
    %dma_start3A_130 = tpu.memref_squeeze %dma_start3A_129 : memref<1x1x128xi32, #tpu.memory_space<vmem>> -> memref<128xi32, #tpu.memory_space<vmem>>
    %dma_start3A_131 = arith.constant 0 : i32
    %dma_start3A_132 = arith.constant 0 : i32
    %dma_start3A_133 = tpu.memref_slice %arg5[%dma_start3A_131, %dma_start3A_132] : memref<1000000x64xf32, #tpu.memory_space<hbm>> -> memref<1000000x64xf32, #tpu.memory_space<hbm>>
    tpu.enqueue_indirect_dma source(%dma_start3A_133 : memref<1000000x64xf32, #tpu.memory_space<hbm>>) target(%dma_start3A_127 : memref<128x64xf32, #tpu.memory_space<vmem>>) offsets(%dma_start3A_130 : memref<128xi32, #tpu.memory_space<vmem>>) semaphore(%arg14 : memref<!tpu.dma_semaphore, #tpu.memory_space<semaphore_mem>>)
    %dma_start3A_134 = arith.constant 1 : i32
    %dma_start3A_135 = arith.constant 1 : i32
    %dma_start3A_136 = arith.constant 1 : i32
    %dma_start3A_137 = arith.constant 1 : i32
    %dma_start3A_138 = arith.constant 0 : i32
    %dma_start3A_139 = arith.constant 0 : i32
    %dma_start3A_140 = tpu.memref_slice %arg11[%dma_start3A_136, %dma_start3A_137, %dma_start3A_138, %dma_start3A_139] : memref<2x5x128x64xf32, #tpu.memory_space<vmem>> -> memref<1x1x128x64xf32, #tpu.memory_space<vmem>>
    %dma_start3A_141 = tpu.memref_squeeze %dma_start3A_140 : memref<1x1x128x64xf32, #tpu.memory_space<vmem>> -> memref<128x64xf32, #tpu.memory_space<vmem>>
    %dma_start3A_142 = arith.constant 0 : i32
    %dma_start3A_143 = tpu.memref_slice %arg9[%dma_start3A_134, %dma_start3A_135, %dma_start3A_142] : memref<2x5x128xi32, #tpu.memory_space<vmem>> -> memref<1x1x128xi32, #tpu.memory_space<vmem>>
    %dma_start3A_144 = tpu.memref_squeeze %dma_start3A_143 : memref<1x1x128xi32, #tpu.memory_space<vmem>> -> memref<128xi32, #tpu.memory_space<vmem>>
    %dma_start3A_145 = arith.constant 0 : i32
    %dma_start3A_146 = arith.constant 0 : i32
    %dma_start3A_147 = tpu.memref_slice %arg5[%dma_start3A_145, %dma_start3A_146] : memref<1000000x64xf32, #tpu.memory_space<hbm>> -> memref<1000000x64xf32, #tpu.memory_space<hbm>>
    tpu.enqueue_indirect_dma source(%dma_start3A_147 : memref<1000000x64xf32, #tpu.memory_space<hbm>>) target(%dma_start3A_141 : memref<128x64xf32, #tpu.memory_space<vmem>>) offsets(%dma_start3A_144 : memref<128xi32, #tpu.memory_space<vmem>>) semaphore(%arg14 : memref<!tpu.dma_semaphore, #tpu.memory_space<semaphore_mem>>)
    %dma_start3A_148 = arith.constant 1 : i32
    %dma_start3A_149 = arith.constant 2 : i32
    %dma_start3A_150 = arith.constant 1 : i32
    %dma_start3A_151 = arith.constant 2 : i32
    %dma_start3A_152 = arith.constant 0 : i32
    %dma_start3A_153 = arith.constant 0 : i32
    %dma_start3A_154 = tpu.memref_slice %arg11[%dma_start3A_150, %dma_start3A_151, %dma_start3A_152, %dma_start3A_153] : memref<2x5x128x64xf32, #tpu.memory_space<vmem>> -> memref<1x1x128x64xf32, #tpu.memory_space<vmem>>
    %dma_start3A_155 = tpu.memref_squeeze %dma_start3A_154 : memref<1x1x128x64xf32, #tpu.memory_space<vmem>> -> memref<128x64xf32, #tpu.memory_space<vmem>>
    %dma_start3A_156 = arith.constant 0 : i32
    %dma_start3A_157 = tpu.memref_slice %arg9[%dma_start3A_148, %dma_start3A_149, %dma_start3A_156] : memref<2x5x128xi32, #tpu.memory_space<vmem>> -> memref<1x1x128xi32, #tpu.memory_space<vmem>>
    %dma_start3A_158 = tpu.memref_squeeze %dma_start3A_157 : memref<1x1x128xi32, #tpu.memory_space<vmem>> -> memref<128xi32, #tpu.memory_space<vmem>>
    %dma_start3A_159 = arith.constant 0 : i32
    %dma_start3A_160 = arith.constant 0 : i32
    %dma_start3A_161 = tpu.memref_slice %arg5[%dma_start3A_159, %dma_start3A_160] : memref<1000000x64xf32, #tpu.memory_space<hbm>> -> memref<1000000x64xf32, #tpu.memory_space<hbm>>
    tpu.enqueue_indirect_dma source(%dma_start3A_161 : memref<1000000x64xf32, #tpu.memory_space<hbm>>) target(%dma_start3A_155 : memref<128x64xf32, #tpu.memory_space<vmem>>) offsets(%dma_start3A_158 : memref<128xi32, #tpu.memory_space<vmem>>) semaphore(%arg14 : memref<!tpu.dma_semaphore, #tpu.memory_space<semaphore_mem>>)
    %dma_start3A_162 = arith.constant 1 : i32
    %dma_start3A_163 = arith.constant 3 : i32
    %dma_start3A_164 = arith.constant 1 : i32
    %dma_start3A_165 = arith.constant 3 : i32
    %dma_start3A_166 = arith.constant 0 : i32
    %dma_start3A_167 = arith.constant 0 : i32
    %dma_start3A_168 = tpu.memref_slice %arg11[%dma_start3A_164, %dma_start3A_165, %dma_start3A_166, %dma_start3A_167] : memref<2x5x128x64xf32, #tpu.memory_space<vmem>> -> memref<1x1x128x64xf32, #tpu.memory_space<vmem>>
    %dma_start3A_169 = tpu.memref_squeeze %dma_start3A_168 : memref<1x1x128x64xf32, #tpu.memory_space<vmem>> -> memref<128x64xf32, #tpu.memory_space<vmem>>
    %dma_start3A_170 = arith.constant 0 : i32
    %dma_start3A_171 = tpu.memref_slice %arg9[%dma_start3A_162, %dma_start3A_163, %dma_start3A_170] : memref<2x5x128xi32, #tpu.memory_space<vmem>> -> memref<1x1x128xi32, #tpu.memory_space<vmem>>
    %dma_start3A_172 = tpu.memref_squeeze %dma_start3A_171 : memref<1x1x128xi32, #tpu.memory_space<vmem>> -> memref<128xi32, #tpu.memory_space<vmem>>
    %dma_start3A_173 = arith.constant 0 : i32
    %dma_start3A_174 = arith.constant 0 : i32
    %dma_start3A_175 = tpu.memref_slice %arg5[%dma_start3A_173, %dma_start3A_174] : memref<1000000x64xf32, #tpu.memory_space<hbm>> -> memref<1000000x64xf32, #tpu.memory_space<hbm>>
    tpu.enqueue_indirect_dma source(%dma_start3A_175 : memref<1000000x64xf32, #tpu.memory_space<hbm>>) target(%dma_start3A_169 : memref<128x64xf32, #tpu.memory_space<vmem>>) offsets(%dma_start3A_172 : memref<128xi32, #tpu.memory_space<vmem>>) semaphore(%arg14 : memref<!tpu.dma_semaphore, #tpu.memory_space<semaphore_mem>>)
    %dma_start3A_176 = arith.constant 1 : i32
    %dma_start3A_177 = arith.constant 4 : i32
    %dma_start3A_178 = arith.constant 1 : i32
    %dma_start3A_179 = arith.constant 4 : i32
    %dma_start3A_180 = arith.constant 0 : i32
    %dma_start3A_181 = arith.constant 0 : i32
    %dma_start3A_182 = tpu.memref_slice %arg11[%dma_start3A_178, %dma_start3A_179, %dma_start3A_180, %dma_start3A_181] : memref<2x5x128x64xf32, #tpu.memory_space<vmem>> -> memref<1x1x128x64xf32, #tpu.memory_space<vmem>>
    %dma_start3A_183 = tpu.memref_squeeze %dma_start3A_182 : memref<1x1x128x64xf32, #tpu.memory_space<vmem>> -> memref<128x64xf32, #tpu.memory_space<vmem>>
    %dma_start3A_184 = arith.constant 0 : i32
    %dma_start3A_185 = tpu.memref_slice %arg9[%dma_start3A_176, %dma_start3A_177, %dma_start3A_184] : memref<2x5x128xi32, #tpu.memory_space<vmem>> -> memref<1x1x128xi32, #tpu.memory_space<vmem>>
    %dma_start3A_186 = tpu.memref_squeeze %dma_start3A_185 : memref<1x1x128xi32, #tpu.memory_space<vmem>> -> memref<128xi32, #tpu.memory_space<vmem>>
    %dma_start3A_187 = arith.constant 0 : i32
    %dma_start3A_188 = arith.constant 0 : i32
    %dma_start3A_189 = tpu.memref_slice %arg5[%dma_start3A_187, %dma_start3A_188] : memref<1000000x64xf32, #tpu.memory_space<hbm>> -> memref<1000000x64xf32, #tpu.memory_space<hbm>>
    tpu.enqueue_indirect_dma source(%dma_start3A_189 : memref<1000000x64xf32, #tpu.memory_space<hbm>>) target(%dma_start3A_183 : memref<128x64xf32, #tpu.memory_space<vmem>>) offsets(%dma_start3A_186 : memref<128xi32, #tpu.memory_space<vmem>>) semaphore(%arg14 : memref<!tpu.dma_semaphore, #tpu.memory_space<semaphore_mem>>)
    %add3A_190 = arith.constant 0 : i32
    %add3A_191 = arith.addi %mul3A_2, %add3A_190 : i32
    %dma_wait3A = arith.constant 0 : i32
    %dma_wait3A_192 = arith.constant 0 : i32
    %dma_wait3A_193 = arith.constant 0 : i32
    %dma_wait3A_194 = arith.constant 0 : i32
    %dma_wait3A_195 = tpu.memref_slice %arg10[%dma_wait3A_192, %dma_wait3A_193, %dma_wait3A_194] : memref<2x128x64xf32, #tpu.memory_space<vmem>> -> memref<1x128x64xf32, #tpu.memory_space<vmem>>
    %dma_wait3A_196 = tpu.memref_squeeze %dma_wait3A_195 : memref<1x128x64xf32, #tpu.memory_space<vmem>> -> memref<128x64xf32, #tpu.memory_space<vmem>>
    %dma_wait3A_197 = arith.constant 0 : i32
    %dma_wait3A_198 = tpu.memref_slice %arg7[%dma_wait3A, %dma_wait3A_197] : memref<2x128xi32, #tpu.memory_space<vmem>> -> memref<1x128xi32, #tpu.memory_space<vmem>>
    %dma_wait3A_199 = tpu.memref_squeeze %dma_wait3A_198 : memref<1x128xi32, #tpu.memory_space<vmem>> -> memref<128xi32, #tpu.memory_space<vmem>>
    %dma_wait3A_200 = arith.constant 0 : i32
    %dma_wait3A_201 = arith.constant 0 : i32
    %dma_wait3A_202 = tpu.memref_slice %arg4[%dma_wait3A_200, %dma_wait3A_201] : memref<1000000x64xf32, #tpu.memory_space<hbm>> -> memref<1000000x64xf32, #tpu.memory_space<hbm>>
    tpu.wait_indirect_dma semaphore(%arg13 : memref<!tpu.dma_semaphore, #tpu.memory_space<semaphore_mem>>) src(%dma_wait3A_202 : memref<1000000x64xf32, #tpu.memory_space<hbm>>) dst(%dma_wait3A_196 : memref<128x64xf32, #tpu.memory_space<vmem>>)
    %dma_wait3A_203 = arith.constant 0 : i32
    %dma_wait3A_204 = arith.constant 0 : i32
    %dma_wait3A_205 = arith.constant 0 : i32
    %dma_wait3A_206 = arith.constant 0 : i32
    %dma_wait3A_207 = arith.constant 0 : i32
    %dma_wait3A_208 = arith.constant 0 : i32
    %dma_wait3A_209 = tpu.memref_slice %arg11[%dma_wait3A_205, %dma_wait3A_206, %dma_wait3A_207, %dma_wait3A_208] : memref<2x5x128x64xf32, #tpu.memory_space<vmem>> -> memref<1x1x128x64xf32, #tpu.memory_space<vmem>>
    %dma_wait3A_210 = tpu.memref_squeeze %dma_wait3A_209 : memref<1x1x128x64xf32, #tpu.memory_space<vmem>> -> memref<128x64xf32, #tpu.memory_space<vmem>>
    %dma_wait3A_211 = arith.constant 0 : i32
    %dma_wait3A_212 = tpu.memref_slice %arg9[%dma_wait3A_203, %dma_wait3A_204, %dma_wait3A_211] : memref<2x5x128xi32, #tpu.memory_space<vmem>> -> memref<1x1x128xi32, #tpu.memory_space<vmem>>
    %dma_wait3A_213 = tpu.memref_squeeze %dma_wait3A_212 : memref<1x1x128xi32, #tpu.memory_space<vmem>> -> memref<128xi32, #tpu.memory_space<vmem>>
    %dma_wait3A_214 = arith.constant 0 : i32
    %dma_wait3A_215 = arith.constant 0 : i32
    %dma_wait3A_216 = tpu.memref_slice %arg5[%dma_wait3A_214, %dma_wait3A_215] : memref<1000000x64xf32, #tpu.memory_space<hbm>> -> memref<1000000x64xf32, #tpu.memory_space<hbm>>
    tpu.wait_indirect_dma semaphore(%arg13 : memref<!tpu.dma_semaphore, #tpu.memory_space<semaphore_mem>>) src(%dma_wait3A_216 : memref<1000000x64xf32, #tpu.memory_space<hbm>>) dst(%dma_wait3A_210 : memref<128x64xf32, #tpu.memory_space<vmem>>)
    %dma_wait3A_217 = arith.constant 0 : i32
    %dma_wait3A_218 = arith.constant 1 : i32
    %dma_wait3A_219 = arith.constant 0 : i32
    %dma_wait3A_220 = arith.constant 1 : i32
    %dma_wait3A_221 = arith.constant 0 : i32
    %dma_wait3A_222 = arith.constant 0 : i32
    %dma_wait3A_223 = tpu.memref_slice %arg11[%dma_wait3A_219, %dma_wait3A_220, %dma_wait3A_221, %dma_wait3A_222] : memref<2x5x128x64xf32, #tpu.memory_space<vmem>> -> memref<1x1x128x64xf32, #tpu.memory_space<vmem>>
    %dma_wait3A_224 = tpu.memref_squeeze %dma_wait3A_223 : memref<1x1x128x64xf32, #tpu.memory_space<vmem>> -> memref<128x64xf32, #tpu.memory_space<vmem>>
    %dma_wait3A_225 = arith.constant 0 : i32
    %dma_wait3A_226 = tpu.memref_slice %arg9[%dma_wait3A_217, %dma_wait3A_218, %dma_wait3A_225] : memref<2x5x128xi32, #tpu.memory_space<vmem>> -> memref<1x1x128xi32, #tpu.memory_space<vmem>>
    %dma_wait3A_227 = tpu.memref_squeeze %dma_wait3A_226 : memref<1x1x128xi32, #tpu.memory_space<vmem>> -> memref<128xi32, #tpu.memory_space<vmem>>
    %dma_wait3A_228 = arith.constant 0 : i32
    %dma_wait3A_229 = arith.constant 0 : i32
    %dma_wait3A_230 = tpu.memref_slice %arg5[%dma_wait3A_228, %dma_wait3A_229] : memref<1000000x64xf32, #tpu.memory_space<hbm>> -> memref<1000000x64xf32, #tpu.memory_space<hbm>>
    tpu.wait_indirect_dma semaphore(%arg13 : memref<!tpu.dma_semaphore, #tpu.memory_space<semaphore_mem>>) src(%dma_wait3A_230 : memref<1000000x64xf32, #tpu.memory_space<hbm>>) dst(%dma_wait3A_224 : memref<128x64xf32, #tpu.memory_space<vmem>>)
    %dma_wait3A_231 = arith.constant 0 : i32
    %dma_wait3A_232 = arith.constant 2 : i32
    %dma_wait3A_233 = arith.constant 0 : i32
    %dma_wait3A_234 = arith.constant 2 : i32
    %dma_wait3A_235 = arith.constant 0 : i32
    %dma_wait3A_236 = arith.constant 0 : i32
    %dma_wait3A_237 = tpu.memref_slice %arg11[%dma_wait3A_233, %dma_wait3A_234, %dma_wait3A_235, %dma_wait3A_236] : memref<2x5x128x64xf32, #tpu.memory_space<vmem>> -> memref<1x1x128x64xf32, #tpu.memory_space<vmem>>
    %dma_wait3A_238 = tpu.memref_squeeze %dma_wait3A_237 : memref<1x1x128x64xf32, #tpu.memory_space<vmem>> -> memref<128x64xf32, #tpu.memory_space<vmem>>
    %dma_wait3A_239 = arith.constant 0 : i32
    %dma_wait3A_240 = tpu.memref_slice %arg9[%dma_wait3A_231, %dma_wait3A_232, %dma_wait3A_239] : memref<2x5x128xi32, #tpu.memory_space<vmem>> -> memref<1x1x128xi32, #tpu.memory_space<vmem>>
    %dma_wait3A_241 = tpu.memref_squeeze %dma_wait3A_240 : memref<1x1x128xi32, #tpu.memory_space<vmem>> -> memref<128xi32, #tpu.memory_space<vmem>>
    %dma_wait3A_242 = arith.constant 0 : i32
    %dma_wait3A_243 = arith.constant 0 : i32
    %dma_wait3A_244 = tpu.memref_slice %arg5[%dma_wait3A_242, %dma_wait3A_243] : memref<1000000x64xf32, #tpu.memory_space<hbm>> -> memref<1000000x64xf32, #tpu.memory_space<hbm>>
    tpu.wait_indirect_dma semaphore(%arg13 : memref<!tpu.dma_semaphore, #tpu.memory_space<semaphore_mem>>) src(%dma_wait3A_244 : memref<1000000x64xf32, #tpu.memory_space<hbm>>) dst(%dma_wait3A_238 : memref<128x64xf32, #tpu.memory_space<vmem>>)
    %dma_wait3A_245 = arith.constant 0 : i32
    %dma_wait3A_246 = arith.constant 3 : i32
    %dma_wait3A_247 = arith.constant 0 : i32
    %dma_wait3A_248 = arith.constant 3 : i32
    %dma_wait3A_249 = arith.constant 0 : i32
    %dma_wait3A_250 = arith.constant 0 : i32
    %dma_wait3A_251 = tpu.memref_slice %arg11[%dma_wait3A_247, %dma_wait3A_248, %dma_wait3A_249, %dma_wait3A_250] : memref<2x5x128x64xf32, #tpu.memory_space<vmem>> -> memref<1x1x128x64xf32, #tpu.memory_space<vmem>>
    %dma_wait3A_252 = tpu.memref_squeeze %dma_wait3A_251 : memref<1x1x128x64xf32, #tpu.memory_space<vmem>> -> memref<128x64xf32, #tpu.memory_space<vmem>>
    %dma_wait3A_253 = arith.constant 0 : i32
    %dma_wait3A_254 = tpu.memref_slice %arg9[%dma_wait3A_245, %dma_wait3A_246, %dma_wait3A_253] : memref<2x5x128xi32, #tpu.memory_space<vmem>> -> memref<1x1x128xi32, #tpu.memory_space<vmem>>
    %dma_wait3A_255 = tpu.memref_squeeze %dma_wait3A_254 : memref<1x1x128xi32, #tpu.memory_space<vmem>> -> memref<128xi32, #tpu.memory_space<vmem>>
    %dma_wait3A_256 = arith.constant 0 : i32
    %dma_wait3A_257 = arith.constant 0 : i32
    %dma_wait3A_258 = tpu.memref_slice %arg5[%dma_wait3A_256, %dma_wait3A_257] : memref<1000000x64xf32, #tpu.memory_space<hbm>> -> memref<1000000x64xf32, #tpu.memory_space<hbm>>
    tpu.wait_indirect_dma semaphore(%arg13 : memref<!tpu.dma_semaphore, #tpu.memory_space<semaphore_mem>>) src(%dma_wait3A_258 : memref<1000000x64xf32, #tpu.memory_space<hbm>>) dst(%dma_wait3A_252 : memref<128x64xf32, #tpu.memory_space<vmem>>)
    %dma_wait3A_259 = arith.constant 0 : i32
    %dma_wait3A_260 = arith.constant 4 : i32
    %dma_wait3A_261 = arith.constant 0 : i32
    %dma_wait3A_262 = arith.constant 4 : i32
    %dma_wait3A_263 = arith.constant 0 : i32
    %dma_wait3A_264 = arith.constant 0 : i32
    %dma_wait3A_265 = tpu.memref_slice %arg11[%dma_wait3A_261, %dma_wait3A_262, %dma_wait3A_263, %dma_wait3A_264] : memref<2x5x128x64xf32, #tpu.memory_space<vmem>> -> memref<1x1x128x64xf32, #tpu.memory_space<vmem>>
    %dma_wait3A_266 = tpu.memref_squeeze %dma_wait3A_265 : memref<1x1x128x64xf32, #tpu.memory_space<vmem>> -> memref<128x64xf32, #tpu.memory_space<vmem>>
    %dma_wait3A_267 = arith.constant 0 : i32
    %dma_wait3A_268 = tpu.memref_slice %arg9[%dma_wait3A_259, %dma_wait3A_260, %dma_wait3A_267] : memref<2x5x128xi32, #tpu.memory_space<vmem>> -> memref<1x1x128xi32, #tpu.memory_space<vmem>>
    %dma_wait3A_269 = tpu.memref_squeeze %dma_wait3A_268 : memref<1x1x128xi32, #tpu.memory_space<vmem>> -> memref<128xi32, #tpu.memory_space<vmem>>
    %dma_wait3A_270 = arith.constant 0 : i32
    %dma_wait3A_271 = arith.constant 0 : i32
    %dma_wait3A_272 = tpu.memref_slice %arg5[%dma_wait3A_270, %dma_wait3A_271] : memref<1000000x64xf32, #tpu.memory_space<hbm>> -> memref<1000000x64xf32, #tpu.memory_space<hbm>>
    tpu.wait_indirect_dma semaphore(%arg13 : memref<!tpu.dma_semaphore, #tpu.memory_space<semaphore_mem>>) src(%dma_wait3A_272 : memref<1000000x64xf32, #tpu.memory_space<hbm>>) dst(%dma_wait3A_266 : memref<128x64xf32, #tpu.memory_space<vmem>>)
    %scan3A_273 = arith.constant 0 : i32
    %scan3A_274 = arith.constant 0 : i32
    %scan3A_275 = arith.constant 8 : i32
    %scan3A_276 = arith.addi %scan3A_274, %scan3A_275 : i32
    %scan3A_277 = arith.constant 1 : i32
    %scan3A_278 = scf.for %scan3A_751 = %scan3A_274 to %scan3A_276 step %scan3A_277 iter_args(%scan3A_752 = %scan3A_273) -> (i32)  : i32 {
      %mul3A_753 = arith.constant 16 : i32
      %mul3A_754 = arith.muli %scan3A_751, %mul3A_753 : i32
      %add3A_755 = vector.broadcast %mul3A_754 : i32 to vector<16xi32>
      %add3A_756 = arith.addi %add3A_755, %iota3A : vector<16xi32>
      %broadcast_in_dim3A = arith.constant 0 : i32
      %broadcast_in_dim3A_757 = vector.broadcast %broadcast_in_dim3A : i32 to vector<16xi32>
      %broadcast_in_dim3A_758 = arith.constant 0 : i32
      %broadcast_in_dim3A_759 = vector.broadcast %broadcast_in_dim3A_758 : i32 to vector<16xi32>
      %broadcast_in_dim3A_760 = arith.constant 1 : i32
      %broadcast_in_dim3A_761 = vector.broadcast %broadcast_in_dim3A_760 : i32 to vector<16xi32>
      %broadcast_in_dim3A_762 = arith.constant 2 : i32
      %broadcast_in_dim3A_763 = vector.broadcast %broadcast_in_dim3A_762 : i32 to vector<16xi32>
      %broadcast_in_dim3A_764 = arith.constant 3 : i32
      %broadcast_in_dim3A_765 = vector.broadcast %broadcast_in_dim3A_764 : i32 to vector<16xi32>
      %broadcast_in_dim3A_766 = arith.constant 4 : i32
      %broadcast_in_dim3A_767 = vector.broadcast %broadcast_in_dim3A_766 : i32 to vector<16xi32>
      %broadcast_in_dim3A_768 = arith.constant 0.000000e+00 : f32
      %broadcast_in_dim3A_769 = vector.broadcast %broadcast_in_dim3A_768 : f32 to vector<16xf32>
      %broadcast_in_dim3A_770 = arith.constant 0.000000e+00 : f32
      %broadcast_in_dim3A_771 = vector.broadcast %broadcast_in_dim3A_770 : f32 to vector<16xf32>
      %broadcast_in_dim3A_772 = arith.constant 0.000000e+00 : f32
      %broadcast_in_dim3A_773 = vector.broadcast %broadcast_in_dim3A_772 : f32 to vector<16xf32>
      %broadcast_in_dim3A_774 = arith.constant 0.000000e+00 : f32
      %broadcast_in_dim3A_775 = vector.broadcast %broadcast_in_dim3A_774 : f32 to vector<16xf32>
      %broadcast_in_dim3A_776 = arith.constant 0.000000e+00 : f32
      %broadcast_in_dim3A_777 = vector.broadcast %broadcast_in_dim3A_776 : f32 to vector<16xf32>
      %scan3A_778 = arith.constant 0 : i32
      %scan3A_779 = arith.constant 64 : i32
      %scan3A_780 = arith.addi %scan3A_778, %scan3A_779 : i32
      %scan3A_781 = arith.constant 4 : i32
      %scan3A_782:5 = scf.for %scan3A_815 = %scan3A_778 to %scan3A_780 step %scan3A_781 iter_args(%scan3A_816 = %broadcast_in_dim3A_769, %scan3A_817 = %broadcast_in_dim3A_771, %scan3A_818 = %broadcast_in_dim3A_773, %scan3A_819 = %broadcast_in_dim3A_775, %scan3A_820 = %broadcast_in_dim3A_777) -> (vector<16xf32>, vector<16xf32>, vector<16xf32>, vector<16xf32>, vector<16xf32>)  : i32 {
        %broadcast_in_dim3A_821 = arith.constant 0 : i32
        %broadcast_in_dim3A_822 = vector.broadcast %broadcast_in_dim3A_821 : i32 to vector<16xi32>
        %add3A_823 = vector.broadcast %scan3A_815 : i32 to vector<16xi32>
        %add3A_824 = arith.addi %broadcast_in_dim3A_822, %add3A_823 : vector<16xi32>
        %gather3A = tpu.vector_load_idx %arg10[%broadcast_in_dim3A_757, %add3A_756, %add3A_824] : memref<2x128x64xf32, #tpu.memory_space<vmem>>[vector<16xi32>, vector<16xi32>, vector<16xi32>], vector<16xf32>,
        %gather3A_825 = tpu.vector_load_idx %arg11[%broadcast_in_dim3A_757, %broadcast_in_dim3A_759, %add3A_756, %add3A_824] : memref<2x5x128x64xf32, #tpu.memory_space<vmem>>[vector<16xi32>, vector<16xi32>, vector<16xi32>, vector<16xi32>], vector<16xf32>,
        %mul3A_826 = arith.mulf %gather3A_825, %gather3A : vector<16xf32>
        %add3A_827 = arith.addf %scan3A_816, %mul3A_826 : vector<16xf32>
        %gather3A_828 = tpu.vector_load_idx %arg11[%broadcast_in_dim3A_757, %broadcast_in_dim3A_761, %add3A_756, %add3A_824] : memref<2x5x128x64xf32, #tpu.memory_space<vmem>>[vector<16xi32>, vector<16xi32>, vector<16xi32>, vector<16xi32>], vector<16xf32>,
        %mul3A_829 = arith.mulf %gather3A_828, %gather3A : vector<16xf32>
        %add3A_830 = arith.addf %scan3A_817, %mul3A_829 : vector<16xf32>
        %gather3A_831 = tpu.vector_load_idx %arg11[%broadcast_in_dim3A_757, %broadcast_in_dim3A_763, %add3A_756, %add3A_824] : memref<2x5x128x64xf32, #tpu.memory_space<vmem>>[vector<16xi32>, vector<16xi32>, vector<16xi32>, vector<16xi32>], vector<16xf32>,
        %mul3A_832 = arith.mulf %gather3A_831, %gather3A : vector<16xf32>
        %add3A_833 = arith.addf %scan3A_818, %mul3A_832 : vector<16xf32>
        %gather3A_834 = tpu.vector_load_idx %arg11[%broadcast_in_dim3A_757, %broadcast_in_dim3A_765, %add3A_756, %add3A_824] : memref<2x5x128x64xf32, #tpu.memory_space<vmem>>[vector<16xi32>, vector<16xi32>, vector<16xi32>, vector<16xi32>], vector<16xf32>,
        %mul3A_835 = arith.mulf %gather3A_834, %gather3A : vector<16xf32>
        %add3A_836 = arith.addf %scan3A_819, %mul3A_835 : vector<16xf32>
        %gather3A_837 = tpu.vector_load_idx %arg11[%broadcast_in_dim3A_757, %broadcast_in_dim3A_767, %add3A_756, %add3A_824] : memref<2x5x128x64xf32, #tpu.memory_space<vmem>>[vector<16xi32>, vector<16xi32>, vector<16xi32>, vector<16xi32>], vector<16xf32>,
        %mul3A_838 = arith.mulf %gather3A_837, %gather3A : vector<16xf32>
        %add3A_839 = arith.addf %scan3A_820, %mul3A_838 : vector<16xf32>
        %scan3A_840 = arith.constant 1 : i32
        %scan3A_841 = arith.addi %scan3A_815, %scan3A_840 : i32
        %broadcast_in_dim3A_842 = arith.constant 0 : i32
        %broadcast_in_dim3A_843 = vector.broadcast %broadcast_in_dim3A_842 : i32 to vector<16xi32>
        %add3A_844 = vector.broadcast %scan3A_841 : i32 to vector<16xi32>
        %add3A_845 = arith.addi %broadcast_in_dim3A_843, %add3A_844 : vector<16xi32>
        %gather3A_846 = tpu.vector_load_idx %arg10[%broadcast_in_dim3A_757, %add3A_756, %add3A_845] : memref<2x128x64xf32, #tpu.memory_space<vmem>>[vector<16xi32>, vector<16xi32>, vector<16xi32>], vector<16xf32>,
        %gather3A_847 = tpu.vector_load_idx %arg11[%broadcast_in_dim3A_757, %broadcast_in_dim3A_759, %add3A_756, %add3A_845] : memref<2x5x128x64xf32, #tpu.memory_space<vmem>>[vector<16xi32>, vector<16xi32>, vector<16xi32>, vector<16xi32>], vector<16xf32>,
        %mul3A_848 = arith.mulf %gather3A_847, %gather3A_846 : vector<16xf32>
        %add3A_849 = arith.addf %add3A_827, %mul3A_848 : vector<16xf32>
        %gather3A_850 = tpu.vector_load_idx %arg11[%broadcast_in_dim3A_757, %broadcast_in_dim3A_761, %add3A_756, %add3A_845] : memref<2x5x128x64xf32, #tpu.memory_space<vmem>>[vector<16xi32>, vector<16xi32>, vector<16xi32>, vector<16xi32>], vector<16xf32>,
        %mul3A_851 = arith.mulf %gather3A_850, %gather3A_846 : vector<16xf32>
        %add3A_852 = arith.addf %add3A_830, %mul3A_851 : vector<16xf32>
        %gather3A_853 = tpu.vector_load_idx %arg11[%broadcast_in_dim3A_757, %broadcast_in_dim3A_763, %add3A_756, %add3A_845] : memref<2x5x128x64xf32, #tpu.memory_space<vmem>>[vector<16xi32>, vector<16xi32>, vector<16xi32>, vector<16xi32>], vector<16xf32>,
        %mul3A_854 = arith.mulf %gather3A_853, %gather3A_846 : vector<16xf32>
        %add3A_855 = arith.addf %add3A_833, %mul3A_854 : vector<16xf32>
        %gather3A_856 = tpu.vector_load_idx %arg11[%broadcast_in_dim3A_757, %broadcast_in_dim3A_765, %add3A_756, %add3A_845] : memref<2x5x128x64xf32, #tpu.memory_space<vmem>>[vector<16xi32>, vector<16xi32>, vector<16xi32>, vector<16xi32>], vector<16xf32>,
        %mul3A_857 = arith.mulf %gather3A_856, %gather3A_846 : vector<16xf32>
        %add3A_858 = arith.addf %add3A_836, %mul3A_857 : vector<16xf32>
        %gather3A_859 = tpu.vector_load_idx %arg11[%broadcast_in_dim3A_757, %broadcast_in_dim3A_767, %add3A_756, %add3A_845] : memref<2x5x128x64xf32, #tpu.memory_space<vmem>>[vector<16xi32>, vector<16xi32>, vector<16xi32>, vector<16xi32>], vector<16xf32>,
        %mul3A_860 = arith.mulf %gather3A_859, %gather3A_846 : vector<16xf32>
        %add3A_861 = arith.addf %add3A_839, %mul3A_860 : vector<16xf32>
        %scan3A_862 = arith.constant 2 : i32
        %scan3A_863 = arith.addi %scan3A_815, %scan3A_862 : i32
        %broadcast_in_dim3A_864 = arith.constant 0 : i32
        %broadcast_in_dim3A_865 = vector.broadcast %broadcast_in_dim3A_864 : i32 to vector<16xi32>
        %add3A_866 = vector.broadcast %scan3A_863 : i32 to vector<16xi32>
        %add3A_867 = arith.addi %broadcast_in_dim3A_865, %add3A_866 : vector<16xi32>
        %gather3A_868 = tpu.vector_load_idx %arg10[%broadcast_in_dim3A_757, %add3A_756, %add3A_867] : memref<2x128x64xf32, #tpu.memory_space<vmem>>[vector<16xi32>, vector<16xi32>, vector<16xi32>], vector<16xf32>,
        %gather3A_869 = tpu.vector_load_idx %arg11[%broadcast_in_dim3A_757, %broadcast_in_dim3A_759, %add3A_756, %add3A_867] : memref<2x5x128x64xf32, #tpu.memory_space<vmem>>[vector<16xi32>, vector<16xi32>, vector<16xi32>, vector<16xi32>], vector<16xf32>,
        %mul3A_870 = arith.mulf %gather3A_869, %gather3A_868 : vector<16xf32>
        %add3A_871 = arith.addf %add3A_849, %mul3A_870 : vector<16xf32>
        %gather3A_872 = tpu.vector_load_idx %arg11[%broadcast_in_dim3A_757, %broadcast_in_dim3A_761, %add3A_756, %add3A_867] : memref<2x5x128x64xf32, #tpu.memory_space<vmem>>[vector<16xi32>, vector<16xi32>, vector<16xi32>, vector<16xi32>], vector<16xf32>,
        %mul3A_873 = arith.mulf %gather3A_872, %gather3A_868 : vector<16xf32>
        %add3A_874 = arith.addf %add3A_852, %mul3A_873 : vector<16xf32>
        %gather3A_875 = tpu.vector_load_idx %arg11[%broadcast_in_dim3A_757, %broadcast_in_dim3A_763, %add3A_756, %add3A_867] : memref<2x5x128x64xf32, #tpu.memory_space<vmem>>[vector<16xi32>, vector<16xi32>, vector<16xi32>, vector<16xi32>], vector<16xf32>,
        %mul3A_876 = arith.mulf %gather3A_875, %gather3A_868 : vector<16xf32>
        %add3A_877 = arith.addf %add3A_855, %mul3A_876 : vector<16xf32>
        %gather3A_878 = tpu.vector_load_idx %arg11[%broadcast_in_dim3A_757, %broadcast_in_dim3A_765, %add3A_756, %add3A_867] : memref<2x5x128x64xf32, #tpu.memory_space<vmem>>[vector<16xi32>, vector<16xi32>, vector<16xi32>, vector<16xi32>], vector<16xf32>,
        %mul3A_879 = arith.mulf %gather3A_878, %gather3A_868 : vector<16xf32>
        %add3A_880 = arith.addf %add3A_858, %mul3A_879 : vector<16xf32>
        %gather3A_881 = tpu.vector_load_idx %arg11[%broadcast_in_dim3A_757, %broadcast_in_dim3A_767, %add3A_756, %add3A_867] : memref<2x5x128x64xf32, #tpu.memory_space<vmem>>[vector<16xi32>, vector<16xi32>, vector<16xi32>, vector<16xi32>], vector<16xf32>,
        %mul3A_882 = arith.mulf %gather3A_881, %gather3A_868 : vector<16xf32>
        %add3A_883 = arith.addf %add3A_861, %mul3A_882 : vector<16xf32>
        %scan3A_884 = arith.constant 3 : i32
        %scan3A_885 = arith.addi %scan3A_815, %scan3A_884 : i32
        %broadcast_in_dim3A_886 = arith.constant 0 : i32
        %broadcast_in_dim3A_887 = vector.broadcast %broadcast_in_dim3A_886 : i32 to vector<16xi32>
        %add3A_888 = vector.broadcast %scan3A_885 : i32 to vector<16xi32>
        %add3A_889 = arith.addi %broadcast_in_dim3A_887, %add3A_888 : vector<16xi32>
        %gather3A_890 = tpu.vector_load_idx %arg10[%broadcast_in_dim3A_757, %add3A_756, %add3A_889] : memref<2x128x64xf32, #tpu.memory_space<vmem>>[vector<16xi32>, vector<16xi32>, vector<16xi32>], vector<16xf32>,
        %gather3A_891 = tpu.vector_load_idx %arg11[%broadcast_in_dim3A_757, %broadcast_in_dim3A_759, %add3A_756, %add3A_889] : memref<2x5x128x64xf32, #tpu.memory_space<vmem>>[vector<16xi32>, vector<16xi32>, vector<16xi32>, vector<16xi32>], vector<16xf32>,
        %mul3A_892 = arith.mulf %gather3A_891, %gather3A_890 : vector<16xf32>
        %add3A_893 = arith.addf %add3A_871, %mul3A_892 : vector<16xf32>
        %gather3A_894 = tpu.vector_load_idx %arg11[%broadcast_in_dim3A_757, %broadcast_in_dim3A_761, %add3A_756, %add3A_889] : memref<2x5x128x64xf32, #tpu.memory_space<vmem>>[vector<16xi32>, vector<16xi32>, vector<16xi32>, vector<16xi32>], vector<16xf32>,
        %mul3A_895 = arith.mulf %gather3A_894, %gather3A_890 : vector<16xf32>
        %add3A_896 = arith.addf %add3A_874, %mul3A_895 : vector<16xf32>
        %gather3A_897 = tpu.vector_load_idx %arg11[%broadcast_in_dim3A_757, %broadcast_in_dim3A_763, %add3A_756, %add3A_889] : memref<2x5x128x64xf32, #tpu.memory_space<vmem>>[vector<16xi32>, vector<16xi32>, vector<16xi32>, vector<16xi32>], vector<16xf32>,
        %mul3A_898 = arith.mulf %gather3A_897, %gather3A_890 : vector<16xf32>
        %add3A_899 = arith.addf %add3A_877, %mul3A_898 : vector<16xf32>
        %gather3A_900 = tpu.vector_load_idx %arg11[%broadcast_in_dim3A_757, %broadcast_in_dim3A_765, %add3A_756, %add3A_889] : memref<2x5x128x64xf32, #tpu.memory_space<vmem>>[vector<16xi32>, vector<16xi32>, vector<16xi32>, vector<16xi32>], vector<16xf32>,
        %mul3A_901 = arith.mulf %gather3A_900, %gather3A_890 : vector<16xf32>
        %add3A_902 = arith.addf %add3A_880, %mul3A_901 : vector<16xf32>
        %gather3A_903 = tpu.vector_load_idx %arg11[%broadcast_in_dim3A_757, %broadcast_in_dim3A_767, %add3A_756, %add3A_889] : memref<2x5x128x64xf32, #tpu.memory_space<vmem>>[vector<16xi32>, vector<16xi32>, vector<16xi32>, vector<16xi32>], vector<16xf32>,
        %mul3A_904 = arith.mulf %gather3A_903, %gather3A_890 : vector<16xf32>
        %add3A_905 = arith.addf %add3A_883, %mul3A_904 : vector<16xf32>
        scf.yield %add3A_893, %add3A_896, %add3A_899, %add3A_902, %add3A_905 : vector<16xf32>, vector<16xf32>, vector<16xf32>, vector<16xf32>, vector<16xf32>
      }
      %scan3A_783 = arith.constant 64 : i32
      %mul3A_784 = arith.constant 5 : i32
      %mul3A_785 = vector.broadcast %mul3A_784 : i32 to vector<16xi32>
      %mul3A_786 = arith.muli %add3A_756, %mul3A_785 : vector<16xi32>
      %add3A_787 = arith.constant 0 : i32
      %add3A_788 = vector.broadcast %add3A_787 : i32 to vector<16xi32>
      %add3A_789 = arith.addi %mul3A_786, %add3A_788 : vector<16xi32>
      tpu.vector_store_idx %arg12[%add3A_789], %scan3A_782#0 : memref<640xf32, #tpu.memory_space<vmem>>[vector<16xi32>], vector<16xf32>,
      %mul3A_790 = arith.constant 5 : i32
      %mul3A_791 = vector.broadcast %mul3A_790 : i32 to vector<16xi32>
      %mul3A_792 = arith.muli %add3A_756, %mul3A_791 : vector<16xi32>
      %add3A_793 = arith.constant 1 : i32
      %add3A_794 = vector.broadcast %add3A_793 : i32 to vector<16xi32>
      %add3A_795 = arith.addi %mul3A_792, %add3A_794 : vector<16xi32>
      tpu.vector_store_idx %arg12[%add3A_795], %scan3A_782#1 : memref<640xf32, #tpu.memory_space<vmem>>[vector<16xi32>], vector<16xf32>,
      %mul3A_796 = arith.constant 5 : i32
      %mul3A_797 = vector.broadcast %mul3A_796 : i32 to vector<16xi32>
      %mul3A_798 = arith.muli %add3A_756, %mul3A_797 : vector<16xi32>
      %add3A_799 = arith.constant 2 : i32
      %add3A_800 = vector.broadcast %add3A_799 : i32 to vector<16xi32>
      %add3A_801 = arith.addi %mul3A_798, %add3A_800 : vector<16xi32>
      tpu.vector_store_idx %arg12[%add3A_801], %scan3A_782#2 : memref<640xf32, #tpu.memory_space<vmem>>[vector<16xi32>], vector<16xf32>,
      %mul3A_802 = arith.constant 5 : i32
      %mul3A_803 = vector.broadcast %mul3A_802 : i32 to vector<16xi32>
      %mul3A_804 = arith.muli %add3A_756, %mul3A_803 : vector<16xi32>
      %add3A_805 = arith.constant 3 : i32
      %add3A_806 = vector.broadcast %add3A_805 : i32 to vector<16xi32>
      %add3A_807 = arith.addi %mul3A_804, %add3A_806 : vector<16xi32>
      tpu.vector_store_idx %arg12[%add3A_807], %scan3A_782#3 : memref<640xf32, #tpu.memory_space<vmem>>[vector<16xi32>], vector<16xf32>,
      %mul3A_808 = arith.constant 5 : i32
      %mul3A_809 = vector.broadcast %mul3A_808 : i32 to vector<16xi32>
      %mul3A_810 = arith.muli %add3A_756, %mul3A_809 : vector<16xi32>
      %add3A_811 = arith.constant 4 : i32
      %add3A_812 = vector.broadcast %add3A_811 : i32 to vector<16xi32>
      %add3A_813 = arith.addi %mul3A_810, %add3A_812 : vector<16xi32>
      tpu.vector_store_idx %arg12[%add3A_813], %scan3A_782#4 : memref<640xf32, #tpu.memory_space<vmem>>[vector<16xi32>], vector<16xf32>,
      %scan3A_814 = arith.constant 0 : i32
      scf.yield %scan3A_814 : i32
    }
    %scan3A_279 = arith.constant 8 : i32
    %mul3A_280 = arith.constant 5 : i32
    %mul3A_281 = arith.muli %add3A_191, %mul3A_280 : i32
    "tpu.region"() ({
      %run_scoped3A_751 = tpu.sem_alloc : memref<!tpu.dma_semaphore, #tpu.memory_space<semaphore_mem>>
      %dma_start3A_752 = tpu.memref_slice %arg6[%mul3A_281] : memref<81920xf32, #tpu.memory_space<hbm>> -> memref<640xf32, #tpu.memory_space<hbm>>
      %dma_start3A_753 = tpu.memref_slice %arg6[%mul3A_281] : memref<81920xf32, #tpu.memory_space<hbm>> -> memref<640xf32, #tpu.memory_space<hbm>>
      tpu.enqueue_dma source(%arg12 : memref<640xf32, #tpu.memory_space<vmem>>) target(%dma_start3A_753 : memref<640xf32, #tpu.memory_space<hbm>>) target_semaphore(%run_scoped3A_751 : memref<!tpu.dma_semaphore, #tpu.memory_space<semaphore_mem>>)
      %dma_wait3A_754 = tpu.memref_slice %arg6[%mul3A_281] : memref<81920xf32, #tpu.memory_space<hbm>> -> memref<640xf32, #tpu.memory_space<hbm>>
      %dma_wait3A_755 = tpu.memref_slice %arg6[%mul3A_281] : memref<81920xf32, #tpu.memory_space<hbm>> -> memref<640xf32, #tpu.memory_space<hbm>>
      tpu.wait_dma2 semaphore(%run_scoped3A_751 : memref<!tpu.dma_semaphore, #tpu.memory_space<semaphore_mem>>) src(%arg12 : memref<640xf32, #tpu.memory_space<vmem>>) dst(%dma_wait3A_755 : memref<640xf32, #tpu.memory_space<hbm>>)
      tpu.yield
    }) : () -> ()
    %add3A_282 = arith.constant 256 : i32
    %add3A_283 = arith.addi %mul3A_2, %add3A_282 : i32
    %run_scoped3A_284 = arith.constant 0 : i32
    "tpu.region"() ({
      %run_scoped3A_751 = tpu.sem_alloc : memref<!tpu.dma_semaphore, #tpu.memory_space<semaphore_mem>>
      %dma_start3A_752 = arith.constant 0 : i32
      %dma_start3A_753 = tpu.memref_slice %arg7[%run_scoped3A_284, %dma_start3A_752] : memref<2x128xi32, #tpu.memory_space<vmem>> -> memref<1x128xi32, #tpu.memory_space<vmem>>
      %dma_start3A_754 = tpu.memref_squeeze %dma_start3A_753 : memref<1x128xi32, #tpu.memory_space<vmem>> -> memref<128xi32, #tpu.memory_space<vmem>>
      %dma_start3A_755 = tpu.memref_slice %arg2[%add3A_283] : memref<16384xi32, #tpu.memory_space<hbm>> -> memref<128xi32, #tpu.memory_space<hbm>>
      %dma_start3A_756 = arith.constant 0 : i32
      %dma_start3A_757 = tpu.memref_slice %arg7[%run_scoped3A_284, %dma_start3A_756] : memref<2x128xi32, #tpu.memory_space<vmem>> -> memref<1x128xi32, #tpu.memory_space<vmem>>
      %dma_start3A_758 = tpu.memref_squeeze %dma_start3A_757 : memref<1x128xi32, #tpu.memory_space<vmem>> -> memref<128xi32, #tpu.memory_space<vmem>>
      %dma_start3A_759 = tpu.memref_slice %arg2[%add3A_283] : memref<16384xi32, #tpu.memory_space<hbm>> -> memref<128xi32, #tpu.memory_space<hbm>>
      tpu.enqueue_dma source(%dma_start3A_759 : memref<128xi32, #tpu.memory_space<hbm>>) target(%dma_start3A_758 : memref<128xi32, #tpu.memory_space<vmem>>) target_semaphore(%run_scoped3A_751 : memref<!tpu.dma_semaphore, #tpu.memory_space<semaphore_mem>>)
      %dma_wait3A_760 = arith.constant 0 : i32
      %dma_wait3A_761 = tpu.memref_slice %arg7[%run_scoped3A_284, %dma_wait3A_760] : memref<2x128xi32, #tpu.memory_space<vmem>> -> memref<1x128xi32, #tpu.memory_space<vmem>>
      %dma_wait3A_762 = tpu.memref_squeeze %dma_wait3A_761 : memref<1x128xi32, #tpu.memory_space<vmem>> -> memref<128xi32, #tpu.memory_space<vmem>>
      %dma_wait3A_763 = tpu.memref_slice %arg2[%add3A_283] : memref<16384xi32, #tpu.memory_space<hbm>> -> memref<128xi32, #tpu.memory_space<hbm>>
      %dma_wait3A_764 = arith.constant 0 : i32
      %dma_wait3A_765 = tpu.memref_slice %arg7[%run_scoped3A_284, %dma_wait3A_764] : memref<2x128xi32, #tpu.memory_space<vmem>> -> memref<1x128xi32, #tpu.memory_space<vmem>>
      %dma_wait3A_766 = tpu.memref_squeeze %dma_wait3A_765 : memref<1x128xi32, #tpu.memory_space<vmem>> -> memref<128xi32, #tpu.memory_space<vmem>>
      %dma_wait3A_767 = tpu.memref_slice %arg2[%add3A_283] : memref<16384xi32, #tpu.memory_space<hbm>> -> memref<128xi32, #tpu.memory_space<hbm>>
      tpu.wait_dma2 semaphore(%run_scoped3A_751 : memref<!tpu.dma_semaphore, #tpu.memory_space<semaphore_mem>>) src(%dma_wait3A_767 : memref<128xi32, #tpu.memory_space<hbm>>) dst(%dma_wait3A_766 : memref<128xi32, #tpu.memory_space<vmem>>)
      tpu.yield
    }) : () -> ()
    %mul3A_285 = arith.constant 5 : i32
    %mul3A_286 = arith.muli %add3A_283, %mul3A_285 : i32
    %run_scoped3A_287 = arith.constant 0 : i32
    "tpu.region"() ({
      %run_scoped3A_751 = tpu.sem_alloc : memref<!tpu.dma_semaphore, #tpu.memory_space<semaphore_mem>>
      %dma_start3A_752 = arith.constant 0 : i32
      %dma_start3A_753 = tpu.memref_slice %arg8[%run_scoped3A_287, %dma_start3A_752] : memref<2x640xi32, #tpu.memory_space<vmem>> -> memref<1x640xi32, #tpu.memory_space<vmem>>
      %dma_start3A_754 = tpu.memref_squeeze %dma_start3A_753 : memref<1x640xi32, #tpu.memory_space<vmem>> -> memref<640xi32, #tpu.memory_space<vmem>>
      %dma_start3A_755 = tpu.memref_slice %arg3[%mul3A_286] : memref<81920xi32, #tpu.memory_space<hbm>> -> memref<640xi32, #tpu.memory_space<hbm>>
      %dma_start3A_756 = arith.constant 0 : i32
      %dma_start3A_757 = tpu.memref_slice %arg8[%run_scoped3A_287, %dma_start3A_756] : memref<2x640xi32, #tpu.memory_space<vmem>> -> memref<1x640xi32, #tpu.memory_space<vmem>>
      %dma_start3A_758 = tpu.memref_squeeze %dma_start3A_757 : memref<1x640xi32, #tpu.memory_space<vmem>> -> memref<640xi32, #tpu.memory_space<vmem>>
      %dma_start3A_759 = tpu.memref_slice %arg3[%mul3A_286] : memref<81920xi32, #tpu.memory_space<hbm>> -> memref<640xi32, #tpu.memory_space<hbm>>
      tpu.enqueue_dma source(%dma_start3A_759 : memref<640xi32, #tpu.memory_space<hbm>>) target(%dma_start3A_758 : memref<640xi32, #tpu.memory_space<vmem>>) target_semaphore(%run_scoped3A_751 : memref<!tpu.dma_semaphore, #tpu.memory_space<semaphore_mem>>)
      %dma_wait3A_760 = arith.constant 0 : i32
      %dma_wait3A_761 = tpu.memref_slice %arg8[%run_scoped3A_287, %dma_wait3A_760] : memref<2x640xi32, #tpu.memory_space<vmem>> -> memref<1x640xi32, #tpu.memory_space<vmem>>
      %dma_wait3A_762 = tpu.memref_squeeze %dma_wait3A_761 : memref<1x640xi32, #tpu.memory_space<vmem>> -> memref<640xi32, #tpu.memory_space<vmem>>
      %dma_wait3A_763 = tpu.memref_slice %arg3[%mul3A_286] : memref<81920xi32, #tpu.memory_space<hbm>> -> memref<640xi32, #tpu.memory_space<hbm>>
      %dma_wait3A_764 = arith.constant 0 : i32
      %dma_wait3A_765 = tpu.memref_slice %arg8[%run_scoped3A_287, %dma_wait3A_764] : memref<2x640xi32, #tpu.memory_space<vmem>> -> memref<1x640xi32, #tpu.memory_space<vmem>>
      %dma_wait3A_766 = tpu.memref_squeeze %dma_wait3A_765 : memref<1x640xi32, #tpu.memory_space<vmem>> -> memref<640xi32, #tpu.memory_space<vmem>>
      %dma_wait3A_767 = tpu.memref_slice %arg3[%mul3A_286] : memref<81920xi32, #tpu.memory_space<hbm>> -> memref<640xi32, #tpu.memory_space<hbm>>
      tpu.wait_dma2 semaphore(%run_scoped3A_751 : memref<!tpu.dma_semaphore, #tpu.memory_space<semaphore_mem>>) src(%dma_wait3A_767 : memref<640xi32, #tpu.memory_space<hbm>>) dst(%dma_wait3A_766 : memref<640xi32, #tpu.memory_space<vmem>>)
      tpu.yield
    }) : () -> ()
    %scan3A_288 = arith.constant 0 : i32
    %scan3A_289 = arith.constant 0 : i32
    %scan3A_290 = arith.constant 8 : i32
    %scan3A_291 = arith.addi %scan3A_289, %scan3A_290 : i32
    %scan3A_292 = arith.constant 1 : i32
    %scan3A_293 = scf.for %scan3A_751 = %scan3A_289 to %scan3A_291 step %scan3A_292 iter_args(%scan3A_752 = %scan3A_288) -> (i32)  : i32 {
      %mul3A_753 = arith.constant 16 : i32
      %mul3A_754 = arith.muli %scan3A_751, %mul3A_753 : i32
      %add3A_755 = vector.broadcast %mul3A_754 : i32 to vector<16xi32>
      %add3A_756 = arith.addi %add3A_755, %iota3A : vector<16xi32>
      %broadcast_in_dim3A = arith.constant 0 : i32
      %broadcast_in_dim3A_757 = vector.broadcast %broadcast_in_dim3A : i32 to vector<16xi32>
      %mul3A_758 = arith.constant 5 : i32
      %mul3A_759 = vector.broadcast %mul3A_758 : i32 to vector<16xi32>
      %mul3A_760 = arith.muli %add3A_756, %mul3A_759 : vector<16xi32>
      %add3A_761 = arith.constant 0 : i32
      %add3A_762 = vector.broadcast %add3A_761 : i32 to vector<16xi32>
      %add3A_763 = arith.addi %mul3A_760, %add3A_762 : vector<16xi32>
      %gather3A = tpu.vector_load_idx %arg8[%broadcast_in_dim3A_757, %add3A_763] : memref<2x640xi32, #tpu.memory_space<vmem>>[vector<16xi32>, vector<16xi32>], vector<16xi32>,
      %broadcast_in_dim3A_764 = arith.constant 0 : i32
      %broadcast_in_dim3A_765 = vector.broadcast %broadcast_in_dim3A_764 : i32 to vector<16xi32>
      %broadcast_in_dim3A_766 = arith.constant 0 : i32
      %broadcast_in_dim3A_767 = vector.broadcast %broadcast_in_dim3A_766 : i32 to vector<16xi32>
      tpu.vector_store_idx %arg9[%broadcast_in_dim3A_765, %broadcast_in_dim3A_767, %add3A_756], %gather3A : memref<2x5x128xi32, #tpu.memory_space<vmem>>[vector<16xi32>, vector<16xi32>, vector<16xi32>], vector<16xi32>,
      %broadcast_in_dim3A_768 = arith.constant 0 : i32
      %broadcast_in_dim3A_769 = vector.broadcast %broadcast_in_dim3A_768 : i32 to vector<16xi32>
      %mul3A_770 = arith.constant 5 : i32
      %mul3A_771 = vector.broadcast %mul3A_770 : i32 to vector<16xi32>
      %mul3A_772 = arith.muli %add3A_756, %mul3A_771 : vector<16xi32>
      %add3A_773 = arith.constant 1 : i32
      %add3A_774 = vector.broadcast %add3A_773 : i32 to vector<16xi32>
      %add3A_775 = arith.addi %mul3A_772, %add3A_774 : vector<16xi32>
      %gather3A_776 = tpu.vector_load_idx %arg8[%broadcast_in_dim3A_769, %add3A_775] : memref<2x640xi32, #tpu.memory_space<vmem>>[vector<16xi32>, vector<16xi32>], vector<16xi32>,
      %broadcast_in_dim3A_777 = arith.constant 0 : i32
      %broadcast_in_dim3A_778 = vector.broadcast %broadcast_in_dim3A_777 : i32 to vector<16xi32>
      %broadcast_in_dim3A_779 = arith.constant 1 : i32
      %broadcast_in_dim3A_780 = vector.broadcast %broadcast_in_dim3A_779 : i32 to vector<16xi32>
      tpu.vector_store_idx %arg9[%broadcast_in_dim3A_778, %broadcast_in_dim3A_780, %add3A_756], %gather3A_776 : memref<2x5x128xi32, #tpu.memory_space<vmem>>[vector<16xi32>, vector<16xi32>, vector<16xi32>], vector<16xi32>,
      %broadcast_in_dim3A_781 = arith.constant 0 : i32
      %broadcast_in_dim3A_782 = vector.broadcast %broadcast_in_dim3A_781 : i32 to vector<16xi32>
      %mul3A_783 = arith.constant 5 : i32
      %mul3A_784 = vector.broadcast %mul3A_783 : i32 to vector<16xi32>
      %mul3A_785 = arith.muli %add3A_756, %mul3A_784 : vector<16xi32>
      %add3A_786 = arith.constant 2 : i32
      %add3A_787 = vector.broadcast %add3A_786 : i32 to vector<16xi32>
      %add3A_788 = arith.addi %mul3A_785, %add3A_787 : vector<16xi32>
      %gather3A_789 = tpu.vector_load_idx %arg8[%broadcast_in_dim3A_782, %add3A_788] : memref<2x640xi32, #tpu.memory_space<vmem>>[vector<16xi32>, vector<16xi32>], vector<16xi32>,
      %broadcast_in_dim3A_790 = arith.constant 0 : i32
      %broadcast_in_dim3A_791 = vector.broadcast %broadcast_in_dim3A_790 : i32 to vector<16xi32>
      %broadcast_in_dim3A_792 = arith.constant 2 : i32
      %broadcast_in_dim3A_793 = vector.broadcast %broadcast_in_dim3A_792 : i32 to vector<16xi32>
      tpu.vector_store_idx %arg9[%broadcast_in_dim3A_791, %broadcast_in_dim3A_793, %add3A_756], %gather3A_789 : memref<2x5x128xi32, #tpu.memory_space<vmem>>[vector<16xi32>, vector<16xi32>, vector<16xi32>], vector<16xi32>,
      %broadcast_in_dim3A_794 = arith.constant 0 : i32
      %broadcast_in_dim3A_795 = vector.broadcast %broadcast_in_dim3A_794 : i32 to vector<16xi32>
      %mul3A_796 = arith.constant 5 : i32
      %mul3A_797 = vector.broadcast %mul3A_796 : i32 to vector<16xi32>
      %mul3A_798 = arith.muli %add3A_756, %mul3A_797 : vector<16xi32>
      %add3A_799 = arith.constant 3 : i32
      %add3A_800 = vector.broadcast %add3A_799 : i32 to vector<16xi32>
      %add3A_801 = arith.addi %mul3A_798, %add3A_800 : vector<16xi32>
      %gather3A_802 = tpu.vector_load_idx %arg8[%broadcast_in_dim3A_795, %add3A_801] : memref<2x640xi32, #tpu.memory_space<vmem>>[vector<16xi32>, vector<16xi32>], vector<16xi32>,
      %broadcast_in_dim3A_803 = arith.constant 0 : i32
      %broadcast_in_dim3A_804 = vector.broadcast %broadcast_in_dim3A_803 : i32 to vector<16xi32>
      %broadcast_in_dim3A_805 = arith.constant 3 : i32
      %broadcast_in_dim3A_806 = vector.broadcast %broadcast_in_dim3A_805 : i32 to vector<16xi32>
      tpu.vector_store_idx %arg9[%broadcast_in_dim3A_804, %broadcast_in_dim3A_806, %add3A_756], %gather3A_802 : memref<2x5x128xi32, #tpu.memory_space<vmem>>[vector<16xi32>, vector<16xi32>, vector<16xi32>], vector<16xi32>,
      %broadcast_in_dim3A_807 = arith.constant 0 : i32
      %broadcast_in_dim3A_808 = vector.broadcast %broadcast_in_dim3A_807 : i32 to vector<16xi32>
      %mul3A_809 = arith.constant 5 : i32
      %mul3A_810 = vector.broadcast %mul3A_809 : i32 to vector<16xi32>
      %mul3A_811 = arith.muli %add3A_756, %mul3A_810 : vector<16xi32>
      %add3A_812 = arith.constant 4 : i32
      %add3A_813 = vector.broadcast %add3A_812 : i32 to vector<16xi32>
      %add3A_814 = arith.addi %mul3A_811, %add3A_813 : vector<16xi32>
      %gather3A_815 = tpu.vector_load_idx %arg8[%broadcast_in_dim3A_808, %add3A_814] : memref<2x640xi32, #tpu.memory_space<vmem>>[vector<16xi32>, vector<16xi32>], vector<16xi32>,
      %broadcast_in_dim3A_816 = arith.constant 0 : i32
      %broadcast_in_dim3A_817 = vector.broadcast %broadcast_in_dim3A_816 : i32 to vector<16xi32>
      %broadcast_in_dim3A_818 = arith.constant 4 : i32
      %broadcast_in_dim3A_819 = vector.broadcast %broadcast_in_dim3A_818 : i32 to vector<16xi32>
      tpu.vector_store_idx %arg9[%broadcast_in_dim3A_817, %broadcast_in_dim3A_819, %add3A_756], %gather3A_815 : memref<2x5x128xi32, #tpu.memory_space<vmem>>[vector<16xi32>, vector<16xi32>, vector<16xi32>], vector<16xi32>,
      %scan3A_820 = arith.constant 0 : i32
      scf.yield %scan3A_820 : i32
    }
    %scan3A_294 = arith.constant 8 : i32
    %dma_start3A_295 = arith.constant 0 : i32
    %dma_start3A_296 = arith.constant 0 : i32
    %dma_start3A_297 = arith.constant 0 : i32
    %dma_start3A_298 = arith.constant 0 : i32
    %dma_start3A_299 = tpu.memref_slice %arg10[%dma_start3A_296, %dma_start3A_297, %dma_start3A_298] : memref<2x128x64xf32, #tpu.memory_space<vmem>> -> memref<1x128x64xf32, #tpu.memory_space<vmem>>
    %dma_start3A_300 = tpu.memref_squeeze %dma_start3A_299 : memref<1x128x64xf32, #tpu.memory_space<vmem>> -> memref<128x64xf32, #tpu.memory_space<vmem>>
    %dma_start3A_301 = arith.constant 0 : i32
    %dma_start3A_302 = tpu.memref_slice %arg7[%dma_start3A_295, %dma_start3A_301] : memref<2x128xi32, #tpu.memory_space<vmem>> -> memref<1x128xi32, #tpu.memory_space<vmem>>
    %dma_start3A_303 = tpu.memref_squeeze %dma_start3A_302 : memref<1x128xi32, #tpu.memory_space<vmem>> -> memref<128xi32, #tpu.memory_space<vmem>>
    %dma_start3A_304 = arith.constant 0 : i32
    %dma_start3A_305 = arith.constant 0 : i32
    %dma_start3A_306 = tpu.memref_slice %arg4[%dma_start3A_304, %dma_start3A_305] : memref<1000000x64xf32, #tpu.memory_space<hbm>> -> memref<1000000x64xf32, #tpu.memory_space<hbm>>
    tpu.enqueue_indirect_dma source(%dma_start3A_306 : memref<1000000x64xf32, #tpu.memory_space<hbm>>) target(%dma_start3A_300 : memref<128x64xf32, #tpu.memory_space<vmem>>) offsets(%dma_start3A_303 : memref<128xi32, #tpu.memory_space<vmem>>) semaphore(%arg13 : memref<!tpu.dma_semaphore, #tpu.memory_space<semaphore_mem>>)
    %dma_start3A_307 = arith.constant 0 : i32
    %dma_start3A_308 = arith.constant 0 : i32
    %dma_start3A_309 = arith.constant 0 : i32
    %dma_start3A_310 = arith.constant 0 : i32
    %dma_start3A_311 = arith.constant 0 : i32
    %dma_start3A_312 = arith.constant 0 : i32
    %dma_start3A_313 = tpu.memref_slice %arg11[%dma_start3A_309, %dma_start3A_310, %dma_start3A_311, %dma_start3A_312] : memref<2x5x128x64xf32, #tpu.memory_space<vmem>> -> memref<1x1x128x64xf32, #tpu.memory_space<vmem>>
    %dma_start3A_314 = tpu.memref_squeeze %dma_start3A_313 : memref<1x1x128x64xf32, #tpu.memory_space<vmem>> -> memref<128x64xf32, #tpu.memory_space<vmem>>
    %dma_start3A_315 = arith.constant 0 : i32
    %dma_start3A_316 = tpu.memref_slice %arg9[%dma_start3A_307, %dma_start3A_308, %dma_start3A_315] : memref<2x5x128xi32, #tpu.memory_space<vmem>> -> memref<1x1x128xi32, #tpu.memory_space<vmem>>
    %dma_start3A_317 = tpu.memref_squeeze %dma_start3A_316 : memref<1x1x128xi32, #tpu.memory_space<vmem>> -> memref<128xi32, #tpu.memory_space<vmem>>
    %dma_start3A_318 = arith.constant 0 : i32
    %dma_start3A_319 = arith.constant 0 : i32
    %dma_start3A_320 = tpu.memref_slice %arg5[%dma_start3A_318, %dma_start3A_319] : memref<1000000x64xf32, #tpu.memory_space<hbm>> -> memref<1000000x64xf32, #tpu.memory_space<hbm>>
    tpu.enqueue_indirect_dma source(%dma_start3A_320 : memref<1000000x64xf32, #tpu.memory_space<hbm>>) target(%dma_start3A_314 : memref<128x64xf32, #tpu.memory_space<vmem>>) offsets(%dma_start3A_317 : memref<128xi32, #tpu.memory_space<vmem>>) semaphore(%arg13 : memref<!tpu.dma_semaphore, #tpu.memory_space<semaphore_mem>>)
    %dma_start3A_321 = arith.constant 0 : i32
    %dma_start3A_322 = arith.constant 1 : i32
    %dma_start3A_323 = arith.constant 0 : i32
    %dma_start3A_324 = arith.constant 1 : i32
    %dma_start3A_325 = arith.constant 0 : i32
    %dma_start3A_326 = arith.constant 0 : i32
    %dma_start3A_327 = tpu.memref_slice %arg11[%dma_start3A_323, %dma_start3A_324, %dma_start3A_325, %dma_start3A_326] : memref<2x5x128x64xf32, #tpu.memory_space<vmem>> -> memref<1x1x128x64xf32, #tpu.memory_space<vmem>>
    %dma_start3A_328 = tpu.memref_squeeze %dma_start3A_327 : memref<1x1x128x64xf32, #tpu.memory_space<vmem>> -> memref<128x64xf32, #tpu.memory_space<vmem>>
    %dma_start3A_329 = arith.constant 0 : i32
    %dma_start3A_330 = tpu.memref_slice %arg9[%dma_start3A_321, %dma_start3A_322, %dma_start3A_329] : memref<2x5x128xi32, #tpu.memory_space<vmem>> -> memref<1x1x128xi32, #tpu.memory_space<vmem>>
    %dma_start3A_331 = tpu.memref_squeeze %dma_start3A_330 : memref<1x1x128xi32, #tpu.memory_space<vmem>> -> memref<128xi32, #tpu.memory_space<vmem>>
    %dma_start3A_332 = arith.constant 0 : i32
    %dma_start3A_333 = arith.constant 0 : i32
    %dma_start3A_334 = tpu.memref_slice %arg5[%dma_start3A_332, %dma_start3A_333] : memref<1000000x64xf32, #tpu.memory_space<hbm>> -> memref<1000000x64xf32, #tpu.memory_space<hbm>>
    tpu.enqueue_indirect_dma source(%dma_start3A_334 : memref<1000000x64xf32, #tpu.memory_space<hbm>>) target(%dma_start3A_328 : memref<128x64xf32, #tpu.memory_space<vmem>>) offsets(%dma_start3A_331 : memref<128xi32, #tpu.memory_space<vmem>>) semaphore(%arg13 : memref<!tpu.dma_semaphore, #tpu.memory_space<semaphore_mem>>)
    %dma_start3A_335 = arith.constant 0 : i32
    %dma_start3A_336 = arith.constant 2 : i32
    %dma_start3A_337 = arith.constant 0 : i32
    %dma_start3A_338 = arith.constant 2 : i32
    %dma_start3A_339 = arith.constant 0 : i32
    %dma_start3A_340 = arith.constant 0 : i32
    %dma_start3A_341 = tpu.memref_slice %arg11[%dma_start3A_337, %dma_start3A_338, %dma_start3A_339, %dma_start3A_340] : memref<2x5x128x64xf32, #tpu.memory_space<vmem>> -> memref<1x1x128x64xf32, #tpu.memory_space<vmem>>
    %dma_start3A_342 = tpu.memref_squeeze %dma_start3A_341 : memref<1x1x128x64xf32, #tpu.memory_space<vmem>> -> memref<128x64xf32, #tpu.memory_space<vmem>>
    %dma_start3A_343 = arith.constant 0 : i32
    %dma_start3A_344 = tpu.memref_slice %arg9[%dma_start3A_335, %dma_start3A_336, %dma_start3A_343] : memref<2x5x128xi32, #tpu.memory_space<vmem>> -> memref<1x1x128xi32, #tpu.memory_space<vmem>>
    %dma_start3A_345 = tpu.memref_squeeze %dma_start3A_344 : memref<1x1x128xi32, #tpu.memory_space<vmem>> -> memref<128xi32, #tpu.memory_space<vmem>>
    %dma_start3A_346 = arith.constant 0 : i32
    %dma_start3A_347 = arith.constant 0 : i32
    %dma_start3A_348 = tpu.memref_slice %arg5[%dma_start3A_346, %dma_start3A_347] : memref<1000000x64xf32, #tpu.memory_space<hbm>> -> memref<1000000x64xf32, #tpu.memory_space<hbm>>
    tpu.enqueue_indirect_dma source(%dma_start3A_348 : memref<1000000x64xf32, #tpu.memory_space<hbm>>) target(%dma_start3A_342 : memref<128x64xf32, #tpu.memory_space<vmem>>) offsets(%dma_start3A_345 : memref<128xi32, #tpu.memory_space<vmem>>) semaphore(%arg13 : memref<!tpu.dma_semaphore, #tpu.memory_space<semaphore_mem>>)
    %dma_start3A_349 = arith.constant 0 : i32
    %dma_start3A_350 = arith.constant 3 : i32
    %dma_start3A_351 = arith.constant 0 : i32
    %dma_start3A_352 = arith.constant 3 : i32
    %dma_start3A_353 = arith.constant 0 : i32
    %dma_start3A_354 = arith.constant 0 : i32
    %dma_start3A_355 = tpu.memref_slice %arg11[%dma_start3A_351, %dma_start3A_352, %dma_start3A_353, %dma_start3A_354] : memref<2x5x128x64xf32, #tpu.memory_space<vmem>> -> memref<1x1x128x64xf32, #tpu.memory_space<vmem>>
    %dma_start3A_356 = tpu.memref_squeeze %dma_start3A_355 : memref<1x1x128x64xf32, #tpu.memory_space<vmem>> -> memref<128x64xf32, #tpu.memory_space<vmem>>
    %dma_start3A_357 = arith.constant 0 : i32
    %dma_start3A_358 = tpu.memref_slice %arg9[%dma_start3A_349, %dma_start3A_350, %dma_start3A_357] : memref<2x5x128xi32, #tpu.memory_space<vmem>> -> memref<1x1x128xi32, #tpu.memory_space<vmem>>
    %dma_start3A_359 = tpu.memref_squeeze %dma_start3A_358 : memref<1x1x128xi32, #tpu.memory_space<vmem>> -> memref<128xi32, #tpu.memory_space<vmem>>
    %dma_start3A_360 = arith.constant 0 : i32
    %dma_start3A_361 = arith.constant 0 : i32
    %dma_start3A_362 = tpu.memref_slice %arg5[%dma_start3A_360, %dma_start3A_361] : memref<1000000x64xf32, #tpu.memory_space<hbm>> -> memref<1000000x64xf32, #tpu.memory_space<hbm>>
    tpu.enqueue_indirect_dma source(%dma_start3A_362 : memref<1000000x64xf32, #tpu.memory_space<hbm>>) target(%dma_start3A_356 : memref<128x64xf32, #tpu.memory_space<vmem>>) offsets(%dma_start3A_359 : memref<128xi32, #tpu.memory_space<vmem>>) semaphore(%arg13 : memref<!tpu.dma_semaphore, #tpu.memory_space<semaphore_mem>>)
    %dma_start3A_363 = arith.constant 0 : i32
    %dma_start3A_364 = arith.constant 4 : i32
    %dma_start3A_365 = arith.constant 0 : i32
    %dma_start3A_366 = arith.constant 4 : i32
    %dma_start3A_367 = arith.constant 0 : i32
    %dma_start3A_368 = arith.constant 0 : i32
    %dma_start3A_369 = tpu.memref_slice %arg11[%dma_start3A_365, %dma_start3A_366, %dma_start3A_367, %dma_start3A_368] : memref<2x5x128x64xf32, #tpu.memory_space<vmem>> -> memref<1x1x128x64xf32, #tpu.memory_space<vmem>>
    %dma_start3A_370 = tpu.memref_squeeze %dma_start3A_369 : memref<1x1x128x64xf32, #tpu.memory_space<vmem>> -> memref<128x64xf32, #tpu.memory_space<vmem>>
    %dma_start3A_371 = arith.constant 0 : i32
    %dma_start3A_372 = tpu.memref_slice %arg9[%dma_start3A_363, %dma_start3A_364, %dma_start3A_371] : memref<2x5x128xi32, #tpu.memory_space<vmem>> -> memref<1x1x128xi32, #tpu.memory_space<vmem>>
    %dma_start3A_373 = tpu.memref_squeeze %dma_start3A_372 : memref<1x1x128xi32, #tpu.memory_space<vmem>> -> memref<128xi32, #tpu.memory_space<vmem>>
    %dma_start3A_374 = arith.constant 0 : i32
    %dma_start3A_375 = arith.constant 0 : i32
    %dma_start3A_376 = tpu.memref_slice %arg5[%dma_start3A_374, %dma_start3A_375] : memref<1000000x64xf32, #tpu.memory_space<hbm>> -> memref<1000000x64xf32, #tpu.memory_space<hbm>>
    tpu.enqueue_indirect_dma source(%dma_start3A_376 : memref<1000000x64xf32, #tpu.memory_space<hbm>>) target(%dma_start3A_370 : memref<128x64xf32, #tpu.memory_space<vmem>>) offsets(%dma_start3A_373 : memref<128xi32, #tpu.memory_space<vmem>>) semaphore(%arg13 : memref<!tpu.dma_semaphore, #tpu.memory_space<semaphore_mem>>)
    %add3A_377 = arith.constant 128 : i32
    %add3A_378 = arith.addi %mul3A_2, %add3A_377 : i32
    %dma_wait3A_379 = arith.constant 1 : i32
    %dma_wait3A_380 = arith.constant 1 : i32
    %dma_wait3A_381 = arith.constant 0 : i32
    %dma_wait3A_382 = arith.constant 0 : i32
    %dma_wait3A_383 = tpu.memref_slice %arg10[%dma_wait3A_380, %dma_wait3A_381, %dma_wait3A_382] : memref<2x128x64xf32, #tpu.memory_space<vmem>> -> memref<1x128x64xf32, #tpu.memory_space<vmem>>
    %dma_wait3A_384 = tpu.memref_squeeze %dma_wait3A_383 : memref<1x128x64xf32, #tpu.memory_space<vmem>> -> memref<128x64xf32, #tpu.memory_space<vmem>>
    %dma_wait3A_385 = arith.constant 0 : i32
    %dma_wait3A_386 = tpu.memref_slice %arg7[%dma_wait3A_379, %dma_wait3A_385] : memref<2x128xi32, #tpu.memory_space<vmem>> -> memref<1x128xi32, #tpu.memory_space<vmem>>
    %dma_wait3A_387 = tpu.memref_squeeze %dma_wait3A_386 : memref<1x128xi32, #tpu.memory_space<vmem>> -> memref<128xi32, #tpu.memory_space<vmem>>
    %dma_wait3A_388 = arith.constant 0 : i32
    %dma_wait3A_389 = arith.constant 0 : i32
    %dma_wait3A_390 = tpu.memref_slice %arg4[%dma_wait3A_388, %dma_wait3A_389] : memref<1000000x64xf32, #tpu.memory_space<hbm>> -> memref<1000000x64xf32, #tpu.memory_space<hbm>>
    tpu.wait_indirect_dma semaphore(%arg14 : memref<!tpu.dma_semaphore, #tpu.memory_space<semaphore_mem>>) src(%dma_wait3A_390 : memref<1000000x64xf32, #tpu.memory_space<hbm>>) dst(%dma_wait3A_384 : memref<128x64xf32, #tpu.memory_space<vmem>>)
    %dma_wait3A_391 = arith.constant 1 : i32
    %dma_wait3A_392 = arith.constant 0 : i32
    %dma_wait3A_393 = arith.constant 1 : i32
    %dma_wait3A_394 = arith.constant 0 : i32
    %dma_wait3A_395 = arith.constant 0 : i32
    %dma_wait3A_396 = arith.constant 0 : i32
    %dma_wait3A_397 = tpu.memref_slice %arg11[%dma_wait3A_393, %dma_wait3A_394, %dma_wait3A_395, %dma_wait3A_396] : memref<2x5x128x64xf32, #tpu.memory_space<vmem>> -> memref<1x1x128x64xf32, #tpu.memory_space<vmem>>
    %dma_wait3A_398 = tpu.memref_squeeze %dma_wait3A_397 : memref<1x1x128x64xf32, #tpu.memory_space<vmem>> -> memref<128x64xf32, #tpu.memory_space<vmem>>
    %dma_wait3A_399 = arith.constant 0 : i32
    %dma_wait3A_400 = tpu.memref_slice %arg9[%dma_wait3A_391, %dma_wait3A_392, %dma_wait3A_399] : memref<2x5x128xi32, #tpu.memory_space<vmem>> -> memref<1x1x128xi32, #tpu.memory_space<vmem>>
    %dma_wait3A_401 = tpu.memref_squeeze %dma_wait3A_400 : memref<1x1x128xi32, #tpu.memory_space<vmem>> -> memref<128xi32, #tpu.memory_space<vmem>>
    %dma_wait3A_402 = arith.constant 0 : i32
    %dma_wait3A_403 = arith.constant 0 : i32
    %dma_wait3A_404 = tpu.memref_slice %arg5[%dma_wait3A_402, %dma_wait3A_403] : memref<1000000x64xf32, #tpu.memory_space<hbm>> -> memref<1000000x64xf32, #tpu.memory_space<hbm>>
    tpu.wait_indirect_dma semaphore(%arg14 : memref<!tpu.dma_semaphore, #tpu.memory_space<semaphore_mem>>) src(%dma_wait3A_404 : memref<1000000x64xf32, #tpu.memory_space<hbm>>) dst(%dma_wait3A_398 : memref<128x64xf32, #tpu.memory_space<vmem>>)
    %dma_wait3A_405 = arith.constant 1 : i32
    %dma_wait3A_406 = arith.constant 1 : i32
    %dma_wait3A_407 = arith.constant 1 : i32
    %dma_wait3A_408 = arith.constant 1 : i32
    %dma_wait3A_409 = arith.constant 0 : i32
    %dma_wait3A_410 = arith.constant 0 : i32
    %dma_wait3A_411 = tpu.memref_slice %arg11[%dma_wait3A_407, %dma_wait3A_408, %dma_wait3A_409, %dma_wait3A_410] : memref<2x5x128x64xf32, #tpu.memory_space<vmem>> -> memref<1x1x128x64xf32, #tpu.memory_space<vmem>>
    %dma_wait3A_412 = tpu.memref_squeeze %dma_wait3A_411 : memref<1x1x128x64xf32, #tpu.memory_space<vmem>> -> memref<128x64xf32, #tpu.memory_space<vmem>>
    %dma_wait3A_413 = arith.constant 0 : i32
    %dma_wait3A_414 = tpu.memref_slice %arg9[%dma_wait3A_405, %dma_wait3A_406, %dma_wait3A_413] : memref<2x5x128xi32, #tpu.memory_space<vmem>> -> memref<1x1x128xi32, #tpu.memory_space<vmem>>
    %dma_wait3A_415 = tpu.memref_squeeze %dma_wait3A_414 : memref<1x1x128xi32, #tpu.memory_space<vmem>> -> memref<128xi32, #tpu.memory_space<vmem>>
    %dma_wait3A_416 = arith.constant 0 : i32
    %dma_wait3A_417 = arith.constant 0 : i32
    %dma_wait3A_418 = tpu.memref_slice %arg5[%dma_wait3A_416, %dma_wait3A_417] : memref<1000000x64xf32, #tpu.memory_space<hbm>> -> memref<1000000x64xf32, #tpu.memory_space<hbm>>
    tpu.wait_indirect_dma semaphore(%arg14 : memref<!tpu.dma_semaphore, #tpu.memory_space<semaphore_mem>>) src(%dma_wait3A_418 : memref<1000000x64xf32, #tpu.memory_space<hbm>>) dst(%dma_wait3A_412 : memref<128x64xf32, #tpu.memory_space<vmem>>)
    %dma_wait3A_419 = arith.constant 1 : i32
    %dma_wait3A_420 = arith.constant 2 : i32
    %dma_wait3A_421 = arith.constant 1 : i32
    %dma_wait3A_422 = arith.constant 2 : i32
    %dma_wait3A_423 = arith.constant 0 : i32
    %dma_wait3A_424 = arith.constant 0 : i32
    %dma_wait3A_425 = tpu.memref_slice %arg11[%dma_wait3A_421, %dma_wait3A_422, %dma_wait3A_423, %dma_wait3A_424] : memref<2x5x128x64xf32, #tpu.memory_space<vmem>> -> memref<1x1x128x64xf32, #tpu.memory_space<vmem>>
    %dma_wait3A_426 = tpu.memref_squeeze %dma_wait3A_425 : memref<1x1x128x64xf32, #tpu.memory_space<vmem>> -> memref<128x64xf32, #tpu.memory_space<vmem>>
    %dma_wait3A_427 = arith.constant 0 : i32
    %dma_wait3A_428 = tpu.memref_slice %arg9[%dma_wait3A_419, %dma_wait3A_420, %dma_wait3A_427] : memref<2x5x128xi32, #tpu.memory_space<vmem>> -> memref<1x1x128xi32, #tpu.memory_space<vmem>>
    %dma_wait3A_429 = tpu.memref_squeeze %dma_wait3A_428 : memref<1x1x128xi32, #tpu.memory_space<vmem>> -> memref<128xi32, #tpu.memory_space<vmem>>
    %dma_wait3A_430 = arith.constant 0 : i32
    %dma_wait3A_431 = arith.constant 0 : i32
    %dma_wait3A_432 = tpu.memref_slice %arg5[%dma_wait3A_430, %dma_wait3A_431] : memref<1000000x64xf32, #tpu.memory_space<hbm>> -> memref<1000000x64xf32, #tpu.memory_space<hbm>>
    tpu.wait_indirect_dma semaphore(%arg14 : memref<!tpu.dma_semaphore, #tpu.memory_space<semaphore_mem>>) src(%dma_wait3A_432 : memref<1000000x64xf32, #tpu.memory_space<hbm>>) dst(%dma_wait3A_426 : memref<128x64xf32, #tpu.memory_space<vmem>>)
    %dma_wait3A_433 = arith.constant 1 : i32
    %dma_wait3A_434 = arith.constant 3 : i32
    %dma_wait3A_435 = arith.constant 1 : i32
    %dma_wait3A_436 = arith.constant 3 : i32
    %dma_wait3A_437 = arith.constant 0 : i32
    %dma_wait3A_438 = arith.constant 0 : i32
    %dma_wait3A_439 = tpu.memref_slice %arg11[%dma_wait3A_435, %dma_wait3A_436, %dma_wait3A_437, %dma_wait3A_438] : memref<2x5x128x64xf32, #tpu.memory_space<vmem>> -> memref<1x1x128x64xf32, #tpu.memory_space<vmem>>
    %dma_wait3A_440 = tpu.memref_squeeze %dma_wait3A_439 : memref<1x1x128x64xf32, #tpu.memory_space<vmem>> -> memref<128x64xf32, #tpu.memory_space<vmem>>
    %dma_wait3A_441 = arith.constant 0 : i32
    %dma_wait3A_442 = tpu.memref_slice %arg9[%dma_wait3A_433, %dma_wait3A_434, %dma_wait3A_441] : memref<2x5x128xi32, #tpu.memory_space<vmem>> -> memref<1x1x128xi32, #tpu.memory_space<vmem>>
    %dma_wait3A_443 = tpu.memref_squeeze %dma_wait3A_442 : memref<1x1x128xi32, #tpu.memory_space<vmem>> -> memref<128xi32, #tpu.memory_space<vmem>>
    %dma_wait3A_444 = arith.constant 0 : i32
    %dma_wait3A_445 = arith.constant 0 : i32
    %dma_wait3A_446 = tpu.memref_slice %arg5[%dma_wait3A_444, %dma_wait3A_445] : memref<1000000x64xf32, #tpu.memory_space<hbm>> -> memref<1000000x64xf32, #tpu.memory_space<hbm>>
    tpu.wait_indirect_dma semaphore(%arg14 : memref<!tpu.dma_semaphore, #tpu.memory_space<semaphore_mem>>) src(%dma_wait3A_446 : memref<1000000x64xf32, #tpu.memory_space<hbm>>) dst(%dma_wait3A_440 : memref<128x64xf32, #tpu.memory_space<vmem>>)
    %dma_wait3A_447 = arith.constant 1 : i32
    %dma_wait3A_448 = arith.constant 4 : i32
    %dma_wait3A_449 = arith.constant 1 : i32
    %dma_wait3A_450 = arith.constant 4 : i32
    %dma_wait3A_451 = arith.constant 0 : i32
    %dma_wait3A_452 = arith.constant 0 : i32
    %dma_wait3A_453 = tpu.memref_slice %arg11[%dma_wait3A_449, %dma_wait3A_450, %dma_wait3A_451, %dma_wait3A_452] : memref<2x5x128x64xf32, #tpu.memory_space<vmem>> -> memref<1x1x128x64xf32, #tpu.memory_space<vmem>>
    %dma_wait3A_454 = tpu.memref_squeeze %dma_wait3A_453 : memref<1x1x128x64xf32, #tpu.memory_space<vmem>> -> memref<128x64xf32, #tpu.memory_space<vmem>>
    %dma_wait3A_455 = arith.constant 0 : i32
    %dma_wait3A_456 = tpu.memref_slice %arg9[%dma_wait3A_447, %dma_wait3A_448, %dma_wait3A_455] : memref<2x5x128xi32, #tpu.memory_space<vmem>> -> memref<1x1x128xi32, #tpu.memory_space<vmem>>
    %dma_wait3A_457 = tpu.memref_squeeze %dma_wait3A_456 : memref<1x1x128xi32, #tpu.memory_space<vmem>> -> memref<128xi32, #tpu.memory_space<vmem>>
    %dma_wait3A_458 = arith.constant 0 : i32
    %dma_wait3A_459 = arith.constant 0 : i32
    %dma_wait3A_460 = tpu.memref_slice %arg5[%dma_wait3A_458, %dma_wait3A_459] : memref<1000000x64xf32, #tpu.memory_space<hbm>> -> memref<1000000x64xf32, #tpu.memory_space<hbm>>
    tpu.wait_indirect_dma semaphore(%arg14 : memref<!tpu.dma_semaphore, #tpu.memory_space<semaphore_mem>>) src(%dma_wait3A_460 : memref<1000000x64xf32, #tpu.memory_space<hbm>>) dst(%dma_wait3A_454 : memref<128x64xf32, #tpu.memory_space<vmem>>)
    %scan3A_461 = arith.constant 0 : i32
    %scan3A_462 = arith.constant 0 : i32
    %scan3A_463 = arith.constant 8 : i32
    %scan3A_464 = arith.addi %scan3A_462, %scan3A_463 : i32
    %scan3A_465 = arith.constant 1 : i32
    %scan3A_466 = scf.for %scan3A_751 = %scan3A_462 to %scan3A_464 step %scan3A_465 iter_args(%scan3A_752 = %scan3A_461) -> (i32)  : i32 {
      %mul3A_753 = arith.constant 16 : i32
      %mul3A_754 = arith.muli %scan3A_751, %mul3A_753 : i32
      %add3A_755 = vector.broadcast %mul3A_754 : i32 to vector<16xi32>
      %add3A_756 = arith.addi %add3A_755, %iota3A : vector<16xi32>
      %broadcast_in_dim3A = arith.constant 1 : i32
      %broadcast_in_dim3A_757 = vector.broadcast %broadcast_in_dim3A : i32 to vector<16xi32>
      %broadcast_in_dim3A_758 = arith.constant 0 : i32
      %broadcast_in_dim3A_759 = vector.broadcast %broadcast_in_dim3A_758 : i32 to vector<16xi32>
      %broadcast_in_dim3A_760 = arith.constant 1 : i32
      %broadcast_in_dim3A_761 = vector.broadcast %broadcast_in_dim3A_760 : i32 to vector<16xi32>
      %broadcast_in_dim3A_762 = arith.constant 2 : i32
      %broadcast_in_dim3A_763 = vector.broadcast %broadcast_in_dim3A_762 : i32 to vector<16xi32>
      %broadcast_in_dim3A_764 = arith.constant 3 : i32
      %broadcast_in_dim3A_765 = vector.broadcast %broadcast_in_dim3A_764 : i32 to vector<16xi32>
      %broadcast_in_dim3A_766 = arith.constant 4 : i32
      %broadcast_in_dim3A_767 = vector.broadcast %broadcast_in_dim3A_766 : i32 to vector<16xi32>
      %broadcast_in_dim3A_768 = arith.constant 0.000000e+00 : f32
      %broadcast_in_dim3A_769 = vector.broadcast %broadcast_in_dim3A_768 : f32 to vector<16xf32>
      %broadcast_in_dim3A_770 = arith.constant 0.000000e+00 : f32
      %broadcast_in_dim3A_771 = vector.broadcast %broadcast_in_dim3A_770 : f32 to vector<16xf32>
      %broadcast_in_dim3A_772 = arith.constant 0.000000e+00 : f32
      %broadcast_in_dim3A_773 = vector.broadcast %broadcast_in_dim3A_772 : f32 to vector<16xf32>
      %broadcast_in_dim3A_774 = arith.constant 0.000000e+00 : f32
      %broadcast_in_dim3A_775 = vector.broadcast %broadcast_in_dim3A_774 : f32 to vector<16xf32>
      %broadcast_in_dim3A_776 = arith.constant 0.000000e+00 : f32
      %broadcast_in_dim3A_777 = vector.broadcast %broadcast_in_dim3A_776 : f32 to vector<16xf32>
      %scan3A_778 = arith.constant 0 : i32
      %scan3A_779 = arith.constant 64 : i32
      %scan3A_780 = arith.addi %scan3A_778, %scan3A_779 : i32
      %scan3A_781 = arith.constant 4 : i32
      %scan3A_782:5 = scf.for %scan3A_815 = %scan3A_778 to %scan3A_780 step %scan3A_781 iter_args(%scan3A_816 = %broadcast_in_dim3A_769, %scan3A_817 = %broadcast_in_dim3A_771, %scan3A_818 = %broadcast_in_dim3A_773, %scan3A_819 = %broadcast_in_dim3A_775, %scan3A_820 = %broadcast_in_dim3A_777) -> (vector<16xf32>, vector<16xf32>, vector<16xf32>, vector<16xf32>, vector<16xf32>)  : i32 {
        %broadcast_in_dim3A_821 = arith.constant 0 : i32
        %broadcast_in_dim3A_822 = vector.broadcast %broadcast_in_dim3A_821 : i32 to vector<16xi32>
        %add3A_823 = vector.broadcast %scan3A_815 : i32 to vector<16xi32>
        %add3A_824 = arith.addi %broadcast_in_dim3A_822, %add3A_823 : vector<16xi32>
        %gather3A = tpu.vector_load_idx %arg10[%broadcast_in_dim3A_757, %add3A_756, %add3A_824] : memref<2x128x64xf32, #tpu.memory_space<vmem>>[vector<16xi32>, vector<16xi32>, vector<16xi32>], vector<16xf32>,
        %gather3A_825 = tpu.vector_load_idx %arg11[%broadcast_in_dim3A_757, %broadcast_in_dim3A_759, %add3A_756, %add3A_824] : memref<2x5x128x64xf32, #tpu.memory_space<vmem>>[vector<16xi32>, vector<16xi32>, vector<16xi32>, vector<16xi32>], vector<16xf32>,
        %mul3A_826 = arith.mulf %gather3A_825, %gather3A : vector<16xf32>
        %add3A_827 = arith.addf %scan3A_816, %mul3A_826 : vector<16xf32>
        %gather3A_828 = tpu.vector_load_idx %arg11[%broadcast_in_dim3A_757, %broadcast_in_dim3A_761, %add3A_756, %add3A_824] : memref<2x5x128x64xf32, #tpu.memory_space<vmem>>[vector<16xi32>, vector<16xi32>, vector<16xi32>, vector<16xi32>], vector<16xf32>,
        %mul3A_829 = arith.mulf %gather3A_828, %gather3A : vector<16xf32>
        %add3A_830 = arith.addf %scan3A_817, %mul3A_829 : vector<16xf32>
        %gather3A_831 = tpu.vector_load_idx %arg11[%broadcast_in_dim3A_757, %broadcast_in_dim3A_763, %add3A_756, %add3A_824] : memref<2x5x128x64xf32, #tpu.memory_space<vmem>>[vector<16xi32>, vector<16xi32>, vector<16xi32>, vector<16xi32>], vector<16xf32>,
        %mul3A_832 = arith.mulf %gather3A_831, %gather3A : vector<16xf32>
        %add3A_833 = arith.addf %scan3A_818, %mul3A_832 : vector<16xf32>
        %gather3A_834 = tpu.vector_load_idx %arg11[%broadcast_in_dim3A_757, %broadcast_in_dim3A_765, %add3A_756, %add3A_824] : memref<2x5x128x64xf32, #tpu.memory_space<vmem>>[vector<16xi32>, vector<16xi32>, vector<16xi32>, vector<16xi32>], vector<16xf32>,
        %mul3A_835 = arith.mulf %gather3A_834, %gather3A : vector<16xf32>
        %add3A_836 = arith.addf %scan3A_819, %mul3A_835 : vector<16xf32>
        %gather3A_837 = tpu.vector_load_idx %arg11[%broadcast_in_dim3A_757, %broadcast_in_dim3A_767, %add3A_756, %add3A_824] : memref<2x5x128x64xf32, #tpu.memory_space<vmem>>[vector<16xi32>, vector<16xi32>, vector<16xi32>, vector<16xi32>], vector<16xf32>,
        %mul3A_838 = arith.mulf %gather3A_837, %gather3A : vector<16xf32>
        %add3A_839 = arith.addf %scan3A_820, %mul3A_838 : vector<16xf32>
        %scan3A_840 = arith.constant 1 : i32
        %scan3A_841 = arith.addi %scan3A_815, %scan3A_840 : i32
        %broadcast_in_dim3A_842 = arith.constant 0 : i32
        %broadcast_in_dim3A_843 = vector.broadcast %broadcast_in_dim3A_842 : i32 to vector<16xi32>
        %add3A_844 = vector.broadcast %scan3A_841 : i32 to vector<16xi32>
        %add3A_845 = arith.addi %broadcast_in_dim3A_843, %add3A_844 : vector<16xi32>
        %gather3A_846 = tpu.vector_load_idx %arg10[%broadcast_in_dim3A_757, %add3A_756, %add3A_845] : memref<2x128x64xf32, #tpu.memory_space<vmem>>[vector<16xi32>, vector<16xi32>, vector<16xi32>], vector<16xf32>,
        %gather3A_847 = tpu.vector_load_idx %arg11[%broadcast_in_dim3A_757, %broadcast_in_dim3A_759, %add3A_756, %add3A_845] : memref<2x5x128x64xf32, #tpu.memory_space<vmem>>[vector<16xi32>, vector<16xi32>, vector<16xi32>, vector<16xi32>], vector<16xf32>,
        %mul3A_848 = arith.mulf %gather3A_847, %gather3A_846 : vector<16xf32>
        %add3A_849 = arith.addf %add3A_827, %mul3A_848 : vector<16xf32>
        %gather3A_850 = tpu.vector_load_idx %arg11[%broadcast_in_dim3A_757, %broadcast_in_dim3A_761, %add3A_756, %add3A_845] : memref<2x5x128x64xf32, #tpu.memory_space<vmem>>[vector<16xi32>, vector<16xi32>, vector<16xi32>, vector<16xi32>], vector<16xf32>,
        %mul3A_851 = arith.mulf %gather3A_850, %gather3A_846 : vector<16xf32>
        %add3A_852 = arith.addf %add3A_830, %mul3A_851 : vector<16xf32>
        %gather3A_853 = tpu.vector_load_idx %arg11[%broadcast_in_dim3A_757, %broadcast_in_dim3A_763, %add3A_756, %add3A_845] : memref<2x5x128x64xf32, #tpu.memory_space<vmem>>[vector<16xi32>, vector<16xi32>, vector<16xi32>, vector<16xi32>], vector<16xf32>,
        %mul3A_854 = arith.mulf %gather3A_853, %gather3A_846 : vector<16xf32>
        %add3A_855 = arith.addf %add3A_833, %mul3A_854 : vector<16xf32>
        %gather3A_856 = tpu.vector_load_idx %arg11[%broadcast_in_dim3A_757, %broadcast_in_dim3A_765, %add3A_756, %add3A_845] : memref<2x5x128x64xf32, #tpu.memory_space<vmem>>[vector<16xi32>, vector<16xi32>, vector<16xi32>, vector<16xi32>], vector<16xf32>,
        %mul3A_857 = arith.mulf %gather3A_856, %gather3A_846 : vector<16xf32>
        %add3A_858 = arith.addf %add3A_836, %mul3A_857 : vector<16xf32>
        %gather3A_859 = tpu.vector_load_idx %arg11[%broadcast_in_dim3A_757, %broadcast_in_dim3A_767, %add3A_756, %add3A_845] : memref<2x5x128x64xf32, #tpu.memory_space<vmem>>[vector<16xi32>, vector<16xi32>, vector<16xi32>, vector<16xi32>], vector<16xf32>,
        %mul3A_860 = arith.mulf %gather3A_859, %gather3A_846 : vector<16xf32>
        %add3A_861 = arith.addf %add3A_839, %mul3A_860 : vector<16xf32>
        %scan3A_862 = arith.constant 2 : i32
        %scan3A_863 = arith.addi %scan3A_815, %scan3A_862 : i32
        %broadcast_in_dim3A_864 = arith.constant 0 : i32
        %broadcast_in_dim3A_865 = vector.broadcast %broadcast_in_dim3A_864 : i32 to vector<16xi32>
        %add3A_866 = vector.broadcast %scan3A_863 : i32 to vector<16xi32>
        %add3A_867 = arith.addi %broadcast_in_dim3A_865, %add3A_866 : vector<16xi32>
        %gather3A_868 = tpu.vector_load_idx %arg10[%broadcast_in_dim3A_757, %add3A_756, %add3A_867] : memref<2x128x64xf32, #tpu.memory_space<vmem>>[vector<16xi32>, vector<16xi32>, vector<16xi32>], vector<16xf32>,
        %gather3A_869 = tpu.vector_load_idx %arg11[%broadcast_in_dim3A_757, %broadcast_in_dim3A_759, %add3A_756, %add3A_867] : memref<2x5x128x64xf32, #tpu.memory_space<vmem>>[vector<16xi32>, vector<16xi32>, vector<16xi32>, vector<16xi32>], vector<16xf32>,
        %mul3A_870 = arith.mulf %gather3A_869, %gather3A_868 : vector<16xf32>
        %add3A_871 = arith.addf %add3A_849, %mul3A_870 : vector<16xf32>
        %gather3A_872 = tpu.vector_load_idx %arg11[%broadcast_in_dim3A_757, %broadcast_in_dim3A_761, %add3A_756, %add3A_867] : memref<2x5x128x64xf32, #tpu.memory_space<vmem>>[vector<16xi32>, vector<16xi32>, vector<16xi32>, vector<16xi32>], vector<16xf32>,
        %mul3A_873 = arith.mulf %gather3A_872, %gather3A_868 : vector<16xf32>
        %add3A_874 = arith.addf %add3A_852, %mul3A_873 : vector<16xf32>
        %gather3A_875 = tpu.vector_load_idx %arg11[%broadcast_in_dim3A_757, %broadcast_in_dim3A_763, %add3A_756, %add3A_867] : memref<2x5x128x64xf32, #tpu.memory_space<vmem>>[vector<16xi32>, vector<16xi32>, vector<16xi32>, vector<16xi32>], vector<16xf32>,
        %mul3A_876 = arith.mulf %gather3A_875, %gather3A_868 : vector<16xf32>
        %add3A_877 = arith.addf %add3A_855, %mul3A_876 : vector<16xf32>
        %gather3A_878 = tpu.vector_load_idx %arg11[%broadcast_in_dim3A_757, %broadcast_in_dim3A_765, %add3A_756, %add3A_867] : memref<2x5x128x64xf32, #tpu.memory_space<vmem>>[vector<16xi32>, vector<16xi32>, vector<16xi32>, vector<16xi32>], vector<16xf32>,
        %mul3A_879 = arith.mulf %gather3A_878, %gather3A_868 : vector<16xf32>
        %add3A_880 = arith.addf %add3A_858, %mul3A_879 : vector<16xf32>
        %gather3A_881 = tpu.vector_load_idx %arg11[%broadcast_in_dim3A_757, %broadcast_in_dim3A_767, %add3A_756, %add3A_867] : memref<2x5x128x64xf32, #tpu.memory_space<vmem>>[vector<16xi32>, vector<16xi32>, vector<16xi32>, vector<16xi32>], vector<16xf32>,
        %mul3A_882 = arith.mulf %gather3A_881, %gather3A_868 : vector<16xf32>
        %add3A_883 = arith.addf %add3A_861, %mul3A_882 : vector<16xf32>
        %scan3A_884 = arith.constant 3 : i32
        %scan3A_885 = arith.addi %scan3A_815, %scan3A_884 : i32
        %broadcast_in_dim3A_886 = arith.constant 0 : i32
        %broadcast_in_dim3A_887 = vector.broadcast %broadcast_in_dim3A_886 : i32 to vector<16xi32>
        %add3A_888 = vector.broadcast %scan3A_885 : i32 to vector<16xi32>
        %add3A_889 = arith.addi %broadcast_in_dim3A_887, %add3A_888 : vector<16xi32>
        %gather3A_890 = tpu.vector_load_idx %arg10[%broadcast_in_dim3A_757, %add3A_756, %add3A_889] : memref<2x128x64xf32, #tpu.memory_space<vmem>>[vector<16xi32>, vector<16xi32>, vector<16xi32>], vector<16xf32>,
        %gather3A_891 = tpu.vector_load_idx %arg11[%broadcast_in_dim3A_757, %broadcast_in_dim3A_759, %add3A_756, %add3A_889] : memref<2x5x128x64xf32, #tpu.memory_space<vmem>>[vector<16xi32>, vector<16xi32>, vector<16xi32>, vector<16xi32>], vector<16xf32>,
        %mul3A_892 = arith.mulf %gather3A_891, %gather3A_890 : vector<16xf32>
        %add3A_893 = arith.addf %add3A_871, %mul3A_892 : vector<16xf32>
        %gather3A_894 = tpu.vector_load_idx %arg11[%broadcast_in_dim3A_757, %broadcast_in_dim3A_761, %add3A_756, %add3A_889] : memref<2x5x128x64xf32, #tpu.memory_space<vmem>>[vector<16xi32>, vector<16xi32>, vector<16xi32>, vector<16xi32>], vector<16xf32>,
        %mul3A_895 = arith.mulf %gather3A_894, %gather3A_890 : vector<16xf32>
        %add3A_896 = arith.addf %add3A_874, %mul3A_895 : vector<16xf32>
        %gather3A_897 = tpu.vector_load_idx %arg11[%broadcast_in_dim3A_757, %broadcast_in_dim3A_763, %add3A_756, %add3A_889] : memref<2x5x128x64xf32, #tpu.memory_space<vmem>>[vector<16xi32>, vector<16xi32>, vector<16xi32>, vector<16xi32>], vector<16xf32>,
        %mul3A_898 = arith.mulf %gather3A_897, %gather3A_890 : vector<16xf32>
        %add3A_899 = arith.addf %add3A_877, %mul3A_898 : vector<16xf32>
        %gather3A_900 = tpu.vector_load_idx %arg11[%broadcast_in_dim3A_757, %broadcast_in_dim3A_765, %add3A_756, %add3A_889] : memref<2x5x128x64xf32, #tpu.memory_space<vmem>>[vector<16xi32>, vector<16xi32>, vector<16xi32>, vector<16xi32>], vector<16xf32>,
        %mul3A_901 = arith.mulf %gather3A_900, %gather3A_890 : vector<16xf32>
        %add3A_902 = arith.addf %add3A_880, %mul3A_901 : vector<16xf32>
        %gather3A_903 = tpu.vector_load_idx %arg11[%broadcast_in_dim3A_757, %broadcast_in_dim3A_767, %add3A_756, %add3A_889] : memref<2x5x128x64xf32, #tpu.memory_space<vmem>>[vector<16xi32>, vector<16xi32>, vector<16xi32>, vector<16xi32>], vector<16xf32>,
        %mul3A_904 = arith.mulf %gather3A_903, %gather3A_890 : vector<16xf32>
        %add3A_905 = arith.addf %add3A_883, %mul3A_904 : vector<16xf32>
        scf.yield %add3A_893, %add3A_896, %add3A_899, %add3A_902, %add3A_905 : vector<16xf32>, vector<16xf32>, vector<16xf32>, vector<16xf32>, vector<16xf32>
      }
      %scan3A_783 = arith.constant 64 : i32
      %mul3A_784 = arith.constant 5 : i32
      %mul3A_785 = vector.broadcast %mul3A_784 : i32 to vector<16xi32>
      %mul3A_786 = arith.muli %add3A_756, %mul3A_785 : vector<16xi32>
      %add3A_787 = arith.constant 0 : i32
      %add3A_788 = vector.broadcast %add3A_787 : i32 to vector<16xi32>
      %add3A_789 = arith.addi %mul3A_786, %add3A_788 : vector<16xi32>
      tpu.vector_store_idx %arg12[%add3A_789], %scan3A_782#0 : memref<640xf32, #tpu.memory_space<vmem>>[vector<16xi32>], vector<16xf32>,
      %mul3A_790 = arith.constant 5 : i32
      %mul3A_791 = vector.broadcast %mul3A_790 : i32 to vector<16xi32>
      %mul3A_792 = arith.muli %add3A_756, %mul3A_791 : vector<16xi32>
      %add3A_793 = arith.constant 1 : i32
      %add3A_794 = vector.broadcast %add3A_793 : i32 to vector<16xi32>
      %add3A_795 = arith.addi %mul3A_792, %add3A_794 : vector<16xi32>
      tpu.vector_store_idx %arg12[%add3A_795], %scan3A_782#1 : memref<640xf32, #tpu.memory_space<vmem>>[vector<16xi32>], vector<16xf32>,
      %mul3A_796 = arith.constant 5 : i32
      %mul3A_797 = vector.broadcast %mul3A_796 : i32 to vector<16xi32>
      %mul3A_798 = arith.muli %add3A_756, %mul3A_797 : vector<16xi32>
      %add3A_799 = arith.constant 2 : i32
      %add3A_800 = vector.broadcast %add3A_799 : i32 to vector<16xi32>
      %add3A_801 = arith.addi %mul3A_798, %add3A_800 : vector<16xi32>
      tpu.vector_store_idx %arg12[%add3A_801], %scan3A_782#2 : memref<640xf32, #tpu.memory_space<vmem>>[vector<16xi32>], vector<16xf32>,
      %mul3A_802 = arith.constant 5 : i32
      %mul3A_803 = vector.broadcast %mul3A_802 : i32 to vector<16xi32>
      %mul3A_804 = arith.muli %add3A_756, %mul3A_803 : vector<16xi32>
      %add3A_805 = arith.constant 3 : i32
      %add3A_806 = vector.broadcast %add3A_805 : i32 to vector<16xi32>
      %add3A_807 = arith.addi %mul3A_804, %add3A_806 : vector<16xi32>
      tpu.vector_store_idx %arg12[%add3A_807], %scan3A_782#3 : memref<640xf32, #tpu.memory_space<vmem>>[vector<16xi32>], vector<16xf32>,
      %mul3A_808 = arith.constant 5 : i32
      %mul3A_809 = vector.broadcast %mul3A_808 : i32 to vector<16xi32>
      %mul3A_810 = arith.muli %add3A_756, %mul3A_809 : vector<16xi32>
      %add3A_811 = arith.constant 4 : i32
      %add3A_812 = vector.broadcast %add3A_811 : i32 to vector<16xi32>
      %add3A_813 = arith.addi %mul3A_810, %add3A_812 : vector<16xi32>
      tpu.vector_store_idx %arg12[%add3A_813], %scan3A_782#4 : memref<640xf32, #tpu.memory_space<vmem>>[vector<16xi32>], vector<16xf32>,
      %scan3A_814 = arith.constant 0 : i32
      scf.yield %scan3A_814 : i32
    }
    %scan3A_467 = arith.constant 8 : i32
    %mul3A_468 = arith.constant 5 : i32
    %mul3A_469 = arith.muli %add3A_378, %mul3A_468 : i32
    "tpu.region"() ({
      %run_scoped3A_751 = tpu.sem_alloc : memref<!tpu.dma_semaphore, #tpu.memory_space<semaphore_mem>>
      %dma_start3A_752 = tpu.memref_slice %arg6[%mul3A_469] : memref<81920xf32, #tpu.memory_space<hbm>> -> memref<640xf32, #tpu.memory_space<hbm>>
      %dma_start3A_753 = tpu.memref_slice %arg6[%mul3A_469] : memref<81920xf32, #tpu.memory_space<hbm>> -> memref<640xf32, #tpu.memory_space<hbm>>
      tpu.enqueue_dma source(%arg12 : memref<640xf32, #tpu.memory_space<vmem>>) target(%dma_start3A_753 : memref<640xf32, #tpu.memory_space<hbm>>) target_semaphore(%run_scoped3A_751 : memref<!tpu.dma_semaphore, #tpu.memory_space<semaphore_mem>>)
      %dma_wait3A_754 = tpu.memref_slice %arg6[%mul3A_469] : memref<81920xf32, #tpu.memory_space<hbm>> -> memref<640xf32, #tpu.memory_space<hbm>>
      %dma_wait3A_755 = tpu.memref_slice %arg6[%mul3A_469] : memref<81920xf32, #tpu.memory_space<hbm>> -> memref<640xf32, #tpu.memory_space<hbm>>
      tpu.wait_dma2 semaphore(%run_scoped3A_751 : memref<!tpu.dma_semaphore, #tpu.memory_space<semaphore_mem>>) src(%arg12 : memref<640xf32, #tpu.memory_space<vmem>>) dst(%dma_wait3A_755 : memref<640xf32, #tpu.memory_space<hbm>>)
      tpu.yield
    }) : () -> ()
    %add3A_470 = arith.constant 384 : i32
    %add3A_471 = arith.addi %mul3A_2, %add3A_470 : i32
    %run_scoped3A_472 = arith.constant 1 : i32
    "tpu.region"() ({
      %run_scoped3A_751 = tpu.sem_alloc : memref<!tpu.dma_semaphore, #tpu.memory_space<semaphore_mem>>
      %dma_start3A_752 = arith.constant 0 : i32
      %dma_start3A_753 = tpu.memref_slice %arg7[%run_scoped3A_472, %dma_start3A_752] : memref<2x128xi32, #tpu.memory_space<vmem>> -> memref<1x128xi32, #tpu.memory_space<vmem>>
      %dma_start3A_754 = tpu.memref_squeeze %dma_start3A_753 : memref<1x128xi32, #tpu.memory_space<vmem>> -> memref<128xi32, #tpu.memory_space<vmem>>
      %dma_start3A_755 = tpu.memref_slice %arg2[%add3A_471] : memref<16384xi32, #tpu.memory_space<hbm>> -> memref<128xi32, #tpu.memory_space<hbm>>
      %dma_start3A_756 = arith.constant 0 : i32
      %dma_start3A_757 = tpu.memref_slice %arg7[%run_scoped3A_472, %dma_start3A_756] : memref<2x128xi32, #tpu.memory_space<vmem>> -> memref<1x128xi32, #tpu.memory_space<vmem>>
      %dma_start3A_758 = tpu.memref_squeeze %dma_start3A_757 : memref<1x128xi32, #tpu.memory_space<vmem>> -> memref<128xi32, #tpu.memory_space<vmem>>
      %dma_start3A_759 = tpu.memref_slice %arg2[%add3A_471] : memref<16384xi32, #tpu.memory_space<hbm>> -> memref<128xi32, #tpu.memory_space<hbm>>
      tpu.enqueue_dma source(%dma_start3A_759 : memref<128xi32, #tpu.memory_space<hbm>>) target(%dma_start3A_758 : memref<128xi32, #tpu.memory_space<vmem>>) target_semaphore(%run_scoped3A_751 : memref<!tpu.dma_semaphore, #tpu.memory_space<semaphore_mem>>)
      %dma_wait3A_760 = arith.constant 0 : i32
      %dma_wait3A_761 = tpu.memref_slice %arg7[%run_scoped3A_472, %dma_wait3A_760] : memref<2x128xi32, #tpu.memory_space<vmem>> -> memref<1x128xi32, #tpu.memory_space<vmem>>
      %dma_wait3A_762 = tpu.memref_squeeze %dma_wait3A_761 : memref<1x128xi32, #tpu.memory_space<vmem>> -> memref<128xi32, #tpu.memory_space<vmem>>
      %dma_wait3A_763 = tpu.memref_slice %arg2[%add3A_471] : memref<16384xi32, #tpu.memory_space<hbm>> -> memref<128xi32, #tpu.memory_space<hbm>>
      %dma_wait3A_764 = arith.constant 0 : i32
      %dma_wait3A_765 = tpu.memref_slice %arg7[%run_scoped3A_472, %dma_wait3A_764] : memref<2x128xi32, #tpu.memory_space<vmem>> -> memref<1x128xi32, #tpu.memory_space<vmem>>
      %dma_wait3A_766 = tpu.memref_squeeze %dma_wait3A_765 : memref<1x128xi32, #tpu.memory_space<vmem>> -> memref<128xi32, #tpu.memory_space<vmem>>
      %dma_wait3A_767 = tpu.memref_slice %arg2[%add3A_471] : memref<16384xi32, #tpu.memory_space<hbm>> -> memref<128xi32, #tpu.memory_space<hbm>>
      tpu.wait_dma2 semaphore(%run_scoped3A_751 : memref<!tpu.dma_semaphore, #tpu.memory_space<semaphore_mem>>) src(%dma_wait3A_767 : memref<128xi32, #tpu.memory_space<hbm>>) dst(%dma_wait3A_766 : memref<128xi32, #tpu.memory_space<vmem>>)
      tpu.yield
    }) : () -> ()
    %mul3A_473 = arith.constant 5 : i32
    %mul3A_474 = arith.muli %add3A_471, %mul3A_473 : i32
    %run_scoped3A_475 = arith.constant 1 : i32
    "tpu.region"() ({
      %run_scoped3A_751 = tpu.sem_alloc : memref<!tpu.dma_semaphore, #tpu.memory_space<semaphore_mem>>
      %dma_start3A_752 = arith.constant 0 : i32
      %dma_start3A_753 = tpu.memref_slice %arg8[%run_scoped3A_475, %dma_start3A_752] : memref<2x640xi32, #tpu.memory_space<vmem>> -> memref<1x640xi32, #tpu.memory_space<vmem>>
      %dma_start3A_754 = tpu.memref_squeeze %dma_start3A_753 : memref<1x640xi32, #tpu.memory_space<vmem>> -> memref<640xi32, #tpu.memory_space<vmem>>
      %dma_start3A_755 = tpu.memref_slice %arg3[%mul3A_474] : memref<81920xi32, #tpu.memory_space<hbm>> -> memref<640xi32, #tpu.memory_space<hbm>>
      %dma_start3A_756 = arith.constant 0 : i32
      %dma_start3A_757 = tpu.memref_slice %arg8[%run_scoped3A_475, %dma_start3A_756] : memref<2x640xi32, #tpu.memory_space<vmem>> -> memref<1x640xi32, #tpu.memory_space<vmem>>
      %dma_start3A_758 = tpu.memref_squeeze %dma_start3A_757 : memref<1x640xi32, #tpu.memory_space<vmem>> -> memref<640xi32, #tpu.memory_space<vmem>>
      %dma_start3A_759 = tpu.memref_slice %arg3[%mul3A_474] : memref<81920xi32, #tpu.memory_space<hbm>> -> memref<640xi32, #tpu.memory_space<hbm>>
      tpu.enqueue_dma source(%dma_start3A_759 : memref<640xi32, #tpu.memory_space<hbm>>) target(%dma_start3A_758 : memref<640xi32, #tpu.memory_space<vmem>>) target_semaphore(%run_scoped3A_751 : memref<!tpu.dma_semaphore, #tpu.memory_space<semaphore_mem>>)
      %dma_wait3A_760 = arith.constant 0 : i32
      %dma_wait3A_761 = tpu.memref_slice %arg8[%run_scoped3A_475, %dma_wait3A_760] : memref<2x640xi32, #tpu.memory_space<vmem>> -> memref<1x640xi32, #tpu.memory_space<vmem>>
      %dma_wait3A_762 = tpu.memref_squeeze %dma_wait3A_761 : memref<1x640xi32, #tpu.memory_space<vmem>> -> memref<640xi32, #tpu.memory_space<vmem>>
      %dma_wait3A_763 = tpu.memref_slice %arg3[%mul3A_474] : memref<81920xi32, #tpu.memory_space<hbm>> -> memref<640xi32, #tpu.memory_space<hbm>>
      %dma_wait3A_764 = arith.constant 0 : i32
      %dma_wait3A_765 = tpu.memref_slice %arg8[%run_scoped3A_475, %dma_wait3A_764] : memref<2x640xi32, #tpu.memory_space<vmem>> -> memref<1x640xi32, #tpu.memory_space<vmem>>
      %dma_wait3A_766 = tpu.memref_squeeze %dma_wait3A_765 : memref<1x640xi32, #tpu.memory_space<vmem>> -> memref<640xi32, #tpu.memory_space<vmem>>
      %dma_wait3A_767 = tpu.memref_slice %arg3[%mul3A_474] : memref<81920xi32, #tpu.memory_space<hbm>> -> memref<640xi32, #tpu.memory_space<hbm>>
      tpu.wait_dma2 semaphore(%run_scoped3A_751 : memref<!tpu.dma_semaphore, #tpu.memory_space<semaphore_mem>>) src(%dma_wait3A_767 : memref<640xi32, #tpu.memory_space<hbm>>) dst(%dma_wait3A_766 : memref<640xi32, #tpu.memory_space<vmem>>)
      tpu.yield
    }) : () -> ()
    %scan3A_476 = arith.constant 0 : i32
    %scan3A_477 = arith.constant 0 : i32
    %scan3A_478 = arith.constant 8 : i32
    %scan3A_479 = arith.addi %scan3A_477, %scan3A_478 : i32
    %scan3A_480 = arith.constant 1 : i32
    %scan3A_481 = scf.for %scan3A_751 = %scan3A_477 to %scan3A_479 step %scan3A_480 iter_args(%scan3A_752 = %scan3A_476) -> (i32)  : i32 {
      %mul3A_753 = arith.constant 16 : i32
      %mul3A_754 = arith.muli %scan3A_751, %mul3A_753 : i32
      %add3A_755 = vector.broadcast %mul3A_754 : i32 to vector<16xi32>
      %add3A_756 = arith.addi %add3A_755, %iota3A : vector<16xi32>
      %broadcast_in_dim3A = arith.constant 1 : i32
      %broadcast_in_dim3A_757 = vector.broadcast %broadcast_in_dim3A : i32 to vector<16xi32>
      %mul3A_758 = arith.constant 5 : i32
      %mul3A_759 = vector.broadcast %mul3A_758 : i32 to vector<16xi32>
      %mul3A_760 = arith.muli %add3A_756, %mul3A_759 : vector<16xi32>
      %add3A_761 = arith.constant 0 : i32
      %add3A_762 = vector.broadcast %add3A_761 : i32 to vector<16xi32>
      %add3A_763 = arith.addi %mul3A_760, %add3A_762 : vector<16xi32>
      %gather3A = tpu.vector_load_idx %arg8[%broadcast_in_dim3A_757, %add3A_763] : memref<2x640xi32, #tpu.memory_space<vmem>>[vector<16xi32>, vector<16xi32>], vector<16xi32>,
      %broadcast_in_dim3A_764 = arith.constant 1 : i32
      %broadcast_in_dim3A_765 = vector.broadcast %broadcast_in_dim3A_764 : i32 to vector<16xi32>
      %broadcast_in_dim3A_766 = arith.constant 0 : i32
      %broadcast_in_dim3A_767 = vector.broadcast %broadcast_in_dim3A_766 : i32 to vector<16xi32>
      tpu.vector_store_idx %arg9[%broadcast_in_dim3A_765, %broadcast_in_dim3A_767, %add3A_756], %gather3A : memref<2x5x128xi32, #tpu.memory_space<vmem>>[vector<16xi32>, vector<16xi32>, vector<16xi32>], vector<16xi32>,
      %broadcast_in_dim3A_768 = arith.constant 1 : i32
      %broadcast_in_dim3A_769 = vector.broadcast %broadcast_in_dim3A_768 : i32 to vector<16xi32>
      %mul3A_770 = arith.constant 5 : i32
      %mul3A_771 = vector.broadcast %mul3A_770 : i32 to vector<16xi32>
      %mul3A_772 = arith.muli %add3A_756, %mul3A_771 : vector<16xi32>
      %add3A_773 = arith.constant 1 : i32
      %add3A_774 = vector.broadcast %add3A_773 : i32 to vector<16xi32>
      %add3A_775 = arith.addi %mul3A_772, %add3A_774 : vector<16xi32>
      %gather3A_776 = tpu.vector_load_idx %arg8[%broadcast_in_dim3A_769, %add3A_775] : memref<2x640xi32, #tpu.memory_space<vmem>>[vector<16xi32>, vector<16xi32>], vector<16xi32>,
      %broadcast_in_dim3A_777 = arith.constant 1 : i32
      %broadcast_in_dim3A_778 = vector.broadcast %broadcast_in_dim3A_777 : i32 to vector<16xi32>
      %broadcast_in_dim3A_779 = arith.constant 1 : i32
      %broadcast_in_dim3A_780 = vector.broadcast %broadcast_in_dim3A_779 : i32 to vector<16xi32>
      tpu.vector_store_idx %arg9[%broadcast_in_dim3A_778, %broadcast_in_dim3A_780, %add3A_756], %gather3A_776 : memref<2x5x128xi32, #tpu.memory_space<vmem>>[vector<16xi32>, vector<16xi32>, vector<16xi32>], vector<16xi32>,
      %broadcast_in_dim3A_781 = arith.constant 1 : i32
      %broadcast_in_dim3A_782 = vector.broadcast %broadcast_in_dim3A_781 : i32 to vector<16xi32>
      %mul3A_783 = arith.constant 5 : i32
      %mul3A_784 = vector.broadcast %mul3A_783 : i32 to vector<16xi32>
      %mul3A_785 = arith.muli %add3A_756, %mul3A_784 : vector<16xi32>
      %add3A_786 = arith.constant 2 : i32
      %add3A_787 = vector.broadcast %add3A_786 : i32 to vector<16xi32>
      %add3A_788 = arith.addi %mul3A_785, %add3A_787 : vector<16xi32>
      %gather3A_789 = tpu.vector_load_idx %arg8[%broadcast_in_dim3A_782, %add3A_788] : memref<2x640xi32, #tpu.memory_space<vmem>>[vector<16xi32>, vector<16xi32>], vector<16xi32>,
      %broadcast_in_dim3A_790 = arith.constant 1 : i32
      %broadcast_in_dim3A_791 = vector.broadcast %broadcast_in_dim3A_790 : i32 to vector<16xi32>
      %broadcast_in_dim3A_792 = arith.constant 2 : i32
      %broadcast_in_dim3A_793 = vector.broadcast %broadcast_in_dim3A_792 : i32 to vector<16xi32>
      tpu.vector_store_idx %arg9[%broadcast_in_dim3A_791, %broadcast_in_dim3A_793, %add3A_756], %gather3A_789 : memref<2x5x128xi32, #tpu.memory_space<vmem>>[vector<16xi32>, vector<16xi32>, vector<16xi32>], vector<16xi32>,
      %broadcast_in_dim3A_794 = arith.constant 1 : i32
      %broadcast_in_dim3A_795 = vector.broadcast %broadcast_in_dim3A_794 : i32 to vector<16xi32>
      %mul3A_796 = arith.constant 5 : i32
      %mul3A_797 = vector.broadcast %mul3A_796 : i32 to vector<16xi32>
      %mul3A_798 = arith.muli %add3A_756, %mul3A_797 : vector<16xi32>
      %add3A_799 = arith.constant 3 : i32
      %add3A_800 = vector.broadcast %add3A_799 : i32 to vector<16xi32>
      %add3A_801 = arith.addi %mul3A_798, %add3A_800 : vector<16xi32>
      %gather3A_802 = tpu.vector_load_idx %arg8[%broadcast_in_dim3A_795, %add3A_801] : memref<2x640xi32, #tpu.memory_space<vmem>>[vector<16xi32>, vector<16xi32>], vector<16xi32>,
      %broadcast_in_dim3A_803 = arith.constant 1 : i32
      %broadcast_in_dim3A_804 = vector.broadcast %broadcast_in_dim3A_803 : i32 to vector<16xi32>
      %broadcast_in_dim3A_805 = arith.constant 3 : i32
      %broadcast_in_dim3A_806 = vector.broadcast %broadcast_in_dim3A_805 : i32 to vector<16xi32>
      tpu.vector_store_idx %arg9[%broadcast_in_dim3A_804, %broadcast_in_dim3A_806, %add3A_756], %gather3A_802 : memref<2x5x128xi32, #tpu.memory_space<vmem>>[vector<16xi32>, vector<16xi32>, vector<16xi32>], vector<16xi32>,
      %broadcast_in_dim3A_807 = arith.constant 1 : i32
      %broadcast_in_dim3A_808 = vector.broadcast %broadcast_in_dim3A_807 : i32 to vector<16xi32>
      %mul3A_809 = arith.constant 5 : i32
      %mul3A_810 = vector.broadcast %mul3A_809 : i32 to vector<16xi32>
      %mul3A_811 = arith.muli %add3A_756, %mul3A_810 : vector<16xi32>
      %add3A_812 = arith.constant 4 : i32
      %add3A_813 = vector.broadcast %add3A_812 : i32 to vector<16xi32>
      %add3A_814 = arith.addi %mul3A_811, %add3A_813 : vector<16xi32>
      %gather3A_815 = tpu.vector_load_idx %arg8[%broadcast_in_dim3A_808, %add3A_814] : memref<2x640xi32, #tpu.memory_space<vmem>>[vector<16xi32>, vector<16xi32>], vector<16xi32>,
      %broadcast_in_dim3A_816 = arith.constant 1 : i32
      %broadcast_in_dim3A_817 = vector.broadcast %broadcast_in_dim3A_816 : i32 to vector<16xi32>
      %broadcast_in_dim3A_818 = arith.constant 4 : i32
      %broadcast_in_dim3A_819 = vector.broadcast %broadcast_in_dim3A_818 : i32 to vector<16xi32>
      tpu.vector_store_idx %arg9[%broadcast_in_dim3A_817, %broadcast_in_dim3A_819, %add3A_756], %gather3A_815 : memref<2x5x128xi32, #tpu.memory_space<vmem>>[vector<16xi32>, vector<16xi32>, vector<16xi32>], vector<16xi32>,
      %scan3A_820 = arith.constant 0 : i32
      scf.yield %scan3A_820 : i32
    }
    %scan3A_482 = arith.constant 8 : i32
    %dma_start3A_483 = arith.constant 1 : i32
    %dma_start3A_484 = arith.constant 1 : i32
    %dma_start3A_485 = arith.constant 0 : i32
    %dma_start3A_486 = arith.constant 0 : i32
    %dma_start3A_487 = tpu.memref_slice %arg10[%dma_start3A_484, %dma_start3A_485, %dma_start3A_486] : memref<2x128x64xf32, #tpu.memory_space<vmem>> -> memref<1x128x64xf32, #tpu.memory_space<vmem>>
    %dma_start3A_488 = tpu.memref_squeeze %dma_start3A_487 : memref<1x128x64xf32, #tpu.memory_space<vmem>> -> memref<128x64xf32, #tpu.memory_space<vmem>>
    %dma_start3A_489 = arith.constant 0 : i32
    %dma_start3A_490 = tpu.memref_slice %arg7[%dma_start3A_483, %dma_start3A_489] : memref<2x128xi32, #tpu.memory_space<vmem>> -> memref<1x128xi32, #tpu.memory_space<vmem>>
    %dma_start3A_491 = tpu.memref_squeeze %dma_start3A_490 : memref<1x128xi32, #tpu.memory_space<vmem>> -> memref<128xi32, #tpu.memory_space<vmem>>
    %dma_start3A_492 = arith.constant 0 : i32
    %dma_start3A_493 = arith.constant 0 : i32
    %dma_start3A_494 = tpu.memref_slice %arg4[%dma_start3A_492, %dma_start3A_493] : memref<1000000x64xf32, #tpu.memory_space<hbm>> -> memref<1000000x64xf32, #tpu.memory_space<hbm>>
    tpu.enqueue_indirect_dma source(%dma_start3A_494 : memref<1000000x64xf32, #tpu.memory_space<hbm>>) target(%dma_start3A_488 : memref<128x64xf32, #tpu.memory_space<vmem>>) offsets(%dma_start3A_491 : memref<128xi32, #tpu.memory_space<vmem>>) semaphore(%arg14 : memref<!tpu.dma_semaphore, #tpu.memory_space<semaphore_mem>>)
    %dma_start3A_495 = arith.constant 1 : i32
    %dma_start3A_496 = arith.constant 0 : i32
    %dma_start3A_497 = arith.constant 1 : i32
    %dma_start3A_498 = arith.constant 0 : i32
    %dma_start3A_499 = arith.constant 0 : i32
    %dma_start3A_500 = arith.constant 0 : i32
    %dma_start3A_501 = tpu.memref_slice %arg11[%dma_start3A_497, %dma_start3A_498, %dma_start3A_499, %dma_start3A_500] : memref<2x5x128x64xf32, #tpu.memory_space<vmem>> -> memref<1x1x128x64xf32, #tpu.memory_space<vmem>>
    %dma_start3A_502 = tpu.memref_squeeze %dma_start3A_501 : memref<1x1x128x64xf32, #tpu.memory_space<vmem>> -> memref<128x64xf32, #tpu.memory_space<vmem>>
    %dma_start3A_503 = arith.constant 0 : i32
    %dma_start3A_504 = tpu.memref_slice %arg9[%dma_start3A_495, %dma_start3A_496, %dma_start3A_503] : memref<2x5x128xi32, #tpu.memory_space<vmem>> -> memref<1x1x128xi32, #tpu.memory_space<vmem>>
    %dma_start3A_505 = tpu.memref_squeeze %dma_start3A_504 : memref<1x1x128xi32, #tpu.memory_space<vmem>> -> memref<128xi32, #tpu.memory_space<vmem>>
    %dma_start3A_506 = arith.constant 0 : i32
    %dma_start3A_507 = arith.constant 0 : i32
    %dma_start3A_508 = tpu.memref_slice %arg5[%dma_start3A_506, %dma_start3A_507] : memref<1000000x64xf32, #tpu.memory_space<hbm>> -> memref<1000000x64xf32, #tpu.memory_space<hbm>>
    tpu.enqueue_indirect_dma source(%dma_start3A_508 : memref<1000000x64xf32, #tpu.memory_space<hbm>>) target(%dma_start3A_502 : memref<128x64xf32, #tpu.memory_space<vmem>>) offsets(%dma_start3A_505 : memref<128xi32, #tpu.memory_space<vmem>>) semaphore(%arg14 : memref<!tpu.dma_semaphore, #tpu.memory_space<semaphore_mem>>)
    %dma_start3A_509 = arith.constant 1 : i32
    %dma_start3A_510 = arith.constant 1 : i32
    %dma_start3A_511 = arith.constant 1 : i32
    %dma_start3A_512 = arith.constant 1 : i32
    %dma_start3A_513 = arith.constant 0 : i32
    %dma_start3A_514 = arith.constant 0 : i32
    %dma_start3A_515 = tpu.memref_slice %arg11[%dma_start3A_511, %dma_start3A_512, %dma_start3A_513, %dma_start3A_514] : memref<2x5x128x64xf32, #tpu.memory_space<vmem>> -> memref<1x1x128x64xf32, #tpu.memory_space<vmem>>
    %dma_start3A_516 = tpu.memref_squeeze %dma_start3A_515 : memref<1x1x128x64xf32, #tpu.memory_space<vmem>> -> memref<128x64xf32, #tpu.memory_space<vmem>>
    %dma_start3A_517 = arith.constant 0 : i32
    %dma_start3A_518 = tpu.memref_slice %arg9[%dma_start3A_509, %dma_start3A_510, %dma_start3A_517] : memref<2x5x128xi32, #tpu.memory_space<vmem>> -> memref<1x1x128xi32, #tpu.memory_space<vmem>>
    %dma_start3A_519 = tpu.memref_squeeze %dma_start3A_518 : memref<1x1x128xi32, #tpu.memory_space<vmem>> -> memref<128xi32, #tpu.memory_space<vmem>>
    %dma_start3A_520 = arith.constant 0 : i32
    %dma_start3A_521 = arith.constant 0 : i32
    %dma_start3A_522 = tpu.memref_slice %arg5[%dma_start3A_520, %dma_start3A_521] : memref<1000000x64xf32, #tpu.memory_space<hbm>> -> memref<1000000x64xf32, #tpu.memory_space<hbm>>
    tpu.enqueue_indirect_dma source(%dma_start3A_522 : memref<1000000x64xf32, #tpu.memory_space<hbm>>) target(%dma_start3A_516 : memref<128x64xf32, #tpu.memory_space<vmem>>) offsets(%dma_start3A_519 : memref<128xi32, #tpu.memory_space<vmem>>) semaphore(%arg14 : memref<!tpu.dma_semaphore, #tpu.memory_space<semaphore_mem>>)
    %dma_start3A_523 = arith.constant 1 : i32
    %dma_start3A_524 = arith.constant 2 : i32
    %dma_start3A_525 = arith.constant 1 : i32
    %dma_start3A_526 = arith.constant 2 : i32
    %dma_start3A_527 = arith.constant 0 : i32
    %dma_start3A_528 = arith.constant 0 : i32
    %dma_start3A_529 = tpu.memref_slice %arg11[%dma_start3A_525, %dma_start3A_526, %dma_start3A_527, %dma_start3A_528] : memref<2x5x128x64xf32, #tpu.memory_space<vmem>> -> memref<1x1x128x64xf32, #tpu.memory_space<vmem>>
    %dma_start3A_530 = tpu.memref_squeeze %dma_start3A_529 : memref<1x1x128x64xf32, #tpu.memory_space<vmem>> -> memref<128x64xf32, #tpu.memory_space<vmem>>
    %dma_start3A_531 = arith.constant 0 : i32
    %dma_start3A_532 = tpu.memref_slice %arg9[%dma_start3A_523, %dma_start3A_524, %dma_start3A_531] : memref<2x5x128xi32, #tpu.memory_space<vmem>> -> memref<1x1x128xi32, #tpu.memory_space<vmem>>
    %dma_start3A_533 = tpu.memref_squeeze %dma_start3A_532 : memref<1x1x128xi32, #tpu.memory_space<vmem>> -> memref<128xi32, #tpu.memory_space<vmem>>
    %dma_start3A_534 = arith.constant 0 : i32
    %dma_start3A_535 = arith.constant 0 : i32
    %dma_start3A_536 = tpu.memref_slice %arg5[%dma_start3A_534, %dma_start3A_535] : memref<1000000x64xf32, #tpu.memory_space<hbm>> -> memref<1000000x64xf32, #tpu.memory_space<hbm>>
    tpu.enqueue_indirect_dma source(%dma_start3A_536 : memref<1000000x64xf32, #tpu.memory_space<hbm>>) target(%dma_start3A_530 : memref<128x64xf32, #tpu.memory_space<vmem>>) offsets(%dma_start3A_533 : memref<128xi32, #tpu.memory_space<vmem>>) semaphore(%arg14 : memref<!tpu.dma_semaphore, #tpu.memory_space<semaphore_mem>>)
    %dma_start3A_537 = arith.constant 1 : i32
    %dma_start3A_538 = arith.constant 3 : i32
    %dma_start3A_539 = arith.constant 1 : i32
    %dma_start3A_540 = arith.constant 3 : i32
    %dma_start3A_541 = arith.constant 0 : i32
    %dma_start3A_542 = arith.constant 0 : i32
    %dma_start3A_543 = tpu.memref_slice %arg11[%dma_start3A_539, %dma_start3A_540, %dma_start3A_541, %dma_start3A_542] : memref<2x5x128x64xf32, #tpu.memory_space<vmem>> -> memref<1x1x128x64xf32, #tpu.memory_space<vmem>>
    %dma_start3A_544 = tpu.memref_squeeze %dma_start3A_543 : memref<1x1x128x64xf32, #tpu.memory_space<vmem>> -> memref<128x64xf32, #tpu.memory_space<vmem>>
    %dma_start3A_545 = arith.constant 0 : i32
    %dma_start3A_546 = tpu.memref_slice %arg9[%dma_start3A_537, %dma_start3A_538, %dma_start3A_545] : memref<2x5x128xi32, #tpu.memory_space<vmem>> -> memref<1x1x128xi32, #tpu.memory_space<vmem>>
    %dma_start3A_547 = tpu.memref_squeeze %dma_start3A_546 : memref<1x1x128xi32, #tpu.memory_space<vmem>> -> memref<128xi32, #tpu.memory_space<vmem>>
    %dma_start3A_548 = arith.constant 0 : i32
    %dma_start3A_549 = arith.constant 0 : i32
    %dma_start3A_550 = tpu.memref_slice %arg5[%dma_start3A_548, %dma_start3A_549] : memref<1000000x64xf32, #tpu.memory_space<hbm>> -> memref<1000000x64xf32, #tpu.memory_space<hbm>>
    tpu.enqueue_indirect_dma source(%dma_start3A_550 : memref<1000000x64xf32, #tpu.memory_space<hbm>>) target(%dma_start3A_544 : memref<128x64xf32, #tpu.memory_space<vmem>>) offsets(%dma_start3A_547 : memref<128xi32, #tpu.memory_space<vmem>>) semaphore(%arg14 : memref<!tpu.dma_semaphore, #tpu.memory_space<semaphore_mem>>)
    %dma_start3A_551 = arith.constant 1 : i32
    %dma_start3A_552 = arith.constant 4 : i32
    %dma_start3A_553 = arith.constant 1 : i32
    %dma_start3A_554 = arith.constant 4 : i32
    %dma_start3A_555 = arith.constant 0 : i32
    %dma_start3A_556 = arith.constant 0 : i32
    %dma_start3A_557 = tpu.memref_slice %arg11[%dma_start3A_553, %dma_start3A_554, %dma_start3A_555, %dma_start3A_556] : memref<2x5x128x64xf32, #tpu.memory_space<vmem>> -> memref<1x1x128x64xf32, #tpu.memory_space<vmem>>
    %dma_start3A_558 = tpu.memref_squeeze %dma_start3A_557 : memref<1x1x128x64xf32, #tpu.memory_space<vmem>> -> memref<128x64xf32, #tpu.memory_space<vmem>>
    %dma_start3A_559 = arith.constant 0 : i32
    %dma_start3A_560 = tpu.memref_slice %arg9[%dma_start3A_551, %dma_start3A_552, %dma_start3A_559] : memref<2x5x128xi32, #tpu.memory_space<vmem>> -> memref<1x1x128xi32, #tpu.memory_space<vmem>>
    %dma_start3A_561 = tpu.memref_squeeze %dma_start3A_560 : memref<1x1x128xi32, #tpu.memory_space<vmem>> -> memref<128xi32, #tpu.memory_space<vmem>>
    %dma_start3A_562 = arith.constant 0 : i32
    %dma_start3A_563 = arith.constant 0 : i32
    %dma_start3A_564 = tpu.memref_slice %arg5[%dma_start3A_562, %dma_start3A_563] : memref<1000000x64xf32, #tpu.memory_space<hbm>> -> memref<1000000x64xf32, #tpu.memory_space<hbm>>
    tpu.enqueue_indirect_dma source(%dma_start3A_564 : memref<1000000x64xf32, #tpu.memory_space<hbm>>) target(%dma_start3A_558 : memref<128x64xf32, #tpu.memory_space<vmem>>) offsets(%dma_start3A_561 : memref<128xi32, #tpu.memory_space<vmem>>) semaphore(%arg14 : memref<!tpu.dma_semaphore, #tpu.memory_space<semaphore_mem>>)
    %add3A_565 = arith.constant 256 : i32
    %add3A_566 = arith.addi %mul3A_2, %add3A_565 : i32
    %dma_wait3A_567 = arith.constant 0 : i32
    %dma_wait3A_568 = arith.constant 0 : i32
    %dma_wait3A_569 = arith.constant 0 : i32
    %dma_wait3A_570 = arith.constant 0 : i32
    %dma_wait3A_571 = tpu.memref_slice %arg10[%dma_wait3A_568, %dma_wait3A_569, %dma_wait3A_570] : memref<2x128x64xf32, #tpu.memory_space<vmem>> -> memref<1x128x64xf32, #tpu.memory_space<vmem>>
    %dma_wait3A_572 = tpu.memref_squeeze %dma_wait3A_571 : memref<1x128x64xf32, #tpu.memory_space<vmem>> -> memref<128x64xf32, #tpu.memory_space<vmem>>
    %dma_wait3A_573 = arith.constant 0 : i32
    %dma_wait3A_574 = tpu.memref_slice %arg7[%dma_wait3A_567, %dma_wait3A_573] : memref<2x128xi32, #tpu.memory_space<vmem>> -> memref<1x128xi32, #tpu.memory_space<vmem>>
    %dma_wait3A_575 = tpu.memref_squeeze %dma_wait3A_574 : memref<1x128xi32, #tpu.memory_space<vmem>> -> memref<128xi32, #tpu.memory_space<vmem>>
    %dma_wait3A_576 = arith.constant 0 : i32
    %dma_wait3A_577 = arith.constant 0 : i32
    %dma_wait3A_578 = tpu.memref_slice %arg4[%dma_wait3A_576, %dma_wait3A_577] : memref<1000000x64xf32, #tpu.memory_space<hbm>> -> memref<1000000x64xf32, #tpu.memory_space<hbm>>
    tpu.wait_indirect_dma semaphore(%arg13 : memref<!tpu.dma_semaphore, #tpu.memory_space<semaphore_mem>>) src(%dma_wait3A_578 : memref<1000000x64xf32, #tpu.memory_space<hbm>>) dst(%dma_wait3A_572 : memref<128x64xf32, #tpu.memory_space<vmem>>)
    %dma_wait3A_579 = arith.constant 0 : i32
    %dma_wait3A_580 = arith.constant 0 : i32
    %dma_wait3A_581 = arith.constant 0 : i32
    %dma_wait3A_582 = arith.constant 0 : i32
    %dma_wait3A_583 = arith.constant 0 : i32
    %dma_wait3A_584 = arith.constant 0 : i32
    %dma_wait3A_585 = tpu.memref_slice %arg11[%dma_wait3A_581, %dma_wait3A_582, %dma_wait3A_583, %dma_wait3A_584] : memref<2x5x128x64xf32, #tpu.memory_space<vmem>> -> memref<1x1x128x64xf32, #tpu.memory_space<vmem>>
    %dma_wait3A_586 = tpu.memref_squeeze %dma_wait3A_585 : memref<1x1x128x64xf32, #tpu.memory_space<vmem>> -> memref<128x64xf32, #tpu.memory_space<vmem>>
    %dma_wait3A_587 = arith.constant 0 : i32
    %dma_wait3A_588 = tpu.memref_slice %arg9[%dma_wait3A_579, %dma_wait3A_580, %dma_wait3A_587] : memref<2x5x128xi32, #tpu.memory_space<vmem>> -> memref<1x1x128xi32, #tpu.memory_space<vmem>>
    %dma_wait3A_589 = tpu.memref_squeeze %dma_wait3A_588 : memref<1x1x128xi32, #tpu.memory_space<vmem>> -> memref<128xi32, #tpu.memory_space<vmem>>
    %dma_wait3A_590 = arith.constant 0 : i32
    %dma_wait3A_591 = arith.constant 0 : i32
    %dma_wait3A_592 = tpu.memref_slice %arg5[%dma_wait3A_590, %dma_wait3A_591] : memref<1000000x64xf32, #tpu.memory_space<hbm>> -> memref<1000000x64xf32, #tpu.memory_space<hbm>>
    tpu.wait_indirect_dma semaphore(%arg13 : memref<!tpu.dma_semaphore, #tpu.memory_space<semaphore_mem>>) src(%dma_wait3A_592 : memref<1000000x64xf32, #tpu.memory_space<hbm>>) dst(%dma_wait3A_586 : memref<128x64xf32, #tpu.memory_space<vmem>>)
    %dma_wait3A_593 = arith.constant 0 : i32
    %dma_wait3A_594 = arith.constant 1 : i32
    %dma_wait3A_595 = arith.constant 0 : i32
    %dma_wait3A_596 = arith.constant 1 : i32
    %dma_wait3A_597 = arith.constant 0 : i32
    %dma_wait3A_598 = arith.constant 0 : i32
    %dma_wait3A_599 = tpu.memref_slice %arg11[%dma_wait3A_595, %dma_wait3A_596, %dma_wait3A_597, %dma_wait3A_598] : memref<2x5x128x64xf32, #tpu.memory_space<vmem>> -> memref<1x1x128x64xf32, #tpu.memory_space<vmem>>
    %dma_wait3A_600 = tpu.memref_squeeze %dma_wait3A_599 : memref<1x1x128x64xf32, #tpu.memory_space<vmem>> -> memref<128x64xf32, #tpu.memory_space<vmem>>
    %dma_wait3A_601 = arith.constant 0 : i32
    %dma_wait3A_602 = tpu.memref_slice %arg9[%dma_wait3A_593, %dma_wait3A_594, %dma_wait3A_601] : memref<2x5x128xi32, #tpu.memory_space<vmem>> -> memref<1x1x128xi32, #tpu.memory_space<vmem>>
    %dma_wait3A_603 = tpu.memref_squeeze %dma_wait3A_602 : memref<1x1x128xi32, #tpu.memory_space<vmem>> -> memref<128xi32, #tpu.memory_space<vmem>>
    %dma_wait3A_604 = arith.constant 0 : i32
    %dma_wait3A_605 = arith.constant 0 : i32
    %dma_wait3A_606 = tpu.memref_slice %arg5[%dma_wait3A_604, %dma_wait3A_605] : memref<1000000x64xf32, #tpu.memory_space<hbm>> -> memref<1000000x64xf32, #tpu.memory_space<hbm>>
    tpu.wait_indirect_dma semaphore(%arg13 : memref<!tpu.dma_semaphore, #tpu.memory_space<semaphore_mem>>) src(%dma_wait3A_606 : memref<1000000x64xf32, #tpu.memory_space<hbm>>) dst(%dma_wait3A_600 : memref<128x64xf32, #tpu.memory_space<vmem>>)
    %dma_wait3A_607 = arith.constant 0 : i32
    %dma_wait3A_608 = arith.constant 2 : i32
    %dma_wait3A_609 = arith.constant 0 : i32
    %dma_wait3A_610 = arith.constant 2 : i32
    %dma_wait3A_611 = arith.constant 0 : i32
    %dma_wait3A_612 = arith.constant 0 : i32
    %dma_wait3A_613 = tpu.memref_slice %arg11[%dma_wait3A_609, %dma_wait3A_610, %dma_wait3A_611, %dma_wait3A_612] : memref<2x5x128x64xf32, #tpu.memory_space<vmem>> -> memref<1x1x128x64xf32, #tpu.memory_space<vmem>>
    %dma_wait3A_614 = tpu.memref_squeeze %dma_wait3A_613 : memref<1x1x128x64xf32, #tpu.memory_space<vmem>> -> memref<128x64xf32, #tpu.memory_space<vmem>>
    %dma_wait3A_615 = arith.constant 0 : i32
    %dma_wait3A_616 = tpu.memref_slice %arg9[%dma_wait3A_607, %dma_wait3A_608, %dma_wait3A_615] : memref<2x5x128xi32, #tpu.memory_space<vmem>> -> memref<1x1x128xi32, #tpu.memory_space<vmem>>
    %dma_wait3A_617 = tpu.memref_squeeze %dma_wait3A_616 : memref<1x1x128xi32, #tpu.memory_space<vmem>> -> memref<128xi32, #tpu.memory_space<vmem>>
    %dma_wait3A_618 = arith.constant 0 : i32
    %dma_wait3A_619 = arith.constant 0 : i32
    %dma_wait3A_620 = tpu.memref_slice %arg5[%dma_wait3A_618, %dma_wait3A_619] : memref<1000000x64xf32, #tpu.memory_space<hbm>> -> memref<1000000x64xf32, #tpu.memory_space<hbm>>
    tpu.wait_indirect_dma semaphore(%arg13 : memref<!tpu.dma_semaphore, #tpu.memory_space<semaphore_mem>>) src(%dma_wait3A_620 : memref<1000000x64xf32, #tpu.memory_space<hbm>>) dst(%dma_wait3A_614 : memref<128x64xf32, #tpu.memory_space<vmem>>)
    %dma_wait3A_621 = arith.constant 0 : i32
    %dma_wait3A_622 = arith.constant 3 : i32
    %dma_wait3A_623 = arith.constant 0 : i32
    %dma_wait3A_624 = arith.constant 3 : i32
    %dma_wait3A_625 = arith.constant 0 : i32
    %dma_wait3A_626 = arith.constant 0 : i32
    %dma_wait3A_627 = tpu.memref_slice %arg11[%dma_wait3A_623, %dma_wait3A_624, %dma_wait3A_625, %dma_wait3A_626] : memref<2x5x128x64xf32, #tpu.memory_space<vmem>> -> memref<1x1x128x64xf32, #tpu.memory_space<vmem>>
    %dma_wait3A_628 = tpu.memref_squeeze %dma_wait3A_627 : memref<1x1x128x64xf32, #tpu.memory_space<vmem>> -> memref<128x64xf32, #tpu.memory_space<vmem>>
    %dma_wait3A_629 = arith.constant 0 : i32
    %dma_wait3A_630 = tpu.memref_slice %arg9[%dma_wait3A_621, %dma_wait3A_622, %dma_wait3A_629] : memref<2x5x128xi32, #tpu.memory_space<vmem>> -> memref<1x1x128xi32, #tpu.memory_space<vmem>>
    %dma_wait3A_631 = tpu.memref_squeeze %dma_wait3A_630 : memref<1x1x128xi32, #tpu.memory_space<vmem>> -> memref<128xi32, #tpu.memory_space<vmem>>
    %dma_wait3A_632 = arith.constant 0 : i32
    %dma_wait3A_633 = arith.constant 0 : i32
    %dma_wait3A_634 = tpu.memref_slice %arg5[%dma_wait3A_632, %dma_wait3A_633] : memref<1000000x64xf32, #tpu.memory_space<hbm>> -> memref<1000000x64xf32, #tpu.memory_space<hbm>>
    tpu.wait_indirect_dma semaphore(%arg13 : memref<!tpu.dma_semaphore, #tpu.memory_space<semaphore_mem>>) src(%dma_wait3A_634 : memref<1000000x64xf32, #tpu.memory_space<hbm>>) dst(%dma_wait3A_628 : memref<128x64xf32, #tpu.memory_space<vmem>>)
    %dma_wait3A_635 = arith.constant 0 : i32
    %dma_wait3A_636 = arith.constant 4 : i32
    %dma_wait3A_637 = arith.constant 0 : i32
    %dma_wait3A_638 = arith.constant 4 : i32
    %dma_wait3A_639 = arith.constant 0 : i32
    %dma_wait3A_640 = arith.constant 0 : i32
    %dma_wait3A_641 = tpu.memref_slice %arg11[%dma_wait3A_637, %dma_wait3A_638, %dma_wait3A_639, %dma_wait3A_640] : memref<2x5x128x64xf32, #tpu.memory_space<vmem>> -> memref<1x1x128x64xf32, #tpu.memory_space<vmem>>
    %dma_wait3A_642 = tpu.memref_squeeze %dma_wait3A_641 : memref<1x1x128x64xf32, #tpu.memory_space<vmem>> -> memref<128x64xf32, #tpu.memory_space<vmem>>
    %dma_wait3A_643 = arith.constant 0 : i32
    %dma_wait3A_644 = tpu.memref_slice %arg9[%dma_wait3A_635, %dma_wait3A_636, %dma_wait3A_643] : memref<2x5x128xi32, #tpu.memory_space<vmem>> -> memref<1x1x128xi32, #tpu.memory_space<vmem>>
    %dma_wait3A_645 = tpu.memref_squeeze %dma_wait3A_644 : memref<1x1x128xi32, #tpu.memory_space<vmem>> -> memref<128xi32, #tpu.memory_space<vmem>>
    %dma_wait3A_646 = arith.constant 0 : i32
    %dma_wait3A_647 = arith.constant 0 : i32
    %dma_wait3A_648 = tpu.memref_slice %arg5[%dma_wait3A_646, %dma_wait3A_647] : memref<1000000x64xf32, #tpu.memory_space<hbm>> -> memref<1000000x64xf32, #tpu.memory_space<hbm>>
    tpu.wait_indirect_dma semaphore(%arg13 : memref<!tpu.dma_semaphore, #tpu.memory_space<semaphore_mem>>) src(%dma_wait3A_648 : memref<1000000x64xf32, #tpu.memory_space<hbm>>) dst(%dma_wait3A_642 : memref<128x64xf32, #tpu.memory_space<vmem>>)
    %scan3A_649 = arith.constant 0 : i32
    %scan3A_650 = arith.constant 0 : i32
    %scan3A_651 = arith.constant 8 : i32
    %scan3A_652 = arith.addi %scan3A_650, %scan3A_651 : i32
    %scan3A_653 = arith.constant 1 : i32
    %scan3A_654 = scf.for %scan3A_751 = %scan3A_650 to %scan3A_652 step %scan3A_653 iter_args(%scan3A_752 = %scan3A_649) -> (i32)  : i32 {
      %mul3A_753 = arith.constant 16 : i32
      %mul3A_754 = arith.muli %scan3A_751, %mul3A_753 : i32
      %add3A_755 = vector.broadcast %mul3A_754 : i32 to vector<16xi32>
      %add3A_756 = arith.addi %add3A_755, %iota3A : vector<16xi32>
      %broadcast_in_dim3A = arith.constant 0 : i32
      %broadcast_in_dim3A_757 = vector.broadcast %broadcast_in_dim3A : i32 to vector<16xi32>
      %broadcast_in_dim3A_758 = arith.constant 0 : i32
      %broadcast_in_dim3A_759 = vector.broadcast %broadcast_in_dim3A_758 : i32 to vector<16xi32>
      %broadcast_in_dim3A_760 = arith.constant 1 : i32
      %broadcast_in_dim3A_761 = vector.broadcast %broadcast_in_dim3A_760 : i32 to vector<16xi32>
      %broadcast_in_dim3A_762 = arith.constant 2 : i32
      %broadcast_in_dim3A_763 = vector.broadcast %broadcast_in_dim3A_762 : i32 to vector<16xi32>
      %broadcast_in_dim3A_764 = arith.constant 3 : i32
      %broadcast_in_dim3A_765 = vector.broadcast %broadcast_in_dim3A_764 : i32 to vector<16xi32>
      %broadcast_in_dim3A_766 = arith.constant 4 : i32
      %broadcast_in_dim3A_767 = vector.broadcast %broadcast_in_dim3A_766 : i32 to vector<16xi32>
      %broadcast_in_dim3A_768 = arith.constant 0.000000e+00 : f32
      %broadcast_in_dim3A_769 = vector.broadcast %broadcast_in_dim3A_768 : f32 to vector<16xf32>
      %broadcast_in_dim3A_770 = arith.constant 0.000000e+00 : f32
      %broadcast_in_dim3A_771 = vector.broadcast %broadcast_in_dim3A_770 : f32 to vector<16xf32>
      %broadcast_in_dim3A_772 = arith.constant 0.000000e+00 : f32
      %broadcast_in_dim3A_773 = vector.broadcast %broadcast_in_dim3A_772 : f32 to vector<16xf32>
      %broadcast_in_dim3A_774 = arith.constant 0.000000e+00 : f32
      %broadcast_in_dim3A_775 = vector.broadcast %broadcast_in_dim3A_774 : f32 to vector<16xf32>
      %broadcast_in_dim3A_776 = arith.constant 0.000000e+00 : f32
      %broadcast_in_dim3A_777 = vector.broadcast %broadcast_in_dim3A_776 : f32 to vector<16xf32>
      %scan3A_778 = arith.constant 0 : i32
      %scan3A_779 = arith.constant 64 : i32
      %scan3A_780 = arith.addi %scan3A_778, %scan3A_779 : i32
      %scan3A_781 = arith.constant 4 : i32
      %scan3A_782:5 = scf.for %scan3A_815 = %scan3A_778 to %scan3A_780 step %scan3A_781 iter_args(%scan3A_816 = %broadcast_in_dim3A_769, %scan3A_817 = %broadcast_in_dim3A_771, %scan3A_818 = %broadcast_in_dim3A_773, %scan3A_819 = %broadcast_in_dim3A_775, %scan3A_820 = %broadcast_in_dim3A_777) -> (vector<16xf32>, vector<16xf32>, vector<16xf32>, vector<16xf32>, vector<16xf32>)  : i32 {
        %broadcast_in_dim3A_821 = arith.constant 0 : i32
        %broadcast_in_dim3A_822 = vector.broadcast %broadcast_in_dim3A_821 : i32 to vector<16xi32>
        %add3A_823 = vector.broadcast %scan3A_815 : i32 to vector<16xi32>
        %add3A_824 = arith.addi %broadcast_in_dim3A_822, %add3A_823 : vector<16xi32>
        %gather3A = tpu.vector_load_idx %arg10[%broadcast_in_dim3A_757, %add3A_756, %add3A_824] : memref<2x128x64xf32, #tpu.memory_space<vmem>>[vector<16xi32>, vector<16xi32>, vector<16xi32>], vector<16xf32>,
        %gather3A_825 = tpu.vector_load_idx %arg11[%broadcast_in_dim3A_757, %broadcast_in_dim3A_759, %add3A_756, %add3A_824] : memref<2x5x128x64xf32, #tpu.memory_space<vmem>>[vector<16xi32>, vector<16xi32>, vector<16xi32>, vector<16xi32>], vector<16xf32>,
        %mul3A_826 = arith.mulf %gather3A_825, %gather3A : vector<16xf32>
        %add3A_827 = arith.addf %scan3A_816, %mul3A_826 : vector<16xf32>
        %gather3A_828 = tpu.vector_load_idx %arg11[%broadcast_in_dim3A_757, %broadcast_in_dim3A_761, %add3A_756, %add3A_824] : memref<2x5x128x64xf32, #tpu.memory_space<vmem>>[vector<16xi32>, vector<16xi32>, vector<16xi32>, vector<16xi32>], vector<16xf32>,
        %mul3A_829 = arith.mulf %gather3A_828, %gather3A : vector<16xf32>
        %add3A_830 = arith.addf %scan3A_817, %mul3A_829 : vector<16xf32>
        %gather3A_831 = tpu.vector_load_idx %arg11[%broadcast_in_dim3A_757, %broadcast_in_dim3A_763, %add3A_756, %add3A_824] : memref<2x5x128x64xf32, #tpu.memory_space<vmem>>[vector<16xi32>, vector<16xi32>, vector<16xi32>, vector<16xi32>], vector<16xf32>,
        %mul3A_832 = arith.mulf %gather3A_831, %gather3A : vector<16xf32>
        %add3A_833 = arith.addf %scan3A_818, %mul3A_832 : vector<16xf32>
        %gather3A_834 = tpu.vector_load_idx %arg11[%broadcast_in_dim3A_757, %broadcast_in_dim3A_765, %add3A_756, %add3A_824] : memref<2x5x128x64xf32, #tpu.memory_space<vmem>>[vector<16xi32>, vector<16xi32>, vector<16xi32>, vector<16xi32>], vector<16xf32>,
        %mul3A_835 = arith.mulf %gather3A_834, %gather3A : vector<16xf32>
        %add3A_836 = arith.addf %scan3A_819, %mul3A_835 : vector<16xf32>
        %gather3A_837 = tpu.vector_load_idx %arg11[%broadcast_in_dim3A_757, %broadcast_in_dim3A_767, %add3A_756, %add3A_824] : memref<2x5x128x64xf32, #tpu.memory_space<vmem>>[vector<16xi32>, vector<16xi32>, vector<16xi32>, vector<16xi32>], vector<16xf32>,
        %mul3A_838 = arith.mulf %gather3A_837, %gather3A : vector<16xf32>
        %add3A_839 = arith.addf %scan3A_820, %mul3A_838 : vector<16xf32>
        %scan3A_840 = arith.constant 1 : i32
        %scan3A_841 = arith.addi %scan3A_815, %scan3A_840 : i32
        %broadcast_in_dim3A_842 = arith.constant 0 : i32
        %broadcast_in_dim3A_843 = vector.broadcast %broadcast_in_dim3A_842 : i32 to vector<16xi32>
        %add3A_844 = vector.broadcast %scan3A_841 : i32 to vector<16xi32>
        %add3A_845 = arith.addi %broadcast_in_dim3A_843, %add3A_844 : vector<16xi32>
        %gather3A_846 = tpu.vector_load_idx %arg10[%broadcast_in_dim3A_757, %add3A_756, %add3A_845] : memref<2x128x64xf32, #tpu.memory_space<vmem>>[vector<16xi32>, vector<16xi32>, vector<16xi32>], vector<16xf32>,
        %gather3A_847 = tpu.vector_load_idx %arg11[%broadcast_in_dim3A_757, %broadcast_in_dim3A_759, %add3A_756, %add3A_845] : memref<2x5x128x64xf32, #tpu.memory_space<vmem>>[vector<16xi32>, vector<16xi32>, vector<16xi32>, vector<16xi32>], vector<16xf32>,
        %mul3A_848 = arith.mulf %gather3A_847, %gather3A_846 : vector<16xf32>
        %add3A_849 = arith.addf %add3A_827, %mul3A_848 : vector<16xf32>
        %gather3A_850 = tpu.vector_load_idx %arg11[%broadcast_in_dim3A_757, %broadcast_in_dim3A_761, %add3A_756, %add3A_845] : memref<2x5x128x64xf32, #tpu.memory_space<vmem>>[vector<16xi32>, vector<16xi32>, vector<16xi32>, vector<16xi32>], vector<16xf32>,
        %mul3A_851 = arith.mulf %gather3A_850, %gather3A_846 : vector<16xf32>
        %add3A_852 = arith.addf %add3A_830, %mul3A_851 : vector<16xf32>
        %gather3A_853 = tpu.vector_load_idx %arg11[%broadcast_in_dim3A_757, %broadcast_in_dim3A_763, %add3A_756, %add3A_845] : memref<2x5x128x64xf32, #tpu.memory_space<vmem>>[vector<16xi32>, vector<16xi32>, vector<16xi32>, vector<16xi32>], vector<16xf32>,
        %mul3A_854 = arith.mulf %gather3A_853, %gather3A_846 : vector<16xf32>
        %add3A_855 = arith.addf %add3A_833, %mul3A_854 : vector<16xf32>
        %gather3A_856 = tpu.vector_load_idx %arg11[%broadcast_in_dim3A_757, %broadcast_in_dim3A_765, %add3A_756, %add3A_845] : memref<2x5x128x64xf32, #tpu.memory_space<vmem>>[vector<16xi32>, vector<16xi32>, vector<16xi32>, vector<16xi32>], vector<16xf32>,
        %mul3A_857 = arith.mulf %gather3A_856, %gather3A_846 : vector<16xf32>
        %add3A_858 = arith.addf %add3A_836, %mul3A_857 : vector<16xf32>
        %gather3A_859 = tpu.vector_load_idx %arg11[%broadcast_in_dim3A_757, %broadcast_in_dim3A_767, %add3A_756, %add3A_845] : memref<2x5x128x64xf32, #tpu.memory_space<vmem>>[vector<16xi32>, vector<16xi32>, vector<16xi32>, vector<16xi32>], vector<16xf32>,
        %mul3A_860 = arith.mulf %gather3A_859, %gather3A_846 : vector<16xf32>
        %add3A_861 = arith.addf %add3A_839, %mul3A_860 : vector<16xf32>
        %scan3A_862 = arith.constant 2 : i32
        %scan3A_863 = arith.addi %scan3A_815, %scan3A_862 : i32
        %broadcast_in_dim3A_864 = arith.constant 0 : i32
        %broadcast_in_dim3A_865 = vector.broadcast %broadcast_in_dim3A_864 : i32 to vector<16xi32>
        %add3A_866 = vector.broadcast %scan3A_863 : i32 to vector<16xi32>
        %add3A_867 = arith.addi %broadcast_in_dim3A_865, %add3A_866 : vector<16xi32>
        %gather3A_868 = tpu.vector_load_idx %arg10[%broadcast_in_dim3A_757, %add3A_756, %add3A_867] : memref<2x128x64xf32, #tpu.memory_space<vmem>>[vector<16xi32>, vector<16xi32>, vector<16xi32>], vector<16xf32>,
        %gather3A_869 = tpu.vector_load_idx %arg11[%broadcast_in_dim3A_757, %broadcast_in_dim3A_759, %add3A_756, %add3A_867] : memref<2x5x128x64xf32, #tpu.memory_space<vmem>>[vector<16xi32>, vector<16xi32>, vector<16xi32>, vector<16xi32>], vector<16xf32>,
        %mul3A_870 = arith.mulf %gather3A_869, %gather3A_868 : vector<16xf32>
        %add3A_871 = arith.addf %add3A_849, %mul3A_870 : vector<16xf32>
        %gather3A_872 = tpu.vector_load_idx %arg11[%broadcast_in_dim3A_757, %broadcast_in_dim3A_761, %add3A_756, %add3A_867] : memref<2x5x128x64xf32, #tpu.memory_space<vmem>>[vector<16xi32>, vector<16xi32>, vector<16xi32>, vector<16xi32>], vector<16xf32>,
        %mul3A_873 = arith.mulf %gather3A_872, %gather3A_868 : vector<16xf32>
        %add3A_874 = arith.addf %add3A_852, %mul3A_873 : vector<16xf32>
        %gather3A_875 = tpu.vector_load_idx %arg11[%broadcast_in_dim3A_757, %broadcast_in_dim3A_763, %add3A_756, %add3A_867] : memref<2x5x128x64xf32, #tpu.memory_space<vmem>>[vector<16xi32>, vector<16xi32>, vector<16xi32>, vector<16xi32>], vector<16xf32>,
        %mul3A_876 = arith.mulf %gather3A_875, %gather3A_868 : vector<16xf32>
        %add3A_877 = arith.addf %add3A_855, %mul3A_876 : vector<16xf32>
        %gather3A_878 = tpu.vector_load_idx %arg11[%broadcast_in_dim3A_757, %broadcast_in_dim3A_765, %add3A_756, %add3A_867] : memref<2x5x128x64xf32, #tpu.memory_space<vmem>>[vector<16xi32>, vector<16xi32>, vector<16xi32>, vector<16xi32>], vector<16xf32>,
        %mul3A_879 = arith.mulf %gather3A_878, %gather3A_868 : vector<16xf32>
        %add3A_880 = arith.addf %add3A_858, %mul3A_879 : vector<16xf32>
        %gather3A_881 = tpu.vector_load_idx %arg11[%broadcast_in_dim3A_757, %broadcast_in_dim3A_767, %add3A_756, %add3A_867] : memref<2x5x128x64xf32, #tpu.memory_space<vmem>>[vector<16xi32>, vector<16xi32>, vector<16xi32>, vector<16xi32>], vector<16xf32>,
        %mul3A_882 = arith.mulf %gather3A_881, %gather3A_868 : vector<16xf32>
        %add3A_883 = arith.addf %add3A_861, %mul3A_882 : vector<16xf32>
        %scan3A_884 = arith.constant 3 : i32
        %scan3A_885 = arith.addi %scan3A_815, %scan3A_884 : i32
        %broadcast_in_dim3A_886 = arith.constant 0 : i32
        %broadcast_in_dim3A_887 = vector.broadcast %broadcast_in_dim3A_886 : i32 to vector<16xi32>
        %add3A_888 = vector.broadcast %scan3A_885 : i32 to vector<16xi32>
        %add3A_889 = arith.addi %broadcast_in_dim3A_887, %add3A_888 : vector<16xi32>
        %gather3A_890 = tpu.vector_load_idx %arg10[%broadcast_in_dim3A_757, %add3A_756, %add3A_889] : memref<2x128x64xf32, #tpu.memory_space<vmem>>[vector<16xi32>, vector<16xi32>, vector<16xi32>], vector<16xf32>,
        %gather3A_891 = tpu.vector_load_idx %arg11[%broadcast_in_dim3A_757, %broadcast_in_dim3A_759, %add3A_756, %add3A_889] : memref<2x5x128x64xf32, #tpu.memory_space<vmem>>[vector<16xi32>, vector<16xi32>, vector<16xi32>, vector<16xi32>], vector<16xf32>,
        %mul3A_892 = arith.mulf %gather3A_891, %gather3A_890 : vector<16xf32>
        %add3A_893 = arith.addf %add3A_871, %mul3A_892 : vector<16xf32>
        %gather3A_894 = tpu.vector_load_idx %arg11[%broadcast_in_dim3A_757, %broadcast_in_dim3A_761, %add3A_756, %add3A_889] : memref<2x5x128x64xf32, #tpu.memory_space<vmem>>[vector<16xi32>, vector<16xi32>, vector<16xi32>, vector<16xi32>], vector<16xf32>,
        %mul3A_895 = arith.mulf %gather3A_894, %gather3A_890 : vector<16xf32>
        %add3A_896 = arith.addf %add3A_874, %mul3A_895 : vector<16xf32>
        %gather3A_897 = tpu.vector_load_idx %arg11[%broadcast_in_dim3A_757, %broadcast_in_dim3A_763, %add3A_756, %add3A_889] : memref<2x5x128x64xf32, #tpu.memory_space<vmem>>[vector<16xi32>, vector<16xi32>, vector<16xi32>, vector<16xi32>], vector<16xf32>,
        %mul3A_898 = arith.mulf %gather3A_897, %gather3A_890 : vector<16xf32>
        %add3A_899 = arith.addf %add3A_877, %mul3A_898 : vector<16xf32>
        %gather3A_900 = tpu.vector_load_idx %arg11[%broadcast_in_dim3A_757, %broadcast_in_dim3A_765, %add3A_756, %add3A_889] : memref<2x5x128x64xf32, #tpu.memory_space<vmem>>[vector<16xi32>, vector<16xi32>, vector<16xi32>, vector<16xi32>], vector<16xf32>,
        %mul3A_901 = arith.mulf %gather3A_900, %gather3A_890 : vector<16xf32>
        %add3A_902 = arith.addf %add3A_880, %mul3A_901 : vector<16xf32>
        %gather3A_903 = tpu.vector_load_idx %arg11[%broadcast_in_dim3A_757, %broadcast_in_dim3A_767, %add3A_756, %add3A_889] : memref<2x5x128x64xf32, #tpu.memory_space<vmem>>[vector<16xi32>, vector<16xi32>, vector<16xi32>, vector<16xi32>], vector<16xf32>,
        %mul3A_904 = arith.mulf %gather3A_903, %gather3A_890 : vector<16xf32>
        %add3A_905 = arith.addf %add3A_883, %mul3A_904 : vector<16xf32>
        scf.yield %add3A_893, %add3A_896, %add3A_899, %add3A_902, %add3A_905 : vector<16xf32>, vector<16xf32>, vector<16xf32>, vector<16xf32>, vector<16xf32>
      }
      %scan3A_783 = arith.constant 64 : i32
      %mul3A_784 = arith.constant 5 : i32
      %mul3A_785 = vector.broadcast %mul3A_784 : i32 to vector<16xi32>
      %mul3A_786 = arith.muli %add3A_756, %mul3A_785 : vector<16xi32>
      %add3A_787 = arith.constant 0 : i32
      %add3A_788 = vector.broadcast %add3A_787 : i32 to vector<16xi32>
      %add3A_789 = arith.addi %mul3A_786, %add3A_788 : vector<16xi32>
      tpu.vector_store_idx %arg12[%add3A_789], %scan3A_782#0 : memref<640xf32, #tpu.memory_space<vmem>>[vector<16xi32>], vector<16xf32>,
      %mul3A_790 = arith.constant 5 : i32
      %mul3A_791 = vector.broadcast %mul3A_790 : i32 to vector<16xi32>
      %mul3A_792 = arith.muli %add3A_756, %mul3A_791 : vector<16xi32>
      %add3A_793 = arith.constant 1 : i32
      %add3A_794 = vector.broadcast %add3A_793 : i32 to vector<16xi32>
      %add3A_795 = arith.addi %mul3A_792, %add3A_794 : vector<16xi32>
      tpu.vector_store_idx %arg12[%add3A_795], %scan3A_782#1 : memref<640xf32, #tpu.memory_space<vmem>>[vector<16xi32>], vector<16xf32>,
      %mul3A_796 = arith.constant 5 : i32
      %mul3A_797 = vector.broadcast %mul3A_796 : i32 to vector<16xi32>
      %mul3A_798 = arith.muli %add3A_756, %mul3A_797 : vector<16xi32>
      %add3A_799 = arith.constant 2 : i32
      %add3A_800 = vector.broadcast %add3A_799 : i32 to vector<16xi32>
      %add3A_801 = arith.addi %mul3A_798, %add3A_800 : vector<16xi32>
      tpu.vector_store_idx %arg12[%add3A_801], %scan3A_782#2 : memref<640xf32, #tpu.memory_space<vmem>>[vector<16xi32>], vector<16xf32>,
      %mul3A_802 = arith.constant 5 : i32
      %mul3A_803 = vector.broadcast %mul3A_802 : i32 to vector<16xi32>
      %mul3A_804 = arith.muli %add3A_756, %mul3A_803 : vector<16xi32>
      %add3A_805 = arith.constant 3 : i32
      %add3A_806 = vector.broadcast %add3A_805 : i32 to vector<16xi32>
      %add3A_807 = arith.addi %mul3A_804, %add3A_806 : vector<16xi32>
      tpu.vector_store_idx %arg12[%add3A_807], %scan3A_782#3 : memref<640xf32, #tpu.memory_space<vmem>>[vector<16xi32>], vector<16xf32>,
      %mul3A_808 = arith.constant 5 : i32
      %mul3A_809 = vector.broadcast %mul3A_808 : i32 to vector<16xi32>
      %mul3A_810 = arith.muli %add3A_756, %mul3A_809 : vector<16xi32>
      %add3A_811 = arith.constant 4 : i32
      %add3A_812 = vector.broadcast %add3A_811 : i32 to vector<16xi32>
      %add3A_813 = arith.addi %mul3A_810, %add3A_812 : vector<16xi32>
      tpu.vector_store_idx %arg12[%add3A_813], %scan3A_782#4 : memref<640xf32, #tpu.memory_space<vmem>>[vector<16xi32>], vector<16xf32>,
      %scan3A_814 = arith.constant 0 : i32
      scf.yield %scan3A_814 : i32
    }
    %scan3A_655 = arith.constant 8 : i32
    %mul3A_656 = arith.constant 5 : i32
    %mul3A_657 = arith.muli %add3A_566, %mul3A_656 : i32
    "tpu.region"() ({
      %run_scoped3A_751 = tpu.sem_alloc : memref<!tpu.dma_semaphore, #tpu.memory_space<semaphore_mem>>
      %dma_start3A_752 = tpu.memref_slice %arg6[%mul3A_657] : memref<81920xf32, #tpu.memory_space<hbm>> -> memref<640xf32, #tpu.memory_space<hbm>>
      %dma_start3A_753 = tpu.memref_slice %arg6[%mul3A_657] : memref<81920xf32, #tpu.memory_space<hbm>> -> memref<640xf32, #tpu.memory_space<hbm>>
      tpu.enqueue_dma source(%arg12 : memref<640xf32, #tpu.memory_space<vmem>>) target(%dma_start3A_753 : memref<640xf32, #tpu.memory_space<hbm>>) target_semaphore(%run_scoped3A_751 : memref<!tpu.dma_semaphore, #tpu.memory_space<semaphore_mem>>)
      %dma_wait3A_754 = tpu.memref_slice %arg6[%mul3A_657] : memref<81920xf32, #tpu.memory_space<hbm>> -> memref<640xf32, #tpu.memory_space<hbm>>
      %dma_wait3A_755 = tpu.memref_slice %arg6[%mul3A_657] : memref<81920xf32, #tpu.memory_space<hbm>> -> memref<640xf32, #tpu.memory_space<hbm>>
      tpu.wait_dma2 semaphore(%run_scoped3A_751 : memref<!tpu.dma_semaphore, #tpu.memory_space<semaphore_mem>>) src(%arg12 : memref<640xf32, #tpu.memory_space<vmem>>) dst(%dma_wait3A_755 : memref<640xf32, #tpu.memory_space<hbm>>)
      tpu.yield
    }) : () -> ()
    %add3A_658 = arith.constant 384 : i32
    %add3A_659 = arith.addi %mul3A_2, %add3A_658 : i32
    %dma_wait3A_660 = arith.constant 1 : i32
    %dma_wait3A_661 = arith.constant 1 : i32
    %dma_wait3A_662 = arith.constant 0 : i32
    %dma_wait3A_663 = arith.constant 0 : i32
    %dma_wait3A_664 = tpu.memref_slice %arg10[%dma_wait3A_661, %dma_wait3A_662, %dma_wait3A_663] : memref<2x128x64xf32, #tpu.memory_space<vmem>> -> memref<1x128x64xf32, #tpu.memory_space<vmem>>
    %dma_wait3A_665 = tpu.memref_squeeze %dma_wait3A_664 : memref<1x128x64xf32, #tpu.memory_space<vmem>> -> memref<128x64xf32, #tpu.memory_space<vmem>>
    %dma_wait3A_666 = arith.constant 0 : i32
    %dma_wait3A_667 = tpu.memref_slice %arg7[%dma_wait3A_660, %dma_wait3A_666] : memref<2x128xi32, #tpu.memory_space<vmem>> -> memref<1x128xi32, #tpu.memory_space<vmem>>
    %dma_wait3A_668 = tpu.memref_squeeze %dma_wait3A_667 : memref<1x128xi32, #tpu.memory_space<vmem>> -> memref<128xi32, #tpu.memory_space<vmem>>
    %dma_wait3A_669 = arith.constant 0 : i32
    %dma_wait3A_670 = arith.constant 0 : i32
    %dma_wait3A_671 = tpu.memref_slice %arg4[%dma_wait3A_669, %dma_wait3A_670] : memref<1000000x64xf32, #tpu.memory_space<hbm>> -> memref<1000000x64xf32, #tpu.memory_space<hbm>>
    tpu.wait_indirect_dma semaphore(%arg14 : memref<!tpu.dma_semaphore, #tpu.memory_space<semaphore_mem>>) src(%dma_wait3A_671 : memref<1000000x64xf32, #tpu.memory_space<hbm>>) dst(%dma_wait3A_665 : memref<128x64xf32, #tpu.memory_space<vmem>>)
    %dma_wait3A_672 = arith.constant 1 : i32
    %dma_wait3A_673 = arith.constant 0 : i32
    %dma_wait3A_674 = arith.constant 1 : i32
    %dma_wait3A_675 = arith.constant 0 : i32
    %dma_wait3A_676 = arith.constant 0 : i32
    %dma_wait3A_677 = arith.constant 0 : i32
    %dma_wait3A_678 = tpu.memref_slice %arg11[%dma_wait3A_674, %dma_wait3A_675, %dma_wait3A_676, %dma_wait3A_677] : memref<2x5x128x64xf32, #tpu.memory_space<vmem>> -> memref<1x1x128x64xf32, #tpu.memory_space<vmem>>
    %dma_wait3A_679 = tpu.memref_squeeze %dma_wait3A_678 : memref<1x1x128x64xf32, #tpu.memory_space<vmem>> -> memref<128x64xf32, #tpu.memory_space<vmem>>
    %dma_wait3A_680 = arith.constant 0 : i32
    %dma_wait3A_681 = tpu.memref_slice %arg9[%dma_wait3A_672, %dma_wait3A_673, %dma_wait3A_680] : memref<2x5x128xi32, #tpu.memory_space<vmem>> -> memref<1x1x128xi32, #tpu.memory_space<vmem>>
    %dma_wait3A_682 = tpu.memref_squeeze %dma_wait3A_681 : memref<1x1x128xi32, #tpu.memory_space<vmem>> -> memref<128xi32, #tpu.memory_space<vmem>>
    %dma_wait3A_683 = arith.constant 0 : i32
    %dma_wait3A_684 = arith.constant 0 : i32
    %dma_wait3A_685 = tpu.memref_slice %arg5[%dma_wait3A_683, %dma_wait3A_684] : memref<1000000x64xf32, #tpu.memory_space<hbm>> -> memref<1000000x64xf32, #tpu.memory_space<hbm>>
    tpu.wait_indirect_dma semaphore(%arg14 : memref<!tpu.dma_semaphore, #tpu.memory_space<semaphore_mem>>) src(%dma_wait3A_685 : memref<1000000x64xf32, #tpu.memory_space<hbm>>) dst(%dma_wait3A_679 : memref<128x64xf32, #tpu.memory_space<vmem>>)
    %dma_wait3A_686 = arith.constant 1 : i32
    %dma_wait3A_687 = arith.constant 1 : i32
    %dma_wait3A_688 = arith.constant 1 : i32
    %dma_wait3A_689 = arith.constant 1 : i32
    %dma_wait3A_690 = arith.constant 0 : i32
    %dma_wait3A_691 = arith.constant 0 : i32
    %dma_wait3A_692 = tpu.memref_slice %arg11[%dma_wait3A_688, %dma_wait3A_689, %dma_wait3A_690, %dma_wait3A_691] : memref<2x5x128x64xf32, #tpu.memory_space<vmem>> -> memref<1x1x128x64xf32, #tpu.memory_space<vmem>>
    %dma_wait3A_693 = tpu.memref_squeeze %dma_wait3A_692 : memref<1x1x128x64xf32, #tpu.memory_space<vmem>> -> memref<128x64xf32, #tpu.memory_space<vmem>>
    %dma_wait3A_694 = arith.constant 0 : i32
    %dma_wait3A_695 = tpu.memref_slice %arg9[%dma_wait3A_686, %dma_wait3A_687, %dma_wait3A_694] : memref<2x5x128xi32, #tpu.memory_space<vmem>> -> memref<1x1x128xi32, #tpu.memory_space<vmem>>
    %dma_wait3A_696 = tpu.memref_squeeze %dma_wait3A_695 : memref<1x1x128xi32, #tpu.memory_space<vmem>> -> memref<128xi32, #tpu.memory_space<vmem>>
    %dma_wait3A_697 = arith.constant 0 : i32
    %dma_wait3A_698 = arith.constant 0 : i32
    %dma_wait3A_699 = tpu.memref_slice %arg5[%dma_wait3A_697, %dma_wait3A_698] : memref<1000000x64xf32, #tpu.memory_space<hbm>> -> memref<1000000x64xf32, #tpu.memory_space<hbm>>
    tpu.wait_indirect_dma semaphore(%arg14 : memref<!tpu.dma_semaphore, #tpu.memory_space<semaphore_mem>>) src(%dma_wait3A_699 : memref<1000000x64xf32, #tpu.memory_space<hbm>>) dst(%dma_wait3A_693 : memref<128x64xf32, #tpu.memory_space<vmem>>)
    %dma_wait3A_700 = arith.constant 1 : i32
    %dma_wait3A_701 = arith.constant 2 : i32
    %dma_wait3A_702 = arith.constant 1 : i32
    %dma_wait3A_703 = arith.constant 2 : i32
    %dma_wait3A_704 = arith.constant 0 : i32
    %dma_wait3A_705 = arith.constant 0 : i32
    %dma_wait3A_706 = tpu.memref_slice %arg11[%dma_wait3A_702, %dma_wait3A_703, %dma_wait3A_704, %dma_wait3A_705] : memref<2x5x128x64xf32, #tpu.memory_space<vmem>> -> memref<1x1x128x64xf32, #tpu.memory_space<vmem>>
    %dma_wait3A_707 = tpu.memref_squeeze %dma_wait3A_706 : memref<1x1x128x64xf32, #tpu.memory_space<vmem>> -> memref<128x64xf32, #tpu.memory_space<vmem>>
    %dma_wait3A_708 = arith.constant 0 : i32
    %dma_wait3A_709 = tpu.memref_slice %arg9[%dma_wait3A_700, %dma_wait3A_701, %dma_wait3A_708] : memref<2x5x128xi32, #tpu.memory_space<vmem>> -> memref<1x1x128xi32, #tpu.memory_space<vmem>>
    %dma_wait3A_710 = tpu.memref_squeeze %dma_wait3A_709 : memref<1x1x128xi32, #tpu.memory_space<vmem>> -> memref<128xi32, #tpu.memory_space<vmem>>
    %dma_wait3A_711 = arith.constant 0 : i32
    %dma_wait3A_712 = arith.constant 0 : i32
    %dma_wait3A_713 = tpu.memref_slice %arg5[%dma_wait3A_711, %dma_wait3A_712] : memref<1000000x64xf32, #tpu.memory_space<hbm>> -> memref<1000000x64xf32, #tpu.memory_space<hbm>>
    tpu.wait_indirect_dma semaphore(%arg14 : memref<!tpu.dma_semaphore, #tpu.memory_space<semaphore_mem>>) src(%dma_wait3A_713 : memref<1000000x64xf32, #tpu.memory_space<hbm>>) dst(%dma_wait3A_707 : memref<128x64xf32, #tpu.memory_space<vmem>>)
    %dma_wait3A_714 = arith.constant 1 : i32
    %dma_wait3A_715 = arith.constant 3 : i32
    %dma_wait3A_716 = arith.constant 1 : i32
    %dma_wait3A_717 = arith.constant 3 : i32
    %dma_wait3A_718 = arith.constant 0 : i32
    %dma_wait3A_719 = arith.constant 0 : i32
    %dma_wait3A_720 = tpu.memref_slice %arg11[%dma_wait3A_716, %dma_wait3A_717, %dma_wait3A_718, %dma_wait3A_719] : memref<2x5x128x64xf32, #tpu.memory_space<vmem>> -> memref<1x1x128x64xf32, #tpu.memory_space<vmem>>
    %dma_wait3A_721 = tpu.memref_squeeze %dma_wait3A_720 : memref<1x1x128x64xf32, #tpu.memory_space<vmem>> -> memref<128x64xf32, #tpu.memory_space<vmem>>
    %dma_wait3A_722 = arith.constant 0 : i32
    %dma_wait3A_723 = tpu.memref_slice %arg9[%dma_wait3A_714, %dma_wait3A_715, %dma_wait3A_722] : memref<2x5x128xi32, #tpu.memory_space<vmem>> -> memref<1x1x128xi32, #tpu.memory_space<vmem>>
    %dma_wait3A_724 = tpu.memref_squeeze %dma_wait3A_723 : memref<1x1x128xi32, #tpu.memory_space<vmem>> -> memref<128xi32, #tpu.memory_space<vmem>>
    %dma_wait3A_725 = arith.constant 0 : i32
    %dma_wait3A_726 = arith.constant 0 : i32
    %dma_wait3A_727 = tpu.memref_slice %arg5[%dma_wait3A_725, %dma_wait3A_726] : memref<1000000x64xf32, #tpu.memory_space<hbm>> -> memref<1000000x64xf32, #tpu.memory_space<hbm>>
    tpu.wait_indirect_dma semaphore(%arg14 : memref<!tpu.dma_semaphore, #tpu.memory_space<semaphore_mem>>) src(%dma_wait3A_727 : memref<1000000x64xf32, #tpu.memory_space<hbm>>) dst(%dma_wait3A_721 : memref<128x64xf32, #tpu.memory_space<vmem>>)
    %dma_wait3A_728 = arith.constant 1 : i32
    %dma_wait3A_729 = arith.constant 4 : i32
    %dma_wait3A_730 = arith.constant 1 : i32
    %dma_wait3A_731 = arith.constant 4 : i32
    %dma_wait3A_732 = arith.constant 0 : i32
    %dma_wait3A_733 = arith.constant 0 : i32
    %dma_wait3A_734 = tpu.memref_slice %arg11[%dma_wait3A_730, %dma_wait3A_731, %dma_wait3A_732, %dma_wait3A_733] : memref<2x5x128x64xf32, #tpu.memory_space<vmem>> -> memref<1x1x128x64xf32, #tpu.memory_space<vmem>>
    %dma_wait3A_735 = tpu.memref_squeeze %dma_wait3A_734 : memref<1x1x128x64xf32, #tpu.memory_space<vmem>> -> memref<128x64xf32, #tpu.memory_space<vmem>>
    %dma_wait3A_736 = arith.constant 0 : i32
    %dma_wait3A_737 = tpu.memref_slice %arg9[%dma_wait3A_728, %dma_wait3A_729, %dma_wait3A_736] : memref<2x5x128xi32, #tpu.memory_space<vmem>> -> memref<1x1x128xi32, #tpu.memory_space<vmem>>
    %dma_wait3A_738 = tpu.memref_squeeze %dma_wait3A_737 : memref<1x1x128xi32, #tpu.memory_space<vmem>> -> memref<128xi32, #tpu.memory_space<vmem>>
    %dma_wait3A_739 = arith.constant 0 : i32
    %dma_wait3A_740 = arith.constant 0 : i32
    %dma_wait3A_741 = tpu.memref_slice %arg5[%dma_wait3A_739, %dma_wait3A_740] : memref<1000000x64xf32, #tpu.memory_space<hbm>> -> memref<1000000x64xf32, #tpu.memory_space<hbm>>
    tpu.wait_indirect_dma semaphore(%arg14 : memref<!tpu.dma_semaphore, #tpu.memory_space<semaphore_mem>>) src(%dma_wait3A_741 : memref<1000000x64xf32, #tpu.memory_space<hbm>>) dst(%dma_wait3A_735 : memref<128x64xf32, #tpu.memory_space<vmem>>)
    %scan3A_742 = arith.constant 0 : i32
    %scan3A_743 = arith.constant 0 : i32
    %scan3A_744 = arith.constant 8 : i32
    %scan3A_745 = arith.addi %scan3A_743, %scan3A_744 : i32
    %scan3A_746 = arith.constant 1 : i32
    %scan3A_747 = scf.for %scan3A_751 = %scan3A_743 to %scan3A_745 step %scan3A_746 iter_args(%scan3A_752 = %scan3A_742) -> (i32)  : i32 {
      %mul3A_753 = arith.constant 16 : i32
      %mul3A_754 = arith.muli %scan3A_751, %mul3A_753 : i32
      %add3A_755 = vector.broadcast %mul3A_754 : i32 to vector<16xi32>
      %add3A_756 = arith.addi %add3A_755, %iota3A : vector<16xi32>
      %broadcast_in_dim3A = arith.constant 1 : i32
      %broadcast_in_dim3A_757 = vector.broadcast %broadcast_in_dim3A : i32 to vector<16xi32>
      %broadcast_in_dim3A_758 = arith.constant 0 : i32
      %broadcast_in_dim3A_759 = vector.broadcast %broadcast_in_dim3A_758 : i32 to vector<16xi32>
      %broadcast_in_dim3A_760 = arith.constant 1 : i32
      %broadcast_in_dim3A_761 = vector.broadcast %broadcast_in_dim3A_760 : i32 to vector<16xi32>
      %broadcast_in_dim3A_762 = arith.constant 2 : i32
      %broadcast_in_dim3A_763 = vector.broadcast %broadcast_in_dim3A_762 : i32 to vector<16xi32>
      %broadcast_in_dim3A_764 = arith.constant 3 : i32
      %broadcast_in_dim3A_765 = vector.broadcast %broadcast_in_dim3A_764 : i32 to vector<16xi32>
      %broadcast_in_dim3A_766 = arith.constant 4 : i32
      %broadcast_in_dim3A_767 = vector.broadcast %broadcast_in_dim3A_766 : i32 to vector<16xi32>
      %broadcast_in_dim3A_768 = arith.constant 0.000000e+00 : f32
      %broadcast_in_dim3A_769 = vector.broadcast %broadcast_in_dim3A_768 : f32 to vector<16xf32>
      %broadcast_in_dim3A_770 = arith.constant 0.000000e+00 : f32
      %broadcast_in_dim3A_771 = vector.broadcast %broadcast_in_dim3A_770 : f32 to vector<16xf32>
      %broadcast_in_dim3A_772 = arith.constant 0.000000e+00 : f32
      %broadcast_in_dim3A_773 = vector.broadcast %broadcast_in_dim3A_772 : f32 to vector<16xf32>
      %broadcast_in_dim3A_774 = arith.constant 0.000000e+00 : f32
      %broadcast_in_dim3A_775 = vector.broadcast %broadcast_in_dim3A_774 : f32 to vector<16xf32>
      %broadcast_in_dim3A_776 = arith.constant 0.000000e+00 : f32
      %broadcast_in_dim3A_777 = vector.broadcast %broadcast_in_dim3A_776 : f32 to vector<16xf32>
      %scan3A_778 = arith.constant 0 : i32
      %scan3A_779 = arith.constant 64 : i32
      %scan3A_780 = arith.addi %scan3A_778, %scan3A_779 : i32
      %scan3A_781 = arith.constant 4 : i32
      %scan3A_782:5 = scf.for %scan3A_815 = %scan3A_778 to %scan3A_780 step %scan3A_781 iter_args(%scan3A_816 = %broadcast_in_dim3A_769, %scan3A_817 = %broadcast_in_dim3A_771, %scan3A_818 = %broadcast_in_dim3A_773, %scan3A_819 = %broadcast_in_dim3A_775, %scan3A_820 = %broadcast_in_dim3A_777) -> (vector<16xf32>, vector<16xf32>, vector<16xf32>, vector<16xf32>, vector<16xf32>)  : i32 {
        %broadcast_in_dim3A_821 = arith.constant 0 : i32
        %broadcast_in_dim3A_822 = vector.broadcast %broadcast_in_dim3A_821 : i32 to vector<16xi32>
        %add3A_823 = vector.broadcast %scan3A_815 : i32 to vector<16xi32>
        %add3A_824 = arith.addi %broadcast_in_dim3A_822, %add3A_823 : vector<16xi32>
        %gather3A = tpu.vector_load_idx %arg10[%broadcast_in_dim3A_757, %add3A_756, %add3A_824] : memref<2x128x64xf32, #tpu.memory_space<vmem>>[vector<16xi32>, vector<16xi32>, vector<16xi32>], vector<16xf32>,
        %gather3A_825 = tpu.vector_load_idx %arg11[%broadcast_in_dim3A_757, %broadcast_in_dim3A_759, %add3A_756, %add3A_824] : memref<2x5x128x64xf32, #tpu.memory_space<vmem>>[vector<16xi32>, vector<16xi32>, vector<16xi32>, vector<16xi32>], vector<16xf32>,
        %mul3A_826 = arith.mulf %gather3A_825, %gather3A : vector<16xf32>
        %add3A_827 = arith.addf %scan3A_816, %mul3A_826 : vector<16xf32>
        %gather3A_828 = tpu.vector_load_idx %arg11[%broadcast_in_dim3A_757, %broadcast_in_dim3A_761, %add3A_756, %add3A_824] : memref<2x5x128x64xf32, #tpu.memory_space<vmem>>[vector<16xi32>, vector<16xi32>, vector<16xi32>, vector<16xi32>], vector<16xf32>,
        %mul3A_829 = arith.mulf %gather3A_828, %gather3A : vector<16xf32>
        %add3A_830 = arith.addf %scan3A_817, %mul3A_829 : vector<16xf32>
        %gather3A_831 = tpu.vector_load_idx %arg11[%broadcast_in_dim3A_757, %broadcast_in_dim3A_763, %add3A_756, %add3A_824] : memref<2x5x128x64xf32, #tpu.memory_space<vmem>>[vector<16xi32>, vector<16xi32>, vector<16xi32>, vector<16xi32>], vector<16xf32>,
        %mul3A_832 = arith.mulf %gather3A_831, %gather3A : vector<16xf32>
        %add3A_833 = arith.addf %scan3A_818, %mul3A_832 : vector<16xf32>
        %gather3A_834 = tpu.vector_load_idx %arg11[%broadcast_in_dim3A_757, %broadcast_in_dim3A_765, %add3A_756, %add3A_824] : memref<2x5x128x64xf32, #tpu.memory_space<vmem>>[vector<16xi32>, vector<16xi32>, vector<16xi32>, vector<16xi32>], vector<16xf32>,
        %mul3A_835 = arith.mulf %gather3A_834, %gather3A : vector<16xf32>
        %add3A_836 = arith.addf %scan3A_819, %mul3A_835 : vector<16xf32>
        %gather3A_837 = tpu.vector_load_idx %arg11[%broadcast_in_dim3A_757, %broadcast_in_dim3A_767, %add3A_756, %add3A_824] : memref<2x5x128x64xf32, #tpu.memory_space<vmem>>[vector<16xi32>, vector<16xi32>, vector<16xi32>, vector<16xi32>], vector<16xf32>,
        %mul3A_838 = arith.mulf %gather3A_837, %gather3A : vector<16xf32>
        %add3A_839 = arith.addf %scan3A_820, %mul3A_838 : vector<16xf32>
        %scan3A_840 = arith.constant 1 : i32
        %scan3A_841 = arith.addi %scan3A_815, %scan3A_840 : i32
        %broadcast_in_dim3A_842 = arith.constant 0 : i32
        %broadcast_in_dim3A_843 = vector.broadcast %broadcast_in_dim3A_842 : i32 to vector<16xi32>
        %add3A_844 = vector.broadcast %scan3A_841 : i32 to vector<16xi32>
        %add3A_845 = arith.addi %broadcast_in_dim3A_843, %add3A_844 : vector<16xi32>
        %gather3A_846 = tpu.vector_load_idx %arg10[%broadcast_in_dim3A_757, %add3A_756, %add3A_845] : memref<2x128x64xf32, #tpu.memory_space<vmem>>[vector<16xi32>, vector<16xi32>, vector<16xi32>], vector<16xf32>,
        %gather3A_847 = tpu.vector_load_idx %arg11[%broadcast_in_dim3A_757, %broadcast_in_dim3A_759, %add3A_756, %add3A_845] : memref<2x5x128x64xf32, #tpu.memory_space<vmem>>[vector<16xi32>, vector<16xi32>, vector<16xi32>, vector<16xi32>], vector<16xf32>,
        %mul3A_848 = arith.mulf %gather3A_847, %gather3A_846 : vector<16xf32>
        %add3A_849 = arith.addf %add3A_827, %mul3A_848 : vector<16xf32>
        %gather3A_850 = tpu.vector_load_idx %arg11[%broadcast_in_dim3A_757, %broadcast_in_dim3A_761, %add3A_756, %add3A_845] : memref<2x5x128x64xf32, #tpu.memory_space<vmem>>[vector<16xi32>, vector<16xi32>, vector<16xi32>, vector<16xi32>], vector<16xf32>,
        %mul3A_851 = arith.mulf %gather3A_850, %gather3A_846 : vector<16xf32>
        %add3A_852 = arith.addf %add3A_830, %mul3A_851 : vector<16xf32>
        %gather3A_853 = tpu.vector_load_idx %arg11[%broadcast_in_dim3A_757, %broadcast_in_dim3A_763, %add3A_756, %add3A_845] : memref<2x5x128x64xf32, #tpu.memory_space<vmem>>[vector<16xi32>, vector<16xi32>, vector<16xi32>, vector<16xi32>], vector<16xf32>,
        %mul3A_854 = arith.mulf %gather3A_853, %gather3A_846 : vector<16xf32>
        %add3A_855 = arith.addf %add3A_833, %mul3A_854 : vector<16xf32>
        %gather3A_856 = tpu.vector_load_idx %arg11[%broadcast_in_dim3A_757, %broadcast_in_dim3A_765, %add3A_756, %add3A_845] : memref<2x5x128x64xf32, #tpu.memory_space<vmem>>[vector<16xi32>, vector<16xi32>, vector<16xi32>, vector<16xi32>], vector<16xf32>,
        %mul3A_857 = arith.mulf %gather3A_856, %gather3A_846 : vector<16xf32>
        %add3A_858 = arith.addf %add3A_836, %mul3A_857 : vector<16xf32>
        %gather3A_859 = tpu.vector_load_idx %arg11[%broadcast_in_dim3A_757, %broadcast_in_dim3A_767, %add3A_756, %add3A_845] : memref<2x5x128x64xf32, #tpu.memory_space<vmem>>[vector<16xi32>, vector<16xi32>, vector<16xi32>, vector<16xi32>], vector<16xf32>,
        %mul3A_860 = arith.mulf %gather3A_859, %gather3A_846 : vector<16xf32>
        %add3A_861 = arith.addf %add3A_839, %mul3A_860 : vector<16xf32>
        %scan3A_862 = arith.constant 2 : i32
        %scan3A_863 = arith.addi %scan3A_815, %scan3A_862 : i32
        %broadcast_in_dim3A_864 = arith.constant 0 : i32
        %broadcast_in_dim3A_865 = vector.broadcast %broadcast_in_dim3A_864 : i32 to vector<16xi32>
        %add3A_866 = vector.broadcast %scan3A_863 : i32 to vector<16xi32>
        %add3A_867 = arith.addi %broadcast_in_dim3A_865, %add3A_866 : vector<16xi32>
        %gather3A_868 = tpu.vector_load_idx %arg10[%broadcast_in_dim3A_757, %add3A_756, %add3A_867] : memref<2x128x64xf32, #tpu.memory_space<vmem>>[vector<16xi32>, vector<16xi32>, vector<16xi32>], vector<16xf32>,
        %gather3A_869 = tpu.vector_load_idx %arg11[%broadcast_in_dim3A_757, %broadcast_in_dim3A_759, %add3A_756, %add3A_867] : memref<2x5x128x64xf32, #tpu.memory_space<vmem>>[vector<16xi32>, vector<16xi32>, vector<16xi32>, vector<16xi32>], vector<16xf32>,
        %mul3A_870 = arith.mulf %gather3A_869, %gather3A_868 : vector<16xf32>
        %add3A_871 = arith.addf %add3A_849, %mul3A_870 : vector<16xf32>
        %gather3A_872 = tpu.vector_load_idx %arg11[%broadcast_in_dim3A_757, %broadcast_in_dim3A_761, %add3A_756, %add3A_867] : memref<2x5x128x64xf32, #tpu.memory_space<vmem>>[vector<16xi32>, vector<16xi32>, vector<16xi32>, vector<16xi32>], vector<16xf32>,
        %mul3A_873 = arith.mulf %gather3A_872, %gather3A_868 : vector<16xf32>
        %add3A_874 = arith.addf %add3A_852, %mul3A_873 : vector<16xf32>
        %gather3A_875 = tpu.vector_load_idx %arg11[%broadcast_in_dim3A_757, %broadcast_in_dim3A_763, %add3A_756, %add3A_867] : memref<2x5x128x64xf32, #tpu.memory_space<vmem>>[vector<16xi32>, vector<16xi32>, vector<16xi32>, vector<16xi32>], vector<16xf32>,
        %mul3A_876 = arith.mulf %gather3A_875, %gather3A_868 : vector<16xf32>
        %add3A_877 = arith.addf %add3A_855, %mul3A_876 : vector<16xf32>
        %gather3A_878 = tpu.vector_load_idx %arg11[%broadcast_in_dim3A_757, %broadcast_in_dim3A_765, %add3A_756, %add3A_867] : memref<2x5x128x64xf32, #tpu.memory_space<vmem>>[vector<16xi32>, vector<16xi32>, vector<16xi32>, vector<16xi32>], vector<16xf32>,
        %mul3A_879 = arith.mulf %gather3A_878, %gather3A_868 : vector<16xf32>
        %add3A_880 = arith.addf %add3A_858, %mul3A_879 : vector<16xf32>
        %gather3A_881 = tpu.vector_load_idx %arg11[%broadcast_in_dim3A_757, %broadcast_in_dim3A_767, %add3A_756, %add3A_867] : memref<2x5x128x64xf32, #tpu.memory_space<vmem>>[vector<16xi32>, vector<16xi32>, vector<16xi32>, vector<16xi32>], vector<16xf32>,
        %mul3A_882 = arith.mulf %gather3A_881, %gather3A_868 : vector<16xf32>
        %add3A_883 = arith.addf %add3A_861, %mul3A_882 : vector<16xf32>
        %scan3A_884 = arith.constant 3 : i32
        %scan3A_885 = arith.addi %scan3A_815, %scan3A_884 : i32
        %broadcast_in_dim3A_886 = arith.constant 0 : i32
        %broadcast_in_dim3A_887 = vector.broadcast %broadcast_in_dim3A_886 : i32 to vector<16xi32>
        %add3A_888 = vector.broadcast %scan3A_885 : i32 to vector<16xi32>
        %add3A_889 = arith.addi %broadcast_in_dim3A_887, %add3A_888 : vector<16xi32>
        %gather3A_890 = tpu.vector_load_idx %arg10[%broadcast_in_dim3A_757, %add3A_756, %add3A_889] : memref<2x128x64xf32, #tpu.memory_space<vmem>>[vector<16xi32>, vector<16xi32>, vector<16xi32>], vector<16xf32>,
        %gather3A_891 = tpu.vector_load_idx %arg11[%broadcast_in_dim3A_757, %broadcast_in_dim3A_759, %add3A_756, %add3A_889] : memref<2x5x128x64xf32, #tpu.memory_space<vmem>>[vector<16xi32>, vector<16xi32>, vector<16xi32>, vector<16xi32>], vector<16xf32>,
        %mul3A_892 = arith.mulf %gather3A_891, %gather3A_890 : vector<16xf32>
        %add3A_893 = arith.addf %add3A_871, %mul3A_892 : vector<16xf32>
        %gather3A_894 = tpu.vector_load_idx %arg11[%broadcast_in_dim3A_757, %broadcast_in_dim3A_761, %add3A_756, %add3A_889] : memref<2x5x128x64xf32, #tpu.memory_space<vmem>>[vector<16xi32>, vector<16xi32>, vector<16xi32>, vector<16xi32>], vector<16xf32>,
        %mul3A_895 = arith.mulf %gather3A_894, %gather3A_890 : vector<16xf32>
        %add3A_896 = arith.addf %add3A_874, %mul3A_895 : vector<16xf32>
        %gather3A_897 = tpu.vector_load_idx %arg11[%broadcast_in_dim3A_757, %broadcast_in_dim3A_763, %add3A_756, %add3A_889] : memref<2x5x128x64xf32, #tpu.memory_space<vmem>>[vector<16xi32>, vector<16xi32>, vector<16xi32>, vector<16xi32>], vector<16xf32>,
        %mul3A_898 = arith.mulf %gather3A_897, %gather3A_890 : vector<16xf32>
        %add3A_899 = arith.addf %add3A_877, %mul3A_898 : vector<16xf32>
        %gather3A_900 = tpu.vector_load_idx %arg11[%broadcast_in_dim3A_757, %broadcast_in_dim3A_765, %add3A_756, %add3A_889] : memref<2x5x128x64xf32, #tpu.memory_space<vmem>>[vector<16xi32>, vector<16xi32>, vector<16xi32>, vector<16xi32>], vector<16xf32>,
        %mul3A_901 = arith.mulf %gather3A_900, %gather3A_890 : vector<16xf32>
        %add3A_902 = arith.addf %add3A_880, %mul3A_901 : vector<16xf32>
        %gather3A_903 = tpu.vector_load_idx %arg11[%broadcast_in_dim3A_757, %broadcast_in_dim3A_767, %add3A_756, %add3A_889] : memref<2x5x128x64xf32, #tpu.memory_space<vmem>>[vector<16xi32>, vector<16xi32>, vector<16xi32>, vector<16xi32>], vector<16xf32>,
        %mul3A_904 = arith.mulf %gather3A_903, %gather3A_890 : vector<16xf32>
        %add3A_905 = arith.addf %add3A_883, %mul3A_904 : vector<16xf32>
        scf.yield %add3A_893, %add3A_896, %add3A_899, %add3A_902, %add3A_905 : vector<16xf32>, vector<16xf32>, vector<16xf32>, vector<16xf32>, vector<16xf32>
      }
      %scan3A_783 = arith.constant 64 : i32
      %mul3A_784 = arith.constant 5 : i32
      %mul3A_785 = vector.broadcast %mul3A_784 : i32 to vector<16xi32>
      %mul3A_786 = arith.muli %add3A_756, %mul3A_785 : vector<16xi32>
      %add3A_787 = arith.constant 0 : i32
      %add3A_788 = vector.broadcast %add3A_787 : i32 to vector<16xi32>
      %add3A_789 = arith.addi %mul3A_786, %add3A_788 : vector<16xi32>
      tpu.vector_store_idx %arg12[%add3A_789], %scan3A_782#0 : memref<640xf32, #tpu.memory_space<vmem>>[vector<16xi32>], vector<16xf32>,
      %mul3A_790 = arith.constant 5 : i32
      %mul3A_791 = vector.broadcast %mul3A_790 : i32 to vector<16xi32>
      %mul3A_792 = arith.muli %add3A_756, %mul3A_791 : vector<16xi32>
      %add3A_793 = arith.constant 1 : i32
      %add3A_794 = vector.broadcast %add3A_793 : i32 to vector<16xi32>
      %add3A_795 = arith.addi %mul3A_792, %add3A_794 : vector<16xi32>
      tpu.vector_store_idx %arg12[%add3A_795], %scan3A_782#1 : memref<640xf32, #tpu.memory_space<vmem>>[vector<16xi32>], vector<16xf32>,
      %mul3A_796 = arith.constant 5 : i32
      %mul3A_797 = vector.broadcast %mul3A_796 : i32 to vector<16xi32>
      %mul3A_798 = arith.muli %add3A_756, %mul3A_797 : vector<16xi32>
      %add3A_799 = arith.constant 2 : i32
      %add3A_800 = vector.broadcast %add3A_799 : i32 to vector<16xi32>
      %add3A_801 = arith.addi %mul3A_798, %add3A_800 : vector<16xi32>
      tpu.vector_store_idx %arg12[%add3A_801], %scan3A_782#2 : memref<640xf32, #tpu.memory_space<vmem>>[vector<16xi32>], vector<16xf32>,
      %mul3A_802 = arith.constant 5 : i32
      %mul3A_803 = vector.broadcast %mul3A_802 : i32 to vector<16xi32>
      %mul3A_804 = arith.muli %add3A_756, %mul3A_803 : vector<16xi32>
      %add3A_805 = arith.constant 3 : i32
      %add3A_806 = vector.broadcast %add3A_805 : i32 to vector<16xi32>
      %add3A_807 = arith.addi %mul3A_804, %add3A_806 : vector<16xi32>
      tpu.vector_store_idx %arg12[%add3A_807], %scan3A_782#3 : memref<640xf32, #tpu.memory_space<vmem>>[vector<16xi32>], vector<16xf32>,
      %mul3A_808 = arith.constant 5 : i32
      %mul3A_809 = vector.broadcast %mul3A_808 : i32 to vector<16xi32>
      %mul3A_810 = arith.muli %add3A_756, %mul3A_809 : vector<16xi32>
      %add3A_811 = arith.constant 4 : i32
      %add3A_812 = vector.broadcast %add3A_811 : i32 to vector<16xi32>
      %add3A_813 = arith.addi %mul3A_810, %add3A_812 : vector<16xi32>
      tpu.vector_store_idx %arg12[%add3A_813], %scan3A_782#4 : memref<640xf32, #tpu.memory_space<vmem>>[vector<16xi32>], vector<16xf32>,
      %scan3A_814 = arith.constant 0 : i32
      scf.yield %scan3A_814 : i32
    }
    %scan3A_748 = arith.constant 8 : i32
    %mul3A_749 = arith.constant 5 : i32
    %mul3A_750 = arith.muli %add3A_659, %mul3A_749 : i32
    "tpu.region"() ({
      %run_scoped3A_751 = tpu.sem_alloc : memref<!tpu.dma_semaphore, #tpu.memory_space<semaphore_mem>>
      %dma_start3A_752 = tpu.memref_slice %arg6[%mul3A_750] : memref<81920xf32, #tpu.memory_space<hbm>> -> memref<640xf32, #tpu.memory_space<hbm>>
      %dma_start3A_753 = tpu.memref_slice %arg6[%mul3A_750] : memref<81920xf32, #tpu.memory_space<hbm>> -> memref<640xf32, #tpu.memory_space<hbm>>
      tpu.enqueue_dma source(%arg12 : memref<640xf32, #tpu.memory_space<vmem>>) target(%dma_start3A_753 : memref<640xf32, #tpu.memory_space<hbm>>) target_semaphore(%run_scoped3A_751 : memref<!tpu.dma_semaphore, #tpu.memory_space<semaphore_mem>>)
      %dma_wait3A_754 = tpu.memref_slice %arg6[%mul3A_750] : memref<81920xf32, #tpu.memory_space<hbm>> -> memref<640xf32, #tpu.memory_space<hbm>>
      %dma_wait3A_755 = tpu.memref_slice %arg6[%mul3A_750] : memref<81920xf32, #tpu.memory_space<hbm>> -> memref<640xf32, #tpu.memory_space<hbm>>
      tpu.wait_dma2 semaphore(%run_scoped3A_751 : memref<!tpu.dma_semaphore, #tpu.memory_space<semaphore_mem>>) src(%arg12 : memref<640xf32, #tpu.memory_space<vmem>>) dst(%dma_wait3A_755 : memref<640xf32, #tpu.memory_space<hbm>>)
      tpu.yield
    }) : () -> ()
    return
  }
}

</mosaic_0001>

<sc_bundles>
// kernel: kernel.3.cloned.1.call-start
scs
__scs_entry_jumppad:
0x0: {  	(pc) =	sbr.rel $0x88, $3  }
0x1: {  	(tag) =	ssettag $0x0;
	lr =	simm.s32 $0x1  }
0x2: {  	[smem:$0x3F9D] =	sst lr;
	_ =	strace $0xD0000000  }
0x3: {  	_ = 	snop  }
0x4: {  	_ = 	snop  }
0x5: {  	_ = 	snop  }
0x6: {  	_ = 	snop  }
0x7: {  	_ = 	snop  }
__scs_overlays_trampoline_lowered:
0x8: {  	[smem:$0x3FAC] =	sst s0  }
0x9: {  	[smem:$0x3FAD] =	sst s1  }
0xa: {  	[smem:$0x3FAE] =	sst s2  }
0xb: {  	[smem:$0x3FAF] =	sst s3  }
0xc: {  	[smem:$0x3FB0] =	sst s4  }
0xd: {  	[smem:$0x3FB1] =	sst s5  }
0xe: {  	[smem:$0x3FB2] =	sst s6  }
0xf: {  	[smem:$0x3FB3] =	sst s7  }
0x10: {  	[smem:$0x3FB4] =	sst s8  }
0x11: {  	[smem:$0x3FB5] =	sst s9;
	s0 =	simm.s32 @!p0 $0x0  }
0x12: {  	s1 =	sld [smem:$0x3F9B];
	s0 =	simm.s32 @p0 $0x1  }
0x13: {  	[smem:$0x3FB6] =	sst s0;
	s0 =	simm.s32 @!p1 $0x0  }
0x14: {  	s2 =	sld [smem:$0x3F9A];
	s0 =	simm.s32 @p1 $0x1  }
0x15: {  	[smem:$0x3FB7] =	sst s0;
	s0 =	simm.s32 @!p2 $0x0  }
0x16: {  	s3 =	sld [smem:$0x3FDB];
	s0 =	simm.s32 @p2 $0x1  }
0x17: {  	s4 =	simm.s32 $0x1BF5;
	[smem:$0x3FB9] =	sst s0  }
0x18: {  	s0 =	sld [smem:$0x3F9C];
	_ =	swait.ge [sflag:s4], $0x0  }
0x19: {  	s7 =	sld [smem:$0x3F9D]  }
0x1a: {  	s8 =	sadd.s32 $0xFFFFE003, lr  }
0x1b: {  	s9 =	sadd.s32 $0xFFFFFEF7, lr;
	s5 =	simm.s32 $0xFFFFFFFF;
	p2 =	slt.u32 s8, $0xFFFFF086  }
0x1c: {  	p1 =	slt.u32 s9, $0xF7A;
	s5 =	simm.s32 @!p2 $0x0  }
0x1d: {  	s5 =	simm.s32 @p1 $0x1;
	p0 =	seq.s32 s7, s2  }
0x1e: {  	s7 =	smul.u32 @!p0 $0xF7A, s2;
	p2 =	seq.s32 @!p0 s5, $0x0  }
0x1f: {  	s9 =	smul.u32 $0xF7A, s1;
	s8 =	simm.s32 @!p0 $0x1BF5;
	p2 =	por !p2, p0  }
0x20: {  	[sflag:s8] =	ssyncset.s32 @!p0 $0xFFFFF086;
	s6 =	sadd.s32 @!p0 s3, s7;
	s7 =	simm.s32 @!p0 $0x108  }
0x21: {  	s3 =	sadd.s32 s3, s9;
	s6 =	sadd.s32 @!p0 $0x88, s6;
	s7 =	simm.s32 @p2 $0x1082  }
0x22: {  	[simem:s7], [sflag:s8] =	dma.local @!p0 [hbm:s6], $0xF7A  }
0x23: {  	s9 =	sor.u32 $0xD0000000, s2;
	s6 =	simm.s32 $0x108;
	_ =	swait.ge @!p0 [sflag:s8], $0x0  }
0x24: {  	s3 =	sadd.s32 $0x88, s3;
	s6 =	simm.s32 @!p1 $0x1082;
	[sflag:s4] =	ssyncset.s32 $0xFFFFF086  }
0x25: {  	[simem:s6], [sflag:s4] =	dma.local [hbm:s3], $0xF7A  }
0x26: {  	[smem:$0x3F9D] =	sst s1;
	(tag) =	ssettag s2;
	_ =	strace s9  }
0x27: {  	s1 =	sld [smem:$0x3FAD]  }
0x28: {  	s2 =	sld [smem:$0x3FAE]  }
0x29: {  	s4 =	sld [smem:$0x3FB0]  }
0x2a: {  	p0 =	seq.s32 s5, $0x0;
	s5 =	sld [smem:$0x3FB1]  }
0x2b: {  	s6 =	sld [smem:$0x3FB2]  }
0x2c: {  	s7 =	sld [smem:$0x3FB3]  }
0x2d: {  	s3 =	simm.s32 $0x108;
	s8 =	sld [smem:$0x3FB4]  }
0x2e: {  	s3 =	simm.s32 @!p0 $0x1082;
	s9 =	sld [smem:$0x3FB5]  }
0x2f: {  	lr =	sadd.s32 s0, s3;
	s0 =	sld [smem:$0x3FAC]  }
0x30: {  	s3 =	sld [smem:$0x3FAF]  }
0x31: {  	[smem:$0x3FB8] =	sst s10  }
0x32: {  	s10 =	sld [smem:$0x3FB6];
	_ =	sdelay $0x3  }
0x33: {  	p0 =	seq.s32 s10, $0x1;
	s10 =	sld [smem:$0x3FB8];
	_ =	sdelay $0x3  }
0x34: {  	[smem:$0x3FB8] =	sst s10  }
0x35: {  	s10 =	sld [smem:$0x3FB7];
	_ =	sdelay $0x3  }
0x36: {  	p1 =	seq.s32 s10, $0x1;
	s10 =	sld [smem:$0x3FB8];
	_ =	sdelay $0x3  }
0x37: {  	[smem:$0x3FB8] =	sst s10  }
0x38: {  	s10 =	sld [smem:$0x3FB9]  }
0x39: {  	_ = 	snop;
	(pc) =	sbr.ind lr, $3  }
0x3a: {  	_ = 	snop  }
0x3b: {  	_ = 	snop  }
0x3c: {  	p2 =	seq.s32 s10, $0x1;
	s10 =	sld [smem:$0x3FB8]  }
0x3d: {  	_ =	shalt  }
0x3e: {  	_ =	shalt  }
0x3f: {  	_ =	shalt  }
0x40: {  	_ =	shalt  }
0x41: {  	_ =	shalt  }
0x42: {  	_ =	shalt  }
0x43: {  	_ =	shalt  }
0x44: {  	_ =	shalt  }
0x45: {  	_ =	shalt  }
0x46: {  	_ =	shalt  }
0x47: {  	_ =	shalt  }
0x48: {  	_ =	shalt  }
0x49: {  	_ =	shalt  }
0x4a: {  	_ =	shalt  }
0x4b: {  	_ =	shalt  }
0x4c: {  	_ =	shalt  }
0x4d: {  	_ =	shalt  }
0x4e: {  	_ =	shalt  }
0x4f: {  	_ =	shalt  }
0x50: {  	_ =	shalt  }
0x51: {  	_ =	shalt  }
0x52: {  	_ =	shalt  }
0x53: {  	_ =	shalt  }
0x54: {  	_ =	shalt  }
0x55: {  	_ =	shalt  }
0x56: {  	_ =	shalt  }
0x57: {  	_ =	shalt  }
0x58: {  	_ =	shalt  }
0x59: {  	_ =	shalt  }
0x5a: {  	_ =	shalt  }
0x5b: {  	_ =	shalt  }
0x5c: {  	_ =	shalt  }
0x5d: {  	_ =	shalt  }
0x5e: {  	_ =	shalt  }
0x5f: {  	_ =	shalt  }
0x60: {  	_ =	shalt  }
0x61: {  	_ =	shalt  }
0x62: {  	_ =	shalt  }
0x63: {  	_ =	shalt  }
0x64: {  	_ =	shalt  }
0x65: {  	_ =	shalt  }
0x66: {  	_ =	shalt  }
0x67: {  	_ =	shalt  }
0x68: {  	_ =	shalt  }
0x69: {  	_ =	shalt  }
0x6a: {  	_ =	shalt  }
0x6b: {  	_ =	shalt  }
0x6c: {  	_ =	shalt  }
0x6d: {  	_ =	shalt  }
0x6e: {  	_ =	shalt  }
0x6f: {  	_ =	shalt  }
0x70: {  	_ =	shalt  }
0x71: {  	_ =	shalt  }
0x72: {  	_ =	shalt  }
0x73: {  	_ =	shalt  }
0x74: {  	_ =	shalt  }
0x75: {  	_ =	shalt  }
0x76: {  	_ =	shalt  }
0x77: {  	_ =	shalt  }
0x78: {  	_ =	shalt  }
0x79: {  	_ =	shalt  }
0x7a: {  	_ =	shalt  }
0x7b: {  	_ =	shalt  }
0x7c: {  	_ =	shalt  }
0x7d: {  	_ =	shalt  }
0x7e: {  	_ =	shalt  }
0x7f: {  	_ =	shalt  }
0x80: {  	_ =	shalt  }
0x81: {  	_ =	shalt  }
0x82: {  	_ =	shalt  }
0x83: {  	_ =	shalt  }
0x84: {  	_ =	shalt  }
0x85: {  	_ =	shalt  }
0x86: {  	_ =	shalt  }
0x87: {  	_ =	shalt  }
.Lfunc_end0:
.L_simem_size_0:
called_computation_lowered:
.L_overlay_start_0:
0x88: {  	s2 =	sld [smem:$0x3FD9]  }
0x89: {  	s3 =	sld [smem:$0x3FFE];
	_ =	sdelay $0x1  }
0x8a: {  	s1 =	srdreg.scid  }
0x8b: {  	s0 =	sand.u32 $0x1, s1  }
0x8c: {  	s17 =	sshll.u32 s0, $0xA;
	s2 =	sadd.s32 s3, s2  }
0x8d: {  	s2 =	sadd.s32 s2, s17  }
0x8e: {  	[smem:$0x3FC4] =	sst s2  }
0x8f: {  	_ = 	snop  }
0x90: {  	s2 =	sld [smem:$0x3FC9]  }
0x91: {  	s18 =	sld [smem:$0x3FD0];
	(tm) =	ssettm $0x1  }
0x92: {  	s4 =	sld [smem:$0x3FFB];
	_ =	sdelay $0x3  }
0x93: {  	_ =	strace s4  }
0x94: {  	s4 =	sld [smem:$0x3FFC];
	_ =	sdelay $0x3  }
0x95: {  	_ =	strace s4  }
0x96: {  	s4 =	sld [smem:$0x3FFD];
	_ =	sdelay $0x3  }
0x97: {  	_ =	strace s4  }
0x98: {  	_ =	strace $0x8FFFFFFF  }
0x99: {  	s19 =	sld [smem:$0x3FDB];
	_ =	sdelay $0x1  }
0x9a: {  	s5 =	simm.s32 $_scs_section_size  }
0x9b: {  	s6 =	simm.s32 $_size__tile_overlayer_lowered;
	s7 =	simm.s32 $_tile_overlayer_lowered  }
0x9c: {  	s22 =	simm.s32 $0x1BFF;
	s21 =	sshll.u32 s7, $0x1;
	s4 =	sadd.s32 s5, s19  }
0x9d: {  	s8 =	simm.s32 $0x0;
	s20 =	sshll.u32 s6, $0x1;
	s6 =	sadd.s32 s21, s4  }
0x9e: {  	[timem:s8], [sflag:s22] =	dma.local [hbm:s6], s20  }
0x9f: {  	_ =	swait.ge [sflag:s22], s20  }
0xa0: {  	s5 =	ssub.s32 $0x0, s20;
	[sflag:s22] =	ssyncset.done $0x0  }
0xa1: {  	[sflag:s22] =	ssyncadd.s32 s5;
	_ =	sdelay $0x1  }
0xa2: {  	s23 =	simm.s32 $0x1B8B  }
0xa3: {  	_ =	swait.ge [sflag:s23], $0x1  }
0xa4: {  	[sflag:s23] =	ssyncset.done $0x0  }
0xa5: {  	s25 =	simm.s32 $0x1B8E;
	s24 =	sld [smem:$0x3FFE];
	[sflag:s23] =	ssyncadd.s32 $0xFFFFFFFF  }
0xa6: {  	s26 =	simm.s32 $execute0_lowered;
	[smem:$0x3FD2] =	sst s25  }
0xa7: {  	s6 =	sshll.u32 s26, $0x1;
	_ =	strace $0x80000046;
	[dreg:$0x1] =	wrdreg $0xFFFFFFFF  }
0xa8: {  	s28 =	simm.s32 $_size_execute0_lowered;
	s4 =	sadd.s32 s4, s6;
	[dreg:$0x0] =	wrdreg $0x0  }
0xa9: {  	s6 =	sshll.u32 s28, $0x1;
	[dreg:$0x2] =	wrdreg s4  }
0xaa: {  	[dreg:$0x3] =	wrdreg s6  }
0xab: {  	[dreg:$0x4] =	wrdreg $0xC0  }
0xac: {  	_ =	task [dreg:s8], $0x5FFFF  }
0xad: {  	[dreg:$0x1] =	wrdreg $0xFFFFFFFF  }
0xae: {  	[dreg:$0x0] =	wrdreg $0x60  }
0xaf: {  	[dreg:$0x2] =	wrdreg s2  }
0xb0: {  	[dreg:$0x3] =	wrdreg s18  }
0xb1: {  	[dreg:$0x4] =	wrdreg s24  }
0xb2: {  	[dreg:$0x5] =	wrdreg $0x9  }
0xb3: {  	_ =	task.clear_ibuf [dreg:s8], $0x6FFFF;
	_ =	strace $0x90000046  }
0xb4: {  	s29 =	simm.s32 $0x9;
	_ =	strace $0x80000048  }
0xb5: {  	_ =	swait.ge [sflag:s29], $0x1  }
0xb6: {  	[sflag:s29] =	ssyncadd.s32 $0xFFFFFFFF  }
0xb7: {  	_ =	strace $0x90000048  }
0xb8: {  	_ =	sfence  }
0xb9: {  	s30 =	sld [smem:$0x0];
	_ =	sdelay $0x2  }
0xba: {  	s31 =	sshll.u32 s1, $0xD;
	s1 =	sshrl.u32 s1, $0x2  }
0xbb: {  	s3 =	sand.u32 $0x4000, s31;
	s1 =	sadd.s32 s1, s30  }
0xbc: {  	s0 =	sor.u32 s3, s0;
	s1 =	sshll.u32 s1, $0x11  }
0xbd: {  	s0 =	sor.u32 s1, s0  }
0xbe: {  	s0 =	sadd.s32 $0x8F2B, s0  }
0xbf: {  	[sflag:s0] =	ssyncadd.remote.s32 $0x1  }
0xc0: {  	_ =	sfence.sel $0xFFFF  }
0xc1: {  	[dreg:$0x0] =	wrdreg $0xFFFFFFFF;
	(pc) =	sbr.abs _section_cstart, $3  }
0xc2: {  	[dreg:$0x1] =	wrdreg $0xFFFFFFFF  }
0xc3: {  	_ =	task.clear_ibuf [dreg:s8], $0x2FFFF;
	_ =	strace $0x9FFFFFFF  }
0xc4: {  	(tm) =	ssettm $0x7FFFFFFF  }
0xc5: {  	_ =	shalt  }
tec
execute0_lowered:
.L_overlay_start_1:
0x0: {  	(tag) =	ssettag $0x1  }
0x1: {  	s0 =	rddreg [dreg:$0x0]  }
0x2: {  	s1 =	rddreg [dreg:$0x1]  }
0x3: {  	s5 =	rddreg [dreg:$0x2];
	s2 =	simm.s32 $0x0;
	s3 =	srdreg.scid  }
0x4: {  	s4 =	stileid.u32;
	s18 =	simm.s32 $0x3;
	s29 =	simm.s32 $0x12B00  }
0x5: {  	s30 =	simm.s32 $0x14B00;
	s31 =	simm.s32 $0xA80;
	[smem:$0x7FF] =	sst s2  }
0x6: {  	s6 =	sand.u32 $0x1, s3;
	s3 =	sadd.s32 $0x16E3C00, s5;
	s8 =	sshll.u32 s4, $0x1  }
0x7: {  	s4 =	sadd.s32 $0xF42A00, s5;
	s5 =	sadd.s32 $0x600, s5;
	s7 =	ssub.s32 $0x2, s6  }
0x8: {  	_ =	strace $0x80000047;
	s6 =	sor.u32 s6, s8;
	s9 =	sshrl.u32 s7, $0x1  }
0x9: {  	s8 =	sshll.u32 s6, $0x9;
	s19 =	sshll.u32 s6, $0x6;
	s6 =	smul.u32 $0x140, s6  }
0xa: {  	s7 =	ssub.s32 s7, s9;
	s10 =	sor.u32 $0x80, s8;
	s9 =	sadd.s32 s0, s19  }
0xb: {  	s21 =	sor.u32 $0x100, s8;
	s20 =	sshrl.u32 s10, $0x3;
	s10 =	smul.u32 $0x5, s10  }
0xc: {  	s8 =	sor.u32 $0x180, s8;
	s19 =	simm.s32 $0x100;
	s22 =	smul.u32 $0x5, s21  }
0xd: {  	[dreg:$0x4] =	wrdreg s9;
	s11 =	sadd.s32 s1, s6;
	s23 =	smul.u32 $0x5, s8  }
0xe: {  	s6 =	sadd.s32 s5, s6;
	s8 =	sshrl.u32 s8, $0x3;
	s17 =	smax.u32 s7, $0x1  }
0xf: {  	s7 =	simm.s32 $0xA00;
	[dreg:$0x5] =	wrdreg s11;
	s9 =	sadd.s32 s0, s20  }
0x10: {  	[dreg:$0x8] =	wrdreg s6;
	s13 =	sadd.s32 s0, s8;
	s20 =	simm.s32 $0x600  }
0x11: {  	s6 =	simm.s32 $0x980;
	s8 =	simm.s32 $0x18B00;
	[dreg:$0x6] =	wrdreg s9  }
0x12: {  	s10 =	sshrl.u32 s10, $0x3;
	s9 =	sshrl.u32 s21, $0x3;
	s25 =	sshrl.u32 s22, $0x3  }
0x13: {  	v0 =	vlaneseq.u32;
	s28 =	sshrl.u32 s23, $0x3;
	s21 =	simm.s32 $0x80;
	s22 =	simm.s32 $0xB00  }
0x14: {  	v10 =	vand.u32 $0x7, v0;
	s23 =	simm.s32 $0x4B00;
	s12 =	sadd.s32 s1, s10;
	s24 =	sadd.s32 s0, s9  }
0x15: {  	v1 =	vor.u32 $0xFFFFFFF8, v10;
	s26 =	sadd.s32 s1, s25;
	s14 =	sadd.s32 s1, s28;
	s15 =	sadd.s32 s5, s25  }
0x16: {  	v2 =	vor.u32 $0x80, v10;
	v3 =	vor.u32 $0x100, v10;
	v4 =	vor.u32 $0x180, v10;
	s16 =	sadd.s32 s5, s28;
	s0 =	simm.s32 $0x16B00;
	[dreg:$0x7] =	wrdreg s12  }
0x17: {  	v5 =	vor.u32 $0x200, v10;
	v6 =	vor.u32 $0x280, v10;
	v7 =	vor.u32 $0x300, v10;
	s1 =	simm.s32 $0x1;
	s9 =	simm.s32 $0x0;
	[dreg:$0x9] =	wrdreg s24  }
0x18: {  	v8 =	vor.u32 $0x380, v10;
	v9 =	vor.u32 $0x400, v10;
	v10 =	vor.u32 $0x480, v10;
	[dreg:$0xa] =	wrdreg s26;
	s12 =	sadd.s32 s5, s10;
	s24 =	simm.s32 $0x2  }
.LBB2_1:
0x19: {  	s5 =	rddreg [dreg:$0x4]  }
0x1a: {  	[tilespmem:s2], [sflag:$0x3] =	stream.linear.gather [hbm4b:s5+s2], $0x80, $0x38;
	[tilespmem:$0x18D80] =	vst v63  }
0x1b: {  	v11 =	vor.u32 s2, v0;
	_ =	swait.ge [sflag:s18], $0x80  }
0x1c: {  	v12 =	vmul.u32 $0x5, v11;
	[sflag:s18] =	ssyncset.done $0x0  }
0x1d: {  	s26 =	rddreg [dreg:$0x5];
	[sflag:s18] =	ssyncadd.s32 $0xFFFFFF80  }
0x1e: {  	[tilespmem:s19], [sflag:$0x3] =	stream.linear.gather [hbm4b:s26+s2], $0x280, $0x38;
	[tilespmem:$0x18D80] =	vst v63  }
0x1f: {  	_ =	swait.ge [sflag:s18], $0x280  }
0x20: {  	[sflag:s18] =	ssyncset.done $0x0  }
0x21: {  	[sflag:s18] =	ssyncadd.s32 $0xFFFFFD80  }
0x22: {  	v14 =	vand.u32 v1, v11;
	v13 =	vld.idx.msk [tilespmem:v12+s19+$0x0], $0xffff  }
0x23: {  	v15 =	vadd.s32 $0x1, v12;
	_ =	sdelay $0x3  }
0x24: {  	v11 =	vand.u32 $0x78, v11;
	[tilespmem:v14+s20+$0x0] =	vst.idx.msk $0xffff, v13  }
0x25: {  	v14 =	vor.u32 v2, v11;
	v13 =	vld.idx.msk [tilespmem:v15+s19+$0x0], $0xffff  }
0x26: {  	v15 =	vadd.s32 $0x2, v12;
	_ =	sdelay $0x3  }
0x27: {  	[tilespmem:v14+s20+$0x0] =	vst.idx.msk $0xffff, v13  }
0x28: {  	v14 =	vor.u32 v3, v11;
	v13 =	vld.idx.msk [tilespmem:v15+s19+$0x0], $0xffff  }
0x29: {  	v15 =	vadd.s32 $0x3, v12;
	_ =	sdelay $0x3  }
0x2a: {  	[tilespmem:v14+s20+$0x0] =	vst.idx.msk $0xffff, v13  }
0x2b: {  	v14 =	vor.u32 v4, v11;
	v13 =	vld.idx.msk [tilespmem:v15+s19+$0x0], $0xffff  }
0x2c: {  	v15 =	vadd.s32 $0x4, v12;
	_ =	sdelay $0x3  }
0x2d: {  	s28 =	simm.s32 $0x10;
	[tilespmem:v14+s20+$0x0] =	vst.idx.msk $0xffff, v13  }
0x2e: {  	s5 =	simm.s32 $0x20;
	v12 =	vor.u32 s28, v0;
	v13 =	vld.idx.msk [tilespmem:v15+s19+$0x0], $0xffff  }
.LBB2_2:
0x2f: {  	p0 =	sne.s32 s5, $0x70;
	v14 =	vmul.u32 $0x5, v12;
	v11 =	vor.u32 v5, v11;
	_ =	sdelay $0x4  }
0x30: {  	[tilespmem:v11+s20+$0x0] =	vst.idx.msk $0xffff, v13  }
0x31: {  	v11 =	vld.idx.msk [tilespmem:v14+s19+$0x0], $0xffff  }
0x32: {  	v13 =	vand.u32 v1, v12  }
0x33: {  	v15 =	vadd.s32 $0x1, v14;
	_ =	sdelay $0x3  }
0x34: {  	[tilespmem:v13+s20+$0x0] =	vst.idx.msk $0xffff, v11  }
0x35: {  	v11 =	vand.u32 $0x78, v12;
	v12 =	vld.idx.msk [tilespmem:v15+s19+$0x0], $0xffff  }
0x36: {  	v13 =	vor.u32 v2, v11  }
0x37: {  	v15 =	vadd.s32 $0x2, v14;
	_ =	sdelay $0x3  }
0x38: {  	[tilespmem:v13+s20+$0x0] =	vst.idx.msk $0xffff, v12  }
0x39: {  	v12 =	vld.idx.msk [tilespmem:v15+s19+$0x0], $0xffff  }
0x3a: {  	v13 =	vor.u32 v3, v11  }
0x3b: {  	v15 =	vadd.s32 $0x3, v14;
	_ =	sdelay $0x3  }
0x3c: {  	[tilespmem:v13+s20+$0x0] =	vst.idx.msk $0xffff, v12  }
0x3d: {  	v12 =	vld.idx.msk [tilespmem:v15+s19+$0x0], $0xffff  }
0x3e: {  	v13 =	vor.u32 v4, v11  }
0x3f: {  	v14 =	vadd.s32 $0x4, v14  }
.Ltmp0:
0x40: {  	(pc) =	sbr.rel @p0 .LBB2_2-.Ltmp0, $3  }
0x41: {  	_ =	sdelay $0x1  }
0x42: {  	[tilespmem:v13+s20+$0x0] =	vst.idx.msk $0xffff, v12  }
0x43: {  	v12 =	vor.u32 s5, v0;
	s5 =	sadd.s32 $0x10, s5;
	v13 =	vld.idx.msk [tilespmem:v14+s19+$0x0], $0xffff  }
0x44: {  	v14 =	vmul.u32 $0x5, v12;
	v11 =	vor.u32 v5, v11;
	_ =	sdelay $0x4  }
0x45: {  	[tilespmem:v11+s20+$0x0] =	vst.idx.msk $0xffff, v13  }
0x46: {  	v13 =	vand.u32 v1, v12;
	v11 =	vld.idx.msk [tilespmem:v14+s19+$0x0], $0xffff  }
0x47: {  	v15 =	vadd.s32 $0x1, v14;
	_ =	sdelay $0x3  }
0x48: {  	[tilespmem:v13+s20+$0x0] =	vst.idx.msk $0xffff, v11;
	v11 =	vand.u32 $0x78, v12  }
0x49: {  	v12 =	vld.idx.msk [tilespmem:v15+s19+$0x0], $0xffff;
	v13 =	vor.u32 v2, v11  }
0x4a: {  	v15 =	vadd.s32 $0x2, v14;
	_ =	sdelay $0x3  }
0x4b: {  	[tilespmem:v13+s20+$0x0] =	vst.idx.msk $0xffff, v12  }
0x4c: {  	v13 =	vor.u32 v3, v11;
	v12 =	vld.idx.msk [tilespmem:v15+s19+$0x0], $0xffff  }
0x4d: {  	v15 =	vadd.s32 $0x3, v14;
	_ =	sdelay $0x3  }
0x4e: {  	[tilespmem:v13+s20+$0x0] =	vst.idx.msk $0xffff, v12  }
0x4f: {  	v13 =	vor.u32 v4, v11;
	v12 =	vld.idx.msk [tilespmem:v15+s19+$0x0], $0xffff  }
0x50: {  	v14 =	vadd.s32 $0x4, v14;
	_ =	sdelay $0x3  }
0x51: {  	[tilespmem:v13+s20+$0x0] =	vst.idx.msk $0xffff, v12  }
0x52: {  	v11 =	vor.u32 v5, v11;
	v12 =	vld.idx.msk [tilespmem:v14+s19+$0x0], $0xffff;
	_ =	sdelay $0x4  }
0x53: {  	s5 =	simm.s32 $0x0;
	[tilespmem:v11+s20+$0x0] =	vst.idx.msk $0xffff, v12  }
0x54: {  	[tilespmem:s22], [sflag:$0x1] =	stream.indirect.gather [hbm4b:s3+s21], $0x40, s5, s21, $0xb8;
	[tilespmem:$0x18D80] =	vst v63  }
0x55: {  	_ = 	snop  }
0x56: {  	[tilespmem:s23], [sflag:$0x1] =	stream.indirect.gather [hbm4b:s4+s21], $0x40, s20, s21, $0xb8;
	[tilespmem:$0x18D80] =	vst v63  }
0x57: {  	s10 =	simm.s32 $0x680;
	s11 =	simm.s32 $0x6B00  }
0x58: {  	[tilespmem:s11], [sflag:$0x1] =	stream.indirect.gather [hbm4b:s4+s21], $0x40, s10, s21, $0xb8;
	[tilespmem:$0x18D80] =	vst v63  }
0x59: {  	s26 =	simm.s32 $0x700;
	s28 =	simm.s32 $0x8B00  }
0x5a: {  	[tilespmem:s28], [sflag:$0x1] =	stream.indirect.gather [hbm4b:s4+s21], $0x40, s26, s21, $0xb8;
	[tilespmem:$0x18D80] =	vst v63  }
0x5b: {  	s25 =	simm.s32 $0xAB00;
	s11 =	simm.s32 $0x780  }
0x5c: {  	[tilespmem:s25], [sflag:$0x1] =	stream.indirect.gather [hbm4b:s4+s21], $0x40, s11, s21, $0xb8;
	[tilespmem:$0x18D80] =	vst v63  }
0x5d: {  	s26 =	simm.s32 $0x800;
	s28 =	simm.s32 $0xCB00  }
0x5e: {  	[tilespmem:s28], [sflag:$0x1] =	stream.indirect.gather [hbm4b:s4+s21], $0x40, s26, s21, $0xb8;
	[tilespmem:$0x18D80] =	vst v63  }
0x5f: {  	v11 =	vor.u32 s5, v0;
	s11 =	rddreg [dreg:$0x6]  }
0x60: {  	v12 =	vmul.u32 $0x5, v11;
	[tilespmem:s21], [sflag:$0x3] =	stream.linear.gather [hbm4b:s11+s5], $0x80, $0x38;
	[tilespmem:$0x18D80] =	vst v63  }
0x61: {  	_ =	swait.ge [sflag:s18], $0x80  }
0x62: {  	v13 =	vand.u32 $0x3FF, v12;
	[sflag:s18] =	ssyncset.done $0x0  }
0x63: {  	v13 =	vadd.s32 $0x280, v13;
	s26 =	simm.s32 $0x380;
	s25 =	rddreg [dreg:$0x7];
	[sflag:s18] =	ssyncadd.s32 $0xFFFFFF80  }
0x64: {  	[tilespmem:s26], [sflag:$0x3] =	stream.linear.gather [hbm4b:s25+s5], $0x280, $0x38;
	[tilespmem:$0x18D80] =	vst v63  }
0x65: {  	_ =	swait.ge [sflag:s18], $0x280  }
0x66: {  	[sflag:s18] =	ssyncset.done $0x0  }
0x67: {  	v11 =	vand.u32 $0x78, v11;
	v14 =	vadd.s32 $0x1, v12;
	[sflag:s18] =	ssyncadd.s32 $0xFFFFFD80  }
0x68: {  	v15 =	vor.u32 v6, v11;
	v14 =	vand.u32 $0x7FFFFFFF, v14;
	v13 =	vld.idx.msk [tilespmem:v13+s19+$0x0], $0xffff  }
0x69: {  	v14 =	vadd.s32 $0x280, v14;
	_ =	sdelay $0x3  }
0x6a: {  	[tilespmem:v15+s20+$0x0] =	vst.idx.msk $0xffff, v13;
	v13 =	vadd.s32 $0x2, v12  }
0x6b: {  	v15 =	vor.u32 v7, v11;
	v14 =	vld.idx.msk [tilespmem:v14+s19+$0x0], $0xffff;
	v13 =	vand.u32 $0x7FFFFFFF, v13  }
0x6c: {  	v13 =	vadd.s32 $0x280, v13;
	_ =	sdelay $0x3  }
0x6d: {  	[tilespmem:v15+s20+$0x0] =	vst.idx.msk $0xffff, v14;
	v14 =	vadd.s32 $0x3, v12  }
0x6e: {  	v15 =	vor.u32 v8, v11;
	v13 =	vld.idx.msk [tilespmem:v13+s19+$0x0], $0xffff;
	v14 =	vand.u32 $0x7FFFFFFF, v14  }
0x6f: {  	v14 =	vadd.s32 $0x280, v14;
	_ =	sdelay $0x3  }
0x70: {  	v12 =	vadd.s32 $0x4, v12;
	[tilespmem:v15+s20+$0x0] =	vst.idx.msk $0xffff, v13  }
0x71: {  	v12 =	vand.u32 $0x7FFFFFFF, v12;
	v13 =	vld.idx.msk [tilespmem:v14+s19+$0x0], $0xffff;
	v14 =	vor.u32 v9, v11  }
0x72: {  	v15 =	vadd.s32 $0x280, v12;
	_ =	sdelay $0x1  }
0x73: {  	s28 =	simm.s32 $0x10  }
0x74: {  	s5 =	simm.s32 $0x20;
	v12 =	vor.u32 s28, v0  }
.LBB2_4:
0x75: {  	p0 =	sne.s32 s5, $0x70;
	v16 =	vmul.u32 $0x5, v12;
	[tilespmem:v14+s20+$0x0] =	vst.idx.msk $0xffff, v13  }
0x76: {  	v13 =	vld.idx.msk [tilespmem:v15+s19+$0x0], $0xffff  }
0x77: {  	v11 =	vor.u32 v10, v11;
	v14 =	vand.u32 $0x3FF, v16  }
0x78: {  	v14 =	vadd.s32 $0x280, v14;
	_ =	sdelay $0x3  }
0x79: {  	[tilespmem:v11+s20+$0x0] =	vst.idx.msk $0xffff, v13  }
0x7a: {  	v11 =	vand.u32 $0x78, v12;
	v12 =	vadd.s32 $0x1, v16;
	v13 =	vld.idx.msk [tilespmem:v14+s19+$0x0], $0xffff  }
0x7b: {  	v14 =	vor.u32 v6, v11;
	v12 =	vand.u32 $0x7FFFFFFF, v12  }
0x7c: {  	v12 =	vadd.s32 $0x280, v12;
	_ =	sdelay $0x3  }
0x7d: {  	[tilespmem:v14+s20+$0x0] =	vst.idx.msk $0xffff, v13  }
0x7e: {  	v13 =	vadd.s32 $0x2, v16;
	v12 =	vld.idx.msk [tilespmem:v12+s19+$0x0], $0xffff  }
0x7f: {  	v14 =	vor.u32 v7, v11;
	v13 =	vand.u32 $0x7FFFFFFF, v13  }
0x80: {  	v13 =	vadd.s32 $0x280, v13;
	_ =	sdelay $0x3  }
0x81: {  	[tilespmem:v14+s20+$0x0] =	vst.idx.msk $0xffff, v12  }
0x82: {  	v12 =	vld.idx.msk [tilespmem:v13+s19+$0x0], $0xffff;
	v13 =	vadd.s32 $0x3, v16  }
0x83: {  	v14 =	vor.u32 v8, v11;
	v13 =	vand.u32 $0x7FFFFFFF, v13  }
0x84: {  	v13 =	vadd.s32 $0x280, v13;
	_ =	sdelay $0x3  }
0x85: {  	[tilespmem:v14+s20+$0x0] =	vst.idx.msk $0xffff, v12  }
0x86: {  	v12 =	vadd.s32 $0x4, v16;
	v13 =	vld.idx.msk [tilespmem:v13+s19+$0x0], $0xffff  }
.Ltmp1:
0x87: {  	v14 =	vor.u32 v9, v11;
	v12 =	vand.u32 $0x7FFFFFFF, v12;
	(pc) =	sbr.rel @p0 .LBB2_4-.Ltmp1, $2  }
0x88: {  	v15 =	vadd.s32 $0x280, v12;
	_ =	sdelay $0x2  }
0x89: {  	v12 =	vor.u32 s5, v0;
	s5 =	sadd.s32 $0x10, s5  }
0x8a: {  	_ =	sdelay $0x2  }
0x8b: {  	v16 =	vmul.u32 $0x5, v12  }
0x8c: {  	[tilespmem:v14+s20+$0x0] =	vst.idx.msk $0xffff, v13  }
0x8d: {  	v11 =	vor.u32 v10, v11;
	v13 =	vld.idx.msk [tilespmem:v15+s19+$0x0], $0xffff;
	v55 =	vand.u32 $0x3FF, v16  }
0x8e: {  	v14 =	vadd.s32 $0x280, v55;
	_ =	sdelay $0x3  }
0x8f: {  	v56 =	vadd.s32 $0x1, v16;
	[tilespmem:v11+s20+$0x0] =	vst.idx.msk $0xffff, v13;
	v11 =	vand.u32 $0x78, v12  }
0x90: {  	v12 =	vand.u32 $0x7FFFFFFF, v56;
	v57 =	vor.u32 v6, v11;
	v13 =	vld.idx.msk [tilespmem:v14+s19+$0x0], $0xffff  }
0x91: {  	v12 =	vadd.s32 $0x280, v12;
	_ =	sdelay $0x3  }
0x92: {  	v58 =	vadd.s32 $0x2, v16;
	[tilespmem:v57+s20+$0x0] =	vst.idx.msk $0xffff, v13  }
0x93: {  	v59 =	vor.u32 v7, v11;
	v13 =	vand.u32 $0x7FFFFFFF, v58;
	v12 =	vld.idx.msk [tilespmem:v12+s19+$0x0], $0xffff  }
0x94: {  	v13 =	vadd.s32 $0x280, v13;
	_ =	sdelay $0x3  }
0x95: {  	v60 =	vadd.s32 $0x3, v16;
	[tilespmem:v59+s20+$0x0] =	vst.idx.msk $0xffff, v12  }
0x96: {  	v61 =	vor.u32 v8, v11;
	v12 =	vand.u32 $0x7FFFFFFF, v60;
	v13 =	vld.idx.msk [tilespmem:v13+s19+$0x0], $0xffff  }
0x97: {  	v12 =	vadd.s32 $0x280, v12;
	_ =	sdelay $0x3  }
0x98: {  	v62 =	vadd.s32 $0x4, v16;
	[tilespmem:v61+s20+$0x0] =	vst.idx.msk $0xffff, v13  }
0x99: {  	v63 =	vor.u32 v9, v11;
	v13 =	vand.u32 $0x7FFFFFFF, v62;
	v12 =	vld.idx.msk [tilespmem:v12+s19+$0x0], $0xffff  }
0x9a: {  	v13 =	vadd.s32 $0x280, v13;
	_ =	sdelay $0x3  }
0x9b: {  	[tilespmem:v63+s20+$0x0] =	vst.idx.msk $0xffff, v12  }
0x9c: {  	v11 =	vor.u32 v10, v11;
	v12 =	vld.idx.msk [tilespmem:v13+s19+$0x0], $0xffff;
	_ =	sdelay $0x4  }
0x9d: {  	s5 =	simm.s32 $0x2B00;
	[tilespmem:v11+s20+$0x0] =	vst.idx.msk $0xffff, v12  }
0x9e: {  	[tilespmem:s5], [sflag:$0x2] =	stream.indirect.gather [hbm4b:s3+s21], $0x40, s21, s21, $0xb8;
	[tilespmem:$0x18D80] =	vst v63  }
0x9f: {  	s25 =	simm.s32 $0x880;
	s10 =	simm.s32 $0xEB00  }
0xa0: {  	[tilespmem:s10], [sflag:$0x2] =	stream.indirect.gather [hbm4b:s4+s21], $0x40, s25, s21, $0xb8;
	[tilespmem:$0x18D80] =	vst v63  }
0xa1: {  	s26 =	simm.s32 $0x900;
	s28 =	simm.s32 $0x10B00  }
0xa2: {  	[tilespmem:s28], [sflag:$0x2] =	stream.indirect.gather [hbm4b:s4+s21], $0x40, s26, s21, $0xb8;
	[tilespmem:$0x18D80] =	vst v63  }
0xa3: {  	_ = 	snop  }
0xa4: {  	[tilespmem:s29], [sflag:$0x2] =	stream.indirect.gather [hbm4b:s4+s21], $0x40, s6, s21, $0xb8;
	[tilespmem:$0x18D80] =	vst v63  }
0xa5: {  	_ = 	snop  }
0xa6: {  	[tilespmem:s30], [sflag:$0x2] =	stream.indirect.gather [hbm4b:s4+s21], $0x40, s7, s21, $0xb8;
	[tilespmem:$0x18D80] =	vst v63  }
0xa7: {  	_ = 	snop  }
0xa8: {  	[tilespmem:s0], [sflag:$0x2] =	stream.indirect.gather [hbm4b:s4+s21], $0x40, s31, s21, $0xb8;
	[tilespmem:$0x18D80] =	vst v63  }
0xa9: {  	_ =	swait.ge [sflag:s1], $0x2000  }
0xaa: {  	[sflag:s1] =	ssyncset.done $0x0  }
0xab: {  	[sflag:s1] =	ssyncadd.s32 $0xFFFFE000  }
0xac: {  	_ =	swait.ge [sflag:s1], $0x2000  }
0xad: {  	[sflag:s1] =	ssyncset.done $0x0  }
0xae: {  	[sflag:s1] =	ssyncadd.s32 $0xFFFFE000  }
0xaf: {  	_ =	swait.ge [sflag:s1], $0x2000  }
0xb0: {  	[sflag:s1] =	ssyncset.done $0x0  }
0xb1: {  	[sflag:s1] =	ssyncadd.s32 $0xFFFFE000  }
0xb2: {  	_ =	swait.ge [sflag:s1], $0x2000  }
0xb3: {  	[sflag:s1] =	ssyncset.done $0x0  }
0xb4: {  	[sflag:s1] =	ssyncadd.s32 $0xFFFFE000  }
0xb5: {  	_ =	swait.ge [sflag:s1], $0x2000  }
0xb6: {  	[sflag:s1] =	ssyncset.done $0x0  }
0xb7: {  	[sflag:s1] =	ssyncadd.s32 $0xFFFFE000  }
0xb8: {  	_ =	swait.ge [sflag:s1], $0x2000  }
0xb9: {  	[sflag:s1] =	ssyncset.done $0x0  }
0xba: {  	s5 =	simm.s32 $0x0;
	s10 =	simm.s32 $0x0;
	[sflag:s1] =	ssyncadd.s32 $0xFFFFE000  }
.LBB2_6:
0xbb: {  	v11 =	vmov s5  }
0xbc: {  	s25 =	sshll.u32 s10, $0x4;
	v12 =	vand.u32 $0x3C, v11  }
0xbd: {  	v11 =	vor.u32 s25, v0;
	v17 =	vbroadcast v12, $0x0  }
0xbe: {  	v13 =	vshll.u32 v11, $0x6  }
0xbf: {  	v18 =	vor.u32 v13, v17  }
0xc0: {  	s28 =	simm.s32 $0x1;
	v12 =	vor.u32 $0x8000, v13  }
0xc1: {  	v15 =	vmov s28;
	v14 =	vor.u32 $0x2000, v13;
	v19 =	vor.u32 v12, v17  }
0xc2: {  	v16 =	vand.u32 $0x3D, v15;
	v15 =	vor.u32 $0x6000, v13;
	v20 =	vor.u32 v14, v17  }
0xc3: {  	v21 =	vbroadcast v16, $0x0;
	v16 =	vor.u32 $0x4000, v13;
	v22 =	vor.u32 v15, v17  }
0xc4: {  	s11 =	simm.s32 $0x2;
	v17 =	vor.u32 v16, v17;
	v23 =	vld.idx.msk [tilespmem:v18+s22+$0x0], $0xffff  }
0xc5: {  	v25 =	vmov s11;
	v24 =	vor.u32 v12, v21;
	v18 =	vld.idx.msk [tilespmem:v18+s23+$0x0], $0xffff  }
0xc6: {  	v25 =	vand.u32 $0x3E, v25;
	v26 =	vor.u32 v15, v21;
	v19 =	vld.idx.msk [tilespmem:v19+s23+$0x0], $0xffff  }
0xc7: {  	v25 =	vbroadcast v25, $0x0;
	v27 =	vor.u32 v13, v21;
	v20 =	vld.idx.msk [tilespmem:v20+s23+$0x0], $0xffff  }
0xc8: {  	v28 =	vor.u32 v16, v21;
	v22 =	vld.idx.msk [tilespmem:v22+s23+$0x0], $0xffff  }
0xc9: {  	s26 =	simm.s32 $0x3;
	v29 =	vor.u32 v15, v25;
	v17 =	vld.idx.msk [tilespmem:v17+s23+$0x0], $0xffff  }
0xca: {  	v32 =	vmov s26;
	v31 =	vor.u32 v13, v25;
	v24 =	vld.idx.msk [tilespmem:v24+s23+$0x0], $0xffff  }
0xcb: {  	v32 =	vand.u32 $0x3F, v32;
	v26 =	vld.idx.msk [tilespmem:v26+s23+$0x0], $0xffff  }
0xcc: {  	v32 =	vbroadcast v32, $0x0;
	v34 =	vor.u32 v12, v25;
	v33 =	vld.idx.msk [tilespmem:v27+s23+$0x0], $0xffff  }
0xcd: {  	s28 =	simm.s32 $0x4;
	v30 =	vor.u32 v14, v25;
	v25 =	vor.u32 v16, v25;
	v28 =	vld.idx.msk [tilespmem:v28+s23+$0x0], $0xffff  }
0xce: {  	v40 =	vmov s28;
	s28 =	simm.s32 $0x6;
	v36 =	vor.u32 v13, v32;
	v29 =	vld.idx.msk [tilespmem:v29+s23+$0x0], $0xffff  }
0xcf: {  	v47 =	vmov s28;
	v39 =	vor.u32 v15, v32;
	v37 =	vld.idx.msk [tilespmem:v31+s22+$0x0], $0xffff  }
0xd0: {  	v35 =	vimm.f32 $0.0e+00;
	s11 =	simm.s32 $0x7;
	s26 =	simm.s32 $0x5;
	v62 =	vand.u32 $0x3E, v47;
	v27 =	vld.idx.msk [tilespmem:v27+s22+$0x0], $0xffff  }
0xd1: {  	v41 =	vmov s11;
	v59 =	vmov s26;
	v63 =	vbroadcast v62, $0x0;
	v34 =	vld.idx.msk [tilespmem:v34+s23+$0x0], $0xffff  }
0xd2: {  	v21 =	vor.u32 v14, v21;
	v25 =	vld.idx.msk [tilespmem:v25+s23+$0x0], $0xffff;
	v18 =	vmul.f32 v18, v23;
	v19 =	vmul.f32 v19, v23  }
0xd3: {  	v38 =	vor.u32 v16, v32;
	v43 =	vld.idx.msk [tilespmem:v36+s22+$0x0], $0xffff;
	v20 =	vmul.f32 v20, v23;
	v22 =	vmul.f32 v22, v23  }
0xd4: {  	v58 =	vor.u32 v15, v63;
	v39 =	vld.idx.msk [tilespmem:v39+s23+$0x0], $0xffff;
	v17 =	vmul.f32 v17, v23;
	v44 =	vmul.f32 v29, v37  }
0xd5: {  	v30 =	vld.idx.msk [tilespmem:v30+s23+$0x0], $0xffff;
	v23 =	vor.u32 v14, v32;
	v24 =	vmul.f32 v24, v27;
	v26 =	vmul.f32 v26, v27  }
0xd6: {  	v28 =	vmul.f32 v28, v27;
	v42 =	vadd.f32 v17, v35;
	v17 =	vld.idx.msk [tilespmem:v31+s23+$0x0], $0xffff;
	v31 =	vand.u32 $0x3C, v40  }
0xd7: {  	v48 =	vld.idx.msk [tilespmem:v21+s23+$0x0], $0xffff;
	v32 =	vor.u32 v12, v32;
	v33 =	vmul.f32 v33, v27;
	v31 =	vbroadcast v31, $0x0  }
0xd8: {  	v36 =	vld.idx.msk [tilespmem:v36+s23+$0x0], $0xffff;
	v21 =	vmul.f32 v34, v37;
	v25 =	vmul.f32 v25, v37;
	v18 =	vadd.f32 v18, v35  }
0xd9: {  	v54 =	vmul.f32 v39, v43;
	v40 =	vand.u32 $0x3F, v41;
	v60 =	vor.u32 v13, v31  }
0xda: {  	v29 =	vld.idx.msk [tilespmem:v38+s23+$0x0], $0xffff;
	v41 =	vand.u32 $0x3D, v59;
	v18 =	vadd.f32 v33, v18;
	v61 =	vor.u32 v14, v31  }
0xdb: {  	v33 =	vld.idx.msk [tilespmem:v58+s23+$0x0], $0xffff;
	v45 =	vor.u32 v16, v31;
	v46 =	vor.u32 v15, v31;
	v31 =	vor.u32 v12, v31  }
0xdc: {  	v62 =	vmul.f32 v30, v37;
	v41 =	vbroadcast v41, $0x0;
	v32 =	vld.idx.msk [tilespmem:v32+s23+$0x0], $0xffff  }
0xdd: {  	v36 =	vmul.f32 v36, v43;
	v27 =	vmul.f32 v48, v27;
	v23 =	vld.idx.msk [tilespmem:v23+s23+$0x0], $0xffff  }
0xde: {  	v19 =	vadd.f32 v19, v35;
	v22 =	vadd.f32 v22, v35;
	v51 =	vor.u32 v12, v41;
	v50 =	vld.idx.msk [tilespmem:v60+s22+$0x0], $0xffff  }
0xdf: {  	v20 =	vadd.f32 v20, v35;
	v35 =	vor.u32 v12, v63;
	v53 =	vmul.f32 v29, v43;
	v29 =	vld.idx.msk [tilespmem:v60+s23+$0x0], $0xffff  }
0xe0: {  	v39 =	vbroadcast v40, $0x0;
	v47 =	vadd.f32 v26, v22;
	v34 =	vor.u32 v15, v41;
	v22 =	vld.idx.msk [tilespmem:v31+s23+$0x0], $0xffff  }
0xe1: {  	v19 =	vadd.f32 v24, v19;
	v55 =	vadd.f32 v28, v42;
	v49 =	vor.u32 v13, v41;
	v31 =	vld.idx.msk [tilespmem:v61+s23+$0x0], $0xffff  }
0xe2: {  	v28 =	vor.u32 v13, v63;
	v20 =	vadd.f32 v27, v20;
	v57 =	vor.u32 v16, v41;
	v56 =	vld.idx.msk [tilespmem:v46+s23+$0x0], $0xffff  }
0xe3: {  	v19 =	vadd.f32 v21, v19;
	v59 =	vadd.f32 v25, v55;
	v52 =	vmul.f32 v17, v37;
	v21 =	vld.idx.msk [tilespmem:v51+s23+$0x0], $0xffff  }
0xe4: {  	v26 =	vmul.f32 v32, v43;
	v24 =	vmul.f32 v23, v43;
	v60 =	vld.idx.msk [tilespmem:v45+s23+$0x0], $0xffff;
	v61 =	vor.u32 v14, v63  }
0xe5: {  	v23 =	vld.idx.msk [tilespmem:v34+s23+$0x0], $0xffff;
	v32 =	vor.u32 v16, v63;
	v63 =	vadd.f32 v44, v47;
	v44 =	vadd.f32 v62, v20  }
0xe6: {  	v27 =	vor.u32 v13, v39;
	v20 =	vld.idx.msk [tilespmem:v49+s22+$0x0], $0xffff;
	v37 =	vadd.f32 v26, v19;
	v19 =	vadd.f32 v52, v18  }
0xe7: {  	v38 =	vor.u32 v16, v39;
	v17 =	vor.u32 v14, v41;
	v41 =	vor.u32 v15, v39;
	v26 =	vld.idx.msk [tilespmem:v57+s23+$0x0], $0xffff  }
0xe8: {  	v43 =	vadd.f32 v53, v59;
	v36 =	vadd.f32 v36, v19;
	v19 =	vld.idx.msk [tilespmem:v28+s22+$0x0], $0xffff;
	v25 =	vmul.f32 v29, v50  }
0xe9: {  	v40 =	vadd.f32 v54, v63;
	v34 =	vmul.f32 v22, v50;
	v22 =	vld.idx.msk [tilespmem:v49+s23+$0x0], $0xffff;
	v30 =	vmul.f32 v31, v50  }
0xea: {  	s25 =	simm.s32 $0x8;
	v29 =	vmul.f32 v56, v50;
	v18 =	vld.idx.msk [tilespmem:v61+s23+$0x0], $0xffff;
	v42 =	vmul.f32 v60, v50;
	v31 =	vor.u32 v14, v39  }
.LBB2_7:
0xeb: {  	s11 =	sadd.s32 $0x3, s25  }
0xec: {  	p0 =	slt.u32 s25, $0x3C;
	v34 =	vadd.f32 v34, v37;
	v35 =	vld.idx.msk [tilespmem:v35+s23+$0x0], $0xffff;
	v37 =	vor.u32 v12, v39;
	v24 =	vadd.f32 v24, v44;
	s26 =	smov.u32 s25;
	s25 =	sadd.s32 $0x4, s25  }
0xed: {  	v42 =	vadd.f32 v42, v43;
	v39 =	vmov s26;
	v44 =	vmov s11;
	v28 =	vld.idx.msk [tilespmem:v28+s23+$0x0], $0xffff  }
0xee: {  	s11 =	sadd.s32 $0x1, s26;
	v39 =	vand.u32 $0x3C, v39;
	v43 =	vand.u32 $0x3F, v44;
	v44 =	vadd.f32 v30, v24;
	v24 =	vld.idx.msk [tilespmem:v32+s23+$0x0], $0xffff  }
0xef: {  	v25 =	vadd.f32 v25, v36;
	v32 =	vmov s11;
	v30 =	vbroadcast v39, $0x0;
	v36 =	vld.idx.msk [tilespmem:v27+s22+$0x0], $0xffff  }
0xf0: {  	v29 =	vadd.f32 v29, v40;
	v32 =	vand.u32 $0x3D, v32;
	v40 =	vmul.f32 v33, v19;
	v33 =	vld.idx.msk [tilespmem:v38+s23+$0x0], $0xffff  }
0xf1: {  	v21 =	vmul.f32 v21, v20;
	v38 =	vor.u32 v13, v30;
	v39 =	vor.u32 v14, v30;
	v41 =	vld.idx.msk [tilespmem:v41+s23+$0x0], $0xffff  }
0xf2: {  	v23 =	vmul.f32 v23, v20;
	v45 =	vor.u32 v16, v30;
	v46 =	vor.u32 v15, v30;
	v37 =	vld.idx.msk [tilespmem:v37+s23+$0x0], $0xffff  }
0xf3: {  	s11 =	sadd.s32 $0x2, s26;
	v32 =	vbroadcast v32, $0x0;
	v26 =	vmul.f32 v26, v20;
	v30 =	vor.u32 v12, v30;
	v31 =	vld.idx.msk [tilespmem:v31+s23+$0x0], $0xffff  }
0xf4: {  	v47 =	vmov s11;
	v22 =	vmul.f32 v22, v20;
	v35 =	vmul.f32 v35, v19;
	v48 =	vld.idx.msk [tilespmem:v17+s23+$0x0], $0xffff  }
0xf5: {  	v49 =	vor.u32 v13, v32;
	v50 =	vor.u32 v15, v32;
	v51 =	vmul.f32 v24, v19;
	v27 =	vld.idx.msk [tilespmem:v27+s23+$0x0], $0xffff  }
0xf6: {  	v53 =	vor.u32 v12, v32;
	v54 =	vmul.f32 v28, v19;
	v55 =	vmul.f32 v33, v36;
	v52 =	vld.idx.msk [tilespmem:v38+s22+$0x0], $0xffff  }
0xf7: {  	v24 =	vand.u32 $0x3E, v47;
	v47 =	vmul.f32 v41, v36;
	v33 =	vld.idx.msk [tilespmem:v38+s23+$0x0], $0xffff;
	v38 =	vadd.f32 v23, v29  }
0xf8: {  	v21 =	vadd.f32 v21, v34;
	v17 =	vor.u32 v14, v32;
	v29 =	vld.idx.msk [tilespmem:v30+s23+$0x0], $0xffff;
	v30 =	vmul.f32 v37, v36  }
0xf9: {  	v23 =	vadd.f32 v26, v42;
	v37 =	vbroadcast v24, $0x0;
	v24 =	vmul.f32 v31, v36;
	v39 =	vld.idx.msk [tilespmem:v39+s23+$0x0], $0xffff  }
0xfa: {  	v41 =	vadd.f32 v22, v25;
	v26 =	vor.u32 v16, v32;
	v42 =	vadd.f32 v35, v21;
	v31 =	vld.idx.msk [tilespmem:v46+s23+$0x0], $0xffff  }
0xfb: {  	v51 =	vadd.f32 v51, v23;
	v28 =	vor.u32 v13, v37;
	v46 =	vor.u32 v15, v37;
	v21 =	vld.idx.msk [tilespmem:v53+s23+$0x0], $0xffff  }
0xfc: {  	v56 =	vmul.f32 v18, v19;
	v19 =	vmul.f32 v27, v36;
	v53 =	vor.u32 v14, v37;
	v45 =	vld.idx.msk [tilespmem:v45+s23+$0x0], $0xffff  }
0xfd: {  	v18 =	vmul.f32 v48, v20;
	v35 =	vor.u32 v12, v37;
	v25 =	vmul.f32 v33, v52;
	v23 =	vld.idx.msk [tilespmem:v50+s23+$0x0], $0xffff  }
0xfe: {  	v32 =	vor.u32 v16, v37;
	v37 =	vadd.f32 v30, v42;
	v34 =	vmul.f32 v29, v52;
	v22 =	vld.idx.msk [tilespmem:v49+s23+$0x0], $0xffff  }
.Ltmp2:
0xff: {  	v20 =	vadd.f32 v54, v41;
	v30 =	vmul.f32 v39, v52;
	v39 =	vbroadcast v43, $0x0;
	v26 =	vld.idx.msk [tilespmem:v26+s23+$0x0], $0xffff;
	(pc) =	sbr.rel @p0 .LBB2_7-.Ltmp2, $4  }
0x100: {  	v40 =	vadd.f32 v40, v38;
	v29 =	vmul.f32 v31, v52;
	v31 =	vadd.f32 v18, v44;
	v33 =	vld.idx.msk [tilespmem:v46+s23+$0x0], $0xffff  }
0x101: {  	v36 =	vadd.f32 v19, v20;
	v27 =	vor.u32 v13, v39;
	v38 =	vor.u32 v16, v39;
	v18 =	vld.idx.msk [tilespmem:v53+s23+$0x0], $0xffff  }
0x102: {  	v43 =	vadd.f32 v55, v51;
	v42 =	vmul.f32 v45, v52;
	v44 =	vadd.f32 v56, v31;
	v19 =	vld.idx.msk [tilespmem:v28+s22+$0x0], $0xffff  }
0x103: {  	v40 =	vadd.f32 v47, v40;
	v41 =	vor.u32 v15, v39;
	v31 =	vor.u32 v14, v39;
	v20 =	vld.idx.msk [tilespmem:v49+s22+$0x0], $0xffff  }
0x104: {  	_ =	sdelay $0x3  }
0x105: {  	v14 =	vld.idx.msk [tilespmem:v28+s23+$0x0], $0xffff  }
0x106: {  	v15 =	vld.idx.msk [tilespmem:v32+s23+$0x0], $0xffff  }
0x107: {  	v16 =	vld.idx.msk [tilespmem:v27+s22+$0x0], $0xffff  }
0x108: {  	v12 =	vor.u32 v12, v39;
	v50 =	vld.idx.msk [tilespmem:v38+s23+$0x0], $0xffff;
	v24 =	vadd.f32 v24, v44;
	v34 =	vadd.f32 v34, v37  }
0x109: {  	v52 =	vadd.f32 v42, v43;
	v17 =	vld.idx.msk [tilespmem:v17+s23+$0x0], $0xffff;
	v25 =	vadd.f32 v25, v36  }
0x10a: {  	v51 =	vld.idx.msk [tilespmem:v41+s23+$0x0], $0xffff;
	v11 =	vmul.u32 $0x5, v11;
	v29 =	vadd.f32 v29, v40;
	v33 =	vmul.f32 v33, v19  }
0x10b: {  	v53 =	vld.idx.msk [tilespmem:v27+s23+$0x0], $0xffff;
	v24 =	vadd.f32 v30, v24;
	v18 =	vmul.f32 v18, v19;
	v21 =	vmul.f32 v21, v20  }
0x10c: {  	v54 =	vld.idx.msk [tilespmem:v31+s23+$0x0], $0xffff;
	v59 =	vadd.s32 $0x1, v11;
	v23 =	vmul.f32 v23, v20;
	v26 =	vmul.f32 v26, v20  }
0x10d: {  	v60 =	vadd.s32 $0x2, v11;
	v22 =	vmul.f32 v22, v20;
	v12 =	vld.idx.msk [tilespmem:v12+s23+$0x0], $0xffff;
	v15 =	vmul.f32 v15, v19  }
0x10e: {  	v13 =	vld.idx.msk [tilespmem:v35+s23+$0x0], $0xffff;
	v61 =	vadd.s32 $0x3, v11;
	v14 =	vmul.f32 v14, v19;
	v17 =	vmul.f32 v17, v20  }
0x10f: {  	v28 =	vmul.f32 v50, v16;
	v23 =	vadd.f32 v23, v29;
	v56 =	vadd.f32 v22, v25  }
0x110: {  	v55 =	vmul.f32 v51, v16;
	v21 =	vadd.f32 v21, v34;
	v17 =	vadd.f32 v17, v24  }
0x111: {  	v58 =	vmul.f32 v53, v16;
	v57 =	vadd.f32 v26, v52;
	v14 =	vadd.f32 v14, v56  }
0x112: {  	v17 =	vadd.f32 v18, v17;
	v12 =	vmul.f32 v12, v16;
	v16 =	vmul.f32 v54, v16  }
0x113: {  	s10 =	sadd.s32 $0x1, s10;
	v13 =	vmul.f32 v13, v19;
	v15 =	vadd.f32 v15, v57;
	v14 =	vadd.f32 v58, v14  }
0x114: {  	p0 =	sne.s32 s10, $0x8;
	v63 =	vadd.s32 $0x4, v11;
	v62 =	vadd.f32 v33, v23;
	v16 =	vadd.f32 v16, v17  }
.Ltmp3:
0x115: {  	v13 =	vadd.f32 v13, v21;
	v15 =	vadd.f32 v28, v15;
	[tilespmem:v11+s8+$0x0] =	vst.idx.msk $0xffff, v14;
	(pc) =	sbr.rel @p0 .LBB2_6-.Ltmp3, $4  }
0x116: {  	v11 =	vadd.f32 v55, v62;
	[tilespmem:v59+s8+$0x0] =	vst.idx.msk $0xffff, v16  }
0x117: {  	v12 =	vadd.f32 v12, v13;
	[tilespmem:v60+s8+$0x0] =	vst.idx.msk $0xffff, v15  }
0x118: {  	[tilespmem:v61+s8+$0x0] =	vst.idx.msk $0xffff, v11  }
0x119: {  	[tilespmem:v63+s8+$0x0] =	vst.idx.msk $0xffff, v12  }
0x11a: {  	s5 =	simm.s32 $0x0;
	s10 =	rddreg [dreg:$0x8]  }
0x11b: {  	[hbm4b:s10+s5] =	stream.linear.scatter [tilespmem:s8], [sflag:$0x3], $0x280, $0x38;
	[tilespmem:$0x18D80] =	vst v63  }
0x11c: {  	_ =	swait.ge [sflag:s18], $0x280  }
0x11d: {  	[sflag:s18] =	ssyncset.done $0x0  }
0x11e: {  	s25 =	rddreg [dreg:$0x9];
	[sflag:s18] =	ssyncadd.s32 $0xFFFFFD80  }
0x11f: {  	[tilespmem:s5], [sflag:$0x3] =	stream.linear.gather [hbm4b:s25+s5], $0x80, $0x38;
	[tilespmem:$0x18D80] =	vst v63  }
0x120: {  	v11 =	vor.u32 s5, v0;
	_ =	swait.ge [sflag:s18], $0x80  }
0x121: {  	v12 =	vmul.u32 $0x5, v11;
	[sflag:s18] =	ssyncset.done $0x0  }
0x122: {  	s26 =	rddreg [dreg:$0xa];
	[sflag:s18] =	ssyncadd.s32 $0xFFFFFF80  }
0x123: {  	[tilespmem:s19], [sflag:$0x3] =	stream.linear.gather [hbm4b:s26+s5], $0x280, $0x38;
	[tilespmem:$0x18D80] =	vst v63  }
0x124: {  	_ =	swait.ge [sflag:s18], $0x280  }
0x125: {  	[sflag:s18] =	ssyncset.done $0x0  }
0x126: {  	[sflag:s18] =	ssyncadd.s32 $0xFFFFFD80  }
0x127: {  	v14 =	vand.u32 v1, v11;
	v13 =	vld.idx.msk [tilespmem:v12+s19+$0x0], $0xffff  }
0x128: {  	v15 =	vadd.s32 $0x1, v12;
	_ =	sdelay $0x3  }
0x129: {  	v11 =	vand.u32 $0x78, v11;
	[tilespmem:v14+s20+$0x0] =	vst.idx.msk $0xffff, v13  }
0x12a: {  	v14 =	vor.u32 v2, v11;
	v13 =	vld.idx.msk [tilespmem:v15+s19+$0x0], $0xffff  }
0x12b: {  	v15 =	vadd.s32 $0x2, v12;
	_ =	sdelay $0x3  }
0x12c: {  	[tilespmem:v14+s20+$0x0] =	vst.idx.msk $0xffff, v13  }
0x12d: {  	v14 =	vor.u32 v3, v11;
	v13 =	vld.idx.msk [tilespmem:v15+s19+$0x0], $0xffff  }
0x12e: {  	v15 =	vadd.s32 $0x3, v12;
	_ =	sdelay $0x3  }
0x12f: {  	[tilespmem:v14+s20+$0x0] =	vst.idx.msk $0xffff, v13  }
0x130: {  	v14 =	vor.u32 v4, v11;
	v13 =	vld.idx.msk [tilespmem:v15+s19+$0x0], $0xffff  }
0x131: {  	v15 =	vadd.s32 $0x4, v12;
	_ =	sdelay $0x3  }
0x132: {  	s28 =	simm.s32 $0x10;
	[tilespmem:v14+s20+$0x0] =	vst.idx.msk $0xffff, v13  }
0x133: {  	s5 =	simm.s32 $0x20;
	v12 =	vor.u32 s28, v0;
	v13 =	vld.idx.msk [tilespmem:v15+s19+$0x0], $0xffff  }
.LBB2_10:
0x134: {  	p0 =	sne.s32 s5, $0x70;
	v14 =	vmul.u32 $0x5, v12;
	v11 =	vor.u32 v5, v11;
	_ =	sdelay $0x4  }
0x135: {  	[tilespmem:v11+s20+$0x0] =	vst.idx.msk $0xffff, v13  }
0x136: {  	v11 =	vld.idx.msk [tilespmem:v14+s19+$0x0], $0xffff  }
0x137: {  	v13 =	vand.u32 v1, v12  }
0x138: {  	v15 =	vadd.s32 $0x1, v14;
	_ =	sdelay $0x3  }
0x139: {  	[tilespmem:v13+s20+$0x0] =	vst.idx.msk $0xffff, v11  }
0x13a: {  	v11 =	vand.u32 $0x78, v12;
	v12 =	vld.idx.msk [tilespmem:v15+s19+$0x0], $0xffff  }
0x13b: {  	v13 =	vor.u32 v2, v11  }
0x13c: {  	v15 =	vadd.s32 $0x2, v14;
	_ =	sdelay $0x3  }
0x13d: {  	[tilespmem:v13+s20+$0x0] =	vst.idx.msk $0xffff, v12  }
0x13e: {  	v12 =	vld.idx.msk [tilespmem:v15+s19+$0x0], $0xffff  }
0x13f: {  	v13 =	vor.u32 v3, v11  }
0x140: {  	v15 =	vadd.s32 $0x3, v14;
	_ =	sdelay $0x3  }
0x141: {  	[tilespmem:v13+s20+$0x0] =	vst.idx.msk $0xffff, v12  }
0x142: {  	v12 =	vld.idx.msk [tilespmem:v15+s19+$0x0], $0xffff  }
0x143: {  	v13 =	vor.u32 v4, v11  }
0x144: {  	v14 =	vadd.s32 $0x4, v14  }
.Ltmp4:
0x145: {  	(pc) =	sbr.rel @p0 .LBB2_10-.Ltmp4, $3  }
0x146: {  	_ =	sdelay $0x1  }
0x147: {  	[tilespmem:v13+s20+$0x0] =	vst.idx.msk $0xffff, v12  }
0x148: {  	v12 =	vor.u32 s5, v0;
	s5 =	sadd.s32 $0x10, s5;
	v13 =	vld.idx.msk [tilespmem:v14+s19+$0x0], $0xffff  }
0x149: {  	v14 =	vmul.u32 $0x5, v12;
	v11 =	vor.u32 v5, v11;
	_ =	sdelay $0x4  }
0x14a: {  	[tilespmem:v11+s20+$0x0] =	vst.idx.msk $0xffff, v13  }
0x14b: {  	v57 =	vand.u32 v1, v12;
	v11 =	vld.idx.msk [tilespmem:v14+s19+$0x0], $0xffff  }
0x14c: {  	v15 =	vadd.s32 $0x1, v14;
	_ =	sdelay $0x3  }
0x14d: {  	[tilespmem:v57+s20+$0x0] =	vst.idx.msk $0xffff, v11;
	v11 =	vand.u32 $0x78, v12  }
0x14e: {  	v58 =	vld.idx.msk [tilespmem:v15+s19+$0x0], $0xffff;
	v59 =	vor.u32 v2, v11  }
0x14f: {  	v60 =	vadd.s32 $0x2, v14;
	_ =	sdelay $0x3  }
0x150: {  	[tilespmem:v59+s20+$0x0] =	vst.idx.msk $0xffff, v58  }
0x151: {  	v61 =	vor.u32 v3, v11;
	v12 =	vld.idx.msk [tilespmem:v60+s19+$0x0], $0xffff  }
0x152: {  	v62 =	vadd.s32 $0x3, v14;
	_ =	sdelay $0x3  }
0x153: {  	[tilespmem:v61+s20+$0x0] =	vst.idx.msk $0xffff, v12  }
0x154: {  	v63 =	vor.u32 v4, v11;
	v12 =	vld.idx.msk [tilespmem:v62+s19+$0x0], $0xffff  }
0x155: {  	v14 =	vadd.s32 $0x4, v14;
	_ =	sdelay $0x3  }
0x156: {  	[tilespmem:v63+s20+$0x0] =	vst.idx.msk $0xffff, v12  }
0x157: {  	v11 =	vor.u32 v5, v11;
	v12 =	vld.idx.msk [tilespmem:v14+s19+$0x0], $0xffff;
	_ =	sdelay $0x4  }
0x158: {  	s5 =	simm.s32 $0x0;
	[tilespmem:v11+s20+$0x0] =	vst.idx.msk $0xffff, v12  }
0x159: {  	[tilespmem:s22], [sflag:$0x1] =	stream.indirect.gather [hbm4b:s3+s21], $0x40, s5, s21, $0xb8;
	[tilespmem:$0x18D80] =	vst v63  }
0x15a: {  	_ = 	snop  }
0x15b: {  	[tilespmem:s23], [sflag:$0x1] =	stream.indirect.gather [hbm4b:s4+s21], $0x40, s20, s21, $0xb8;
	[tilespmem:$0x18D80] =	vst v63  }
0x15c: {  	s10 =	simm.s32 $0x680;
	s11 =	simm.s32 $0x6B00  }
0x15d: {  	[tilespmem:s11], [sflag:$0x1] =	stream.indirect.gather [hbm4b:s4+s21], $0x40, s10, s21, $0xb8;
	[tilespmem:$0x18D80] =	vst v63  }
0x15e: {  	s26 =	simm.s32 $0x700;
	s28 =	simm.s32 $0x8B00  }
0x15f: {  	[tilespmem:s28], [sflag:$0x1] =	stream.indirect.gather [hbm4b:s4+s21], $0x40, s26, s21, $0xb8;
	[tilespmem:$0x18D80] =	vst v63  }
0x160: {  	s25 =	simm.s32 $0xAB00;
	s11 =	simm.s32 $0x780  }
0x161: {  	[tilespmem:s25], [sflag:$0x1] =	stream.indirect.gather [hbm4b:s4+s21], $0x40, s11, s21, $0xb8;
	[tilespmem:$0x18D80] =	vst v63  }
0x162: {  	s26 =	simm.s32 $0x800;
	s28 =	simm.s32 $0xCB00  }
0x163: {  	[tilespmem:s28], [sflag:$0x1] =	stream.indirect.gather [hbm4b:s4+s21], $0x40, s26, s21, $0xb8;
	[tilespmem:$0x18D80] =	vst v63  }
0x164: {  	_ =	swait.ge [sflag:s24], $0x2000  }
0x165: {  	[sflag:s24] =	ssyncset.done $0x0  }
0x166: {  	[sflag:s24] =	ssyncadd.s32 $0xFFFFE000  }
0x167: {  	_ =	swait.ge [sflag:s24], $0x2000  }
0x168: {  	[sflag:s24] =	ssyncset.done $0x0  }
0x169: {  	[sflag:s24] =	ssyncadd.s32 $0xFFFFE000  }
0x16a: {  	_ =	swait.ge [sflag:s24], $0x2000  }
0x16b: {  	[sflag:s24] =	ssyncset.done $0x0  }
0x16c: {  	[sflag:s24] =	ssyncadd.s32 $0xFFFFE000  }
0x16d: {  	_ =	swait.ge [sflag:s24], $0x2000  }
0x16e: {  	[sflag:s24] =	ssyncset.done $0x0  }
0x16f: {  	[sflag:s24] =	ssyncadd.s32 $0xFFFFE000  }
0x170: {  	_ =	swait.ge [sflag:s24], $0x2000  }
0x171: {  	[sflag:s24] =	ssyncset.done $0x0  }
0x172: {  	[sflag:s24] =	ssyncadd.s32 $0xFFFFE000  }
0x173: {  	_ =	swait.ge [sflag:s24], $0x2000  }
0x174: {  	[sflag:s24] =	ssyncset.done $0x0  }
0x175: {  	s10 =	simm.s32 $0x0;
	[sflag:s24] =	ssyncadd.s32 $0xFFFFE000  }
.LBB2_12:
0x176: {  	s25 =	sshll.u32 s10, $0x4;
	v14 =	vmov s5  }
0x177: {  	s11 =	simm.s32 $0x1;
	v11 =	vor.u32 s25, v0;
	v15 =	vand.u32 $0x3C, v14  }
0x178: {  	v12 =	vmov s11;
	v17 =	vshll.u32 v11, $0x6;
	v21 =	vbroadcast v15, $0x0  }
0x179: {  	v12 =	vand.u32 $0x3D, v12;
	v15 =	vor.u32 $0x12000, v17  }
0x17a: {  	v20 =	vbroadcast v12, $0x0;
	v14 =	vor.u32 $0x10000, v17;
	v25 =	vor.u32 v15, v21  }
0x17b: {  	v13 =	vor.u32 $0x2000, v17;
	v26 =	vor.u32 v14, v21  }
0x17c: {  	v12 =	vor.u32 $0xA000, v17;
	v16 =	vor.u32 v13, v20  }
0x17d: {  	v18 =	vor.u32 v12, v20  }
0x17e: {  	v22 =	vor.u32 v14, v20  }
0x17f: {  	v23 =	vor.u32 v13, v21;
	v25 =	vld.idx.msk [tilespmem:v25+s23+$0x0], $0xffff  }
0x180: {  	v28 =	vor.u32 v12, v21;
	v33 =	vld.idx.msk [tilespmem:v26+s23+$0x0], $0xffff  }
0x181: {  	s26 =	simm.s32 $0x2;
	v24 =	vor.u32 v15, v20;
	v19 =	vld.idx.msk [tilespmem:v16+s22+$0x0], $0xffff;
	v16 =	vor.u32 $0xE000, v17  }
0x182: {  	v30 =	vld.idx.msk [tilespmem:v18+s23+$0x0], $0xffff;
	v18 =	vmov s26;
	v17 =	vor.u32 $0xC000, v17;
	v27 =	vor.u32 v16, v20  }
0x183: {  	v22 =	vld.idx.msk [tilespmem:v22+s23+$0x0], $0xffff;
	v29 =	vand.u32 $0x3E, v18;
	v20 =	vor.u32 v17, v20  }
0x184: {  	s28 =	simm.s32 $0x3;
	v18 =	vld.idx.msk [tilespmem:v23+s22+$0x0], $0xffff;
	v32 =	vor.u32 v16, v21;
	v31 =	vbroadcast v29, $0x0  }
0x185: {  	v40 =	vld.idx.msk [tilespmem:v28+s23+$0x0], $0xffff;
	v23 =	vmov s28;
	v43 =	vor.u32 v17, v21  }
0x186: {  	v24 =	vld.idx.msk [tilespmem:v24+s23+$0x0], $0xffff;
	v23 =	vand.u32 $0x3F, v23;
	v34 =	vor.u32 v12, v31  }
0x187: {  	v23 =	vbroadcast v23, $0x0;
	v36 =	vor.u32 v15, v31;
	v29 =	vld.idx.msk [tilespmem:v27+s23+$0x0], $0xffff  }
0x188: {  	v38 =	vor.u32 v13, v31;
	v44 =	vor.u32 v16, v31;
	v35 =	vmul.f32 v22, v19;
	v45 =	vld.idx.msk [tilespmem:v20+s23+$0x0], $0xffff  }
0x189: {  	v26 =	vor.u32 v14, v31;
	v21 =	vmul.f32 v30, v19;
	v28 =	vld.idx.msk [tilespmem:v32+s23+$0x0], $0xffff;
	v20 =	vmul.f32 v25, v18  }
0x18a: {  	v27 =	vimm.f32 $0.0e+00;
	v25 =	vmul.f32 v33, v18;
	v41 =	vmul.f32 v40, v18;
	v40 =	vld.idx.msk [tilespmem:v43+s23+$0x0], $0xffff  }
0x18b: {  	v24 =	vmul.f32 v24, v19;
	v32 =	vor.u32 v17, v31;
	v31 =	vadd.f32 v20, v27;
	v30 =	vld.idx.msk [tilespmem:v34+s23+$0x0], $0xffff  }
0x18c: {  	v22 =	vor.u32 v14, v23;
	v37 =	vor.u32 v16, v23;
	v42 =	vadd.f32 v25, v27;
	v39 =	vld.idx.msk [tilespmem:v36+s23+$0x0], $0xffff  }
0x18d: {  	v20 =	vld.idx.msk [tilespmem:v38+s22+$0x0], $0xffff;
	v34 =	vor.u32 v13, v23;
	v36 =	vor.u32 v15, v23;
	v33 =	vadd.f32 v24, v31  }
0x18e: {  	s25 =	simm.s32 $0x4;
	v38 =	vld.idx.msk [tilespmem:v44+s23+$0x0], $0xffff;
	v31 =	vimm.f32 $0.0e+00;
	v24 =	vimm.f32 $0.0e+00;
	v25 =	vmul.f32 v45, v19  }
.LBB2_13:
0x18f: {  	s11 =	sadd.s32 $0x1, s25;
	s26 =	sadd.s32 $0x2, s25;
	s28 =	sadd.s32 $0x3, s25;
	v43 =	vmul.f32 v29, v19;
	v29 =	vadd.f32 v35, v42;
	v19 =	vor.u32 v17, v23  }
0x190: {  	p0 =	slt.u32 s25, $0x3C;
	v35 =	vmov s11;
	v42 =	vmov s26;
	v44 =	vmov s28;
	s11 =	smov.u32 s25;
	s25 =	sadd.s32 $0x4, s25  }
0x191: {  	v27 =	vadd.f32 v41, v27;
	v35 =	vand.u32 $0x3D, v35;
	v44 =	vand.u32 $0x3F, v44;
	v26 =	vld.idx.msk [tilespmem:v26+s23+$0x0], $0xffff  }
0x192: {  	v41 =	vmov s11;
	v39 =	vmul.f32 v39, v20;
	v35 =	vbroadcast v35, $0x0;
	v37 =	vld.idx.msk [tilespmem:v37+s23+$0x0], $0xffff  }
0x193: {  	v28 =	vmul.f32 v28, v18;
	v23 =	vor.u32 v12, v23;
	v41 =	vand.u32 $0x3C, v41;
	v32 =	vld.idx.msk [tilespmem:v32+s23+$0x0], $0xffff  }
0x194: {  	v30 =	vmul.f32 v30, v20;
	v41 =	vbroadcast v41, $0x0;
	v45 =	vor.u32 v13, v35;
	v36 =	vld.idx.msk [tilespmem:v36+s23+$0x0], $0xffff  }
0x195: {  	v38 =	vmul.f32 v38, v20;
	v46 =	vor.u32 v12, v35;
	v47 =	vor.u32 v14, v35;
	v48 =	vld.idx.msk [tilespmem:v19+s23+$0x0], $0xffff  }
0x196: {  	v18 =	vmul.f32 v40, v18;
	v49 =	vor.u32 v13, v41;
	v50 =	vor.u32 v12, v41;
	v34 =	vld.idx.msk [tilespmem:v34+s22+$0x0], $0xffff  }
0x197: {  	v40 =	vor.u32 v17, v41;
	v51 =	vor.u32 v16, v41;
	v52 =	vmul.f32 v26, v20;
	v22 =	vld.idx.msk [tilespmem:v22+s23+$0x0], $0xffff  }
0x198: {  	v53 =	vor.u32 v15, v35;
	v26 =	vor.u32 v15, v41;
	v23 =	vld.idx.msk [tilespmem:v23+s23+$0x0], $0xffff  }
0x199: {  	v18 =	vadd.f32 v18, v31;
	v31 =	vadd.f32 v39, v33;
	v41 =	vor.u32 v14, v41;
	v19 =	vld.idx.msk [tilespmem:v45+s22+$0x0], $0xffff  }
0x19a: {  	v24 =	vadd.f32 v28, v24;
	v21 =	vadd.f32 v21, v27;
	v39 =	vand.u32 $0x3E, v42;
	v33 =	vld.idx.msk [tilespmem:v46+s23+$0x0], $0xffff  }
0x19b: {  	v27 =	vor.u32 v16, v35;
	v39 =	vbroadcast v39, $0x0;
	v25 =	vadd.f32 v25, v18;
	v28 =	vld.idx.msk [tilespmem:v47+s23+$0x0], $0xffff  }
0x19c: {  	v21 =	vadd.f32 v30, v21;
	v35 =	vor.u32 v17, v35;
	v42 =	vmul.f32 v48, v34;
	v18 =	vld.idx.msk [tilespmem:v49+s22+$0x0], $0xffff  }
0x19d: {  	v20 =	vmul.f32 v32, v20;
	v45 =	vor.u32 v13, v39;
	v46 =	vor.u32 v15, v39;
	v30 =	vld.idx.msk [tilespmem:v53+s23+$0x0], $0xffff  }
0x19e: {  	v48 =	vor.u32 v16, v39;
	v49 =	vadd.f32 v52, v29;
	v47 =	vld.idx.msk [tilespmem:v26+s23+$0x0], $0xffff;
	v26 =	vor.u32 v14, v39  }
0x19f: {  	v52 =	vor.u32 v12, v39;
	v32 =	vmul.f32 v23, v34;
	v53 =	vmul.f32 v37, v34;
	v41 =	vld.idx.msk [tilespmem:v41+s23+$0x0], $0xffff  }
0x1a0: {  	v24 =	vadd.f32 v43, v24;
	v25 =	vadd.f32 v20, v25;
	v23 =	vbroadcast v44, $0x0;
	v29 =	vld.idx.msk [tilespmem:v27+s23+$0x0], $0xffff  }
0x1a1: {  	v20 =	vmul.f32 v22, v34;
	v34 =	vmul.f32 v36, v34;
	v27 =	vadd.f32 v32, v21;
	v43 =	vld.idx.msk [tilespmem:v50+s23+$0x0], $0xffff  }
0x1a2: {  	v24 =	vadd.f32 v38, v24;
	v32 =	vor.u32 v17, v39;
	v44 =	vld.idx.msk [tilespmem:v35+s23+$0x0], $0xffff;
	v35 =	vmul.f32 v28, v19  }
0x1a3: {  	v36 =	vadd.f32 v20, v49;
	v21 =	vmul.f32 v33, v19;
	v33 =	vmul.f32 v30, v19;
	v28 =	vld.idx.msk [tilespmem:v51+s23+$0x0], $0xffff  }
.Ltmp5:
0x1a4: {  	v22 =	vor.u32 v14, v23;
	v31 =	vadd.f32 v34, v31;
	v20 =	vmul.f32 v47, v18;
	v30 =	vld.idx.msk [tilespmem:v52+s23+$0x0], $0xffff;
	(pc) =	sbr.rel @p0 .LBB2_13-.Ltmp5, $4  }
0x1a5: {  	v37 =	vor.u32 v16, v23;
	v24 =	vadd.f32 v53, v24;
	v38 =	vmul.f32 v41, v18;
	v39 =	vld.idx.msk [tilespmem:v46+s23+$0x0], $0xffff  }
0x1a6: {  	v34 =	vor.u32 v13, v23;
	v46 =	vadd.f32 v20, v31;
	v31 =	vadd.f32 v42, v25;
	v20 =	vld.idx.msk [tilespmem:v45+s22+$0x0], $0xffff  }
0x1a7: {  	v41 =	vmul.f32 v43, v18;
	v42 =	vadd.f32 v38, v36;
	v36 =	vor.u32 v15, v23;
	v38 =	vld.idx.msk [tilespmem:v48+s23+$0x0], $0xffff  }
0x1a8: {  	v25 =	vmul.f32 v44, v19;
	v33 =	vadd.f32 v33, v46;
	v40 =	vld.idx.msk [tilespmem:v40+s23+$0x0], $0xffff  }
0x1a9: {  	_ =	sdelay $0x1  }
0x1aa: {  	v12 =	vor.u32 v12, v23  }
0x1ab: {  	v13 =	vor.u32 v17, v23  }
0x1ac: {  	v14 =	vld.idx.msk [tilespmem:v26+s23+$0x0], $0xffff  }
0x1ad: {  	v15 =	vld.idx.msk [tilespmem:v32+s23+$0x0], $0xffff;
	v16 =	vmul.f32 v29, v19  }
0x1ae: {  	v46 =	vadd.f32 v41, v27;
	v49 =	vld.idx.msk [tilespmem:v34+s22+$0x0], $0xffff;
	v51 =	vmul.f32 v28, v18;
	v11 =	vmul.u32 $0x5, v11  }
0x1af: {  	v50 =	vadd.f32 v35, v42;
	v47 =	vmul.f32 v39, v20;
	v48 =	vmul.f32 v40, v18;
	v12 =	vld.idx.msk [tilespmem:v12+s23+$0x0], $0xffff  }
0x1b0: {  	v52 =	vmul.f32 v30, v20;
	v17 =	vadd.f32 v21, v46;
	v58 =	vadd.s32 $0x1, v11;
	v13 =	vld.idx.msk [tilespmem:v13+s23+$0x0], $0xffff  }
0x1b1: {  	v53 =	vld.idx.msk [tilespmem:v37+s23+$0x0], $0xffff;
	v60 =	vadd.s32 $0x2, v11;
	v61 =	vadd.s32 $0x3, v11;
	v23 =	vadd.f32 v48, v31  }
0x1b2: {  	v55 =	vld.idx.msk [tilespmem:v22+s23+$0x0], $0xffff;
	v62 =	vadd.s32 $0x4, v11;
	v54 =	vmul.f32 v38, v20;
	v18 =	vadd.f32 v51, v24  }
0x1b3: {  	v57 =	vld.idx.msk [tilespmem:v36+s23+$0x0], $0xffff;
	v19 =	vadd.f32 v47, v33;
	v15 =	vmul.f32 v15, v20;
	v56 =	vadd.f32 v25, v23  }
0x1b4: {  	v17 =	vadd.f32 v52, v17;
	v16 =	vadd.f32 v16, v18;
	v12 =	vmul.f32 v12, v49  }
0x1b5: {  	v14 =	vmul.f32 v14, v20;
	v13 =	vmul.f32 v13, v49;
	v15 =	vadd.f32 v15, v56  }
0x1b6: {  	s10 =	sadd.s32 $0x1, s10;
	v59 =	vmul.f32 v53, v49;
	v16 =	vadd.f32 v54, v16;
	v12 =	vadd.f32 v12, v17  }
0x1b7: {  	p0 =	sne.s32 s10, $0x8;
	v21 =	vmul.f32 v55, v49;
	v14 =	vadd.f32 v14, v50;
	v13 =	vadd.f32 v13, v15  }
.Ltmp6:
0x1b8: {  	v23 =	vmul.f32 v57, v49;
	v16 =	vadd.f32 v59, v16;
	[tilespmem:v11+s8+$0x0] =	vst.idx.msk $0xffff, v12;
	(pc) =	sbr.rel @p0 .LBB2_12-.Ltmp6, $4  }
0x1b9: {  	v11 =	vadd.f32 v21, v14;
	[tilespmem:v58+s8+$0x0] =	vst.idx.msk $0xffff, v13  }
0x1ba: {  	v63 =	vadd.f32 v23, v19;
	[tilespmem:v60+s8+$0x0] =	vst.idx.msk $0xffff, v16  }
0x1bb: {  	[tilespmem:v61+s8+$0x0] =	vst.idx.msk $0xffff, v11  }
0x1bc: {  	[tilespmem:v62+s8+$0x0] =	vst.idx.msk $0xffff, v63  }
0x1bd: {  	s5 =	simm.s32 $0x0  }
0x1be: {  	[hbm4b:s12+s5] =	stream.linear.scatter [tilespmem:s8], [sflag:$0x3], $0x280, $0x38;
	[tilespmem:$0x18D80] =	vst v63  }
0x1bf: {  	_ =	swait.ge [sflag:s18], $0x280  }
0x1c0: {  	[sflag:s18] =	ssyncset.done $0x0  }
0x1c1: {  	v11 =	vor.u32 s5, v0;
	[sflag:s18] =	ssyncadd.s32 $0xFFFFFD80  }
0x1c2: {  	v12 =	vmul.u32 $0x5, v11;
	[tilespmem:s21], [sflag:$0x3] =	stream.linear.gather [hbm4b:s13+s5], $0x80, $0x38;
	[tilespmem:$0x18D80] =	vst v63  }
0x1c3: {  	_ =	swait.ge [sflag:s18], $0x80  }
0x1c4: {  	v13 =	vand.u32 $0x3FF, v12;
	[sflag:s18] =	ssyncset.done $0x0  }
0x1c5: {  	s10 =	simm.s32 $0x380;
	v13 =	vadd.s32 $0x280, v13;
	[sflag:s18] =	ssyncadd.s32 $0xFFFFFF80  }
0x1c6: {  	[tilespmem:s10], [sflag:$0x3] =	stream.linear.gather [hbm4b:s14+s5], $0x280, $0x38;
	[tilespmem:$0x18D80] =	vst v63  }
0x1c7: {  	_ =	swait.ge [sflag:s18], $0x280  }
0x1c8: {  	[sflag:s18] =	ssyncset.done $0x0  }
0x1c9: {  	v11 =	vand.u32 $0x78, v11;
	v14 =	vadd.s32 $0x1, v12;
	[sflag:s18] =	ssyncadd.s32 $0xFFFFFD80  }
0x1ca: {  	v15 =	vor.u32 v6, v11;
	v14 =	vand.u32 $0x7FFFFFFF, v14;
	v13 =	vld.idx.msk [tilespmem:v13+s19+$0x0], $0xffff  }
0x1cb: {  	v14 =	vadd.s32 $0x280, v14;
	_ =	sdelay $0x3  }
0x1cc: {  	[tilespmem:v15+s20+$0x0] =	vst.idx.msk $0xffff, v13;
	v13 =	vadd.s32 $0x2, v12  }
0x1cd: {  	v15 =	vor.u32 v7, v11;
	v14 =	vld.idx.msk [tilespmem:v14+s19+$0x0], $0xffff;
	v13 =	vand.u32 $0x7FFFFFFF, v13  }
0x1ce: {  	v13 =	vadd.s32 $0x280, v13;
	_ =	sdelay $0x3  }
0x1cf: {  	[tilespmem:v15+s20+$0x0] =	vst.idx.msk $0xffff, v14;
	v14 =	vadd.s32 $0x3, v12  }
0x1d0: {  	v15 =	vor.u32 v8, v11;
	v13 =	vld.idx.msk [tilespmem:v13+s19+$0x0], $0xffff;
	v14 =	vand.u32 $0x7FFFFFFF, v14  }
0x1d1: {  	v14 =	vadd.s32 $0x280, v14;
	_ =	sdelay $0x3  }
0x1d2: {  	v12 =	vadd.s32 $0x4, v12;
	[tilespmem:v15+s20+$0x0] =	vst.idx.msk $0xffff, v13  }
0x1d3: {  	v12 =	vand.u32 $0x7FFFFFFF, v12;
	v13 =	vld.idx.msk [tilespmem:v14+s19+$0x0], $0xffff;
	v14 =	vor.u32 v9, v11  }
0x1d4: {  	v15 =	vadd.s32 $0x280, v12;
	_ =	sdelay $0x1  }
0x1d5: {  	s28 =	simm.s32 $0x10  }
0x1d6: {  	s5 =	simm.s32 $0x20;
	v12 =	vor.u32 s28, v0  }
.LBB2_16:
0x1d7: {  	p0 =	sne.s32 s5, $0x70;
	v16 =	vmul.u32 $0x5, v12;
	[tilespmem:v14+s20+$0x0] =	vst.idx.msk $0xffff, v13  }
0x1d8: {  	v13 =	vld.idx.msk [tilespmem:v15+s19+$0x0], $0xffff  }
0x1d9: {  	v11 =	vor.u32 v10, v11;
	v14 =	vand.u32 $0x3FF, v16  }
0x1da: {  	v14 =	vadd.s32 $0x280, v14;
	_ =	sdelay $0x3  }
0x1db: {  	[tilespmem:v11+s20+$0x0] =	vst.idx.msk $0xffff, v13  }
0x1dc: {  	v11 =	vand.u32 $0x78, v12;
	v12 =	vadd.s32 $0x1, v16;
	v13 =	vld.idx.msk [tilespmem:v14+s19+$0x0], $0xffff  }
0x1dd: {  	v14 =	vor.u32 v6, v11;
	v12 =	vand.u32 $0x7FFFFFFF, v12  }
0x1de: {  	v12 =	vadd.s32 $0x280, v12;
	_ =	sdelay $0x3  }
0x1df: {  	[tilespmem:v14+s20+$0x0] =	vst.idx.msk $0xffff, v13  }
0x1e0: {  	v13 =	vadd.s32 $0x2, v16;
	v12 =	vld.idx.msk [tilespmem:v12+s19+$0x0], $0xffff  }
0x1e1: {  	v14 =	vor.u32 v7, v11;
	v13 =	vand.u32 $0x7FFFFFFF, v13  }
0x1e2: {  	v13 =	vadd.s32 $0x280, v13;
	_ =	sdelay $0x3  }
0x1e3: {  	[tilespmem:v14+s20+$0x0] =	vst.idx.msk $0xffff, v12  }
0x1e4: {  	v12 =	vld.idx.msk [tilespmem:v13+s19+$0x0], $0xffff;
	v13 =	vadd.s32 $0x3, v16  }
0x1e5: {  	v14 =	vor.u32 v8, v11;
	v13 =	vand.u32 $0x7FFFFFFF, v13  }
0x1e6: {  	v13 =	vadd.s32 $0x280, v13;
	_ =	sdelay $0x3  }
0x1e7: {  	[tilespmem:v14+s20+$0x0] =	vst.idx.msk $0xffff, v12  }
0x1e8: {  	v12 =	vadd.s32 $0x4, v16;
	v13 =	vld.idx.msk [tilespmem:v13+s19+$0x0], $0xffff  }
.Ltmp7:
0x1e9: {  	v14 =	vor.u32 v9, v11;
	v12 =	vand.u32 $0x7FFFFFFF, v12;
	(pc) =	sbr.rel @p0 .LBB2_16-.Ltmp7, $2  }
0x1ea: {  	v15 =	vadd.s32 $0x280, v12;
	_ =	sdelay $0x2  }
0x1eb: {  	v12 =	vor.u32 s5, v0;
	s5 =	sadd.s32 $0x10, s5  }
0x1ec: {  	_ =	sdelay $0x2  }
0x1ed: {  	v16 =	vmul.u32 $0x5, v12  }
0x1ee: {  	[tilespmem:v14+s20+$0x0] =	vst.idx.msk $0xffff, v13  }
0x1ef: {  	v11 =	vor.u32 v10, v11;
	v13 =	vld.idx.msk [tilespmem:v15+s19+$0x0], $0xffff;
	v55 =	vand.u32 $0x3FF, v16  }
0x1f0: {  	v14 =	vadd.s32 $0x280, v55;
	_ =	sdelay $0x3  }
0x1f1: {  	v56 =	vadd.s32 $0x1, v16;
	[tilespmem:v11+s20+$0x0] =	vst.idx.msk $0xffff, v13;
	v11 =	vand.u32 $0x78, v12  }
0x1f2: {  	v12 =	vand.u32 $0x7FFFFFFF, v56;
	v57 =	vor.u32 v6, v11;
	v13 =	vld.idx.msk [tilespmem:v14+s19+$0x0], $0xffff  }
0x1f3: {  	v12 =	vadd.s32 $0x280, v12;
	_ =	sdelay $0x3  }
0x1f4: {  	v58 =	vadd.s32 $0x2, v16;
	[tilespmem:v57+s20+$0x0] =	vst.idx.msk $0xffff, v13  }
0x1f5: {  	v59 =	vor.u32 v7, v11;
	v13 =	vand.u32 $0x7FFFFFFF, v58;
	v12 =	vld.idx.msk [tilespmem:v12+s19+$0x0], $0xffff  }
0x1f6: {  	v13 =	vadd.s32 $0x280, v13;
	_ =	sdelay $0x3  }
0x1f7: {  	v60 =	vadd.s32 $0x3, v16;
	[tilespmem:v59+s20+$0x0] =	vst.idx.msk $0xffff, v12  }
0x1f8: {  	v61 =	vor.u32 v8, v11;
	v12 =	vand.u32 $0x7FFFFFFF, v60;
	v13 =	vld.idx.msk [tilespmem:v13+s19+$0x0], $0xffff  }
0x1f9: {  	v12 =	vadd.s32 $0x280, v12;
	_ =	sdelay $0x3  }
0x1fa: {  	v62 =	vadd.s32 $0x4, v16;
	[tilespmem:v61+s20+$0x0] =	vst.idx.msk $0xffff, v13  }
0x1fb: {  	v63 =	vor.u32 v9, v11;
	v13 =	vand.u32 $0x7FFFFFFF, v62;
	v12 =	vld.idx.msk [tilespmem:v12+s19+$0x0], $0xffff  }
0x1fc: {  	v13 =	vadd.s32 $0x280, v13;
	_ =	sdelay $0x3  }
0x1fd: {  	[tilespmem:v63+s20+$0x0] =	vst.idx.msk $0xffff, v12  }
0x1fe: {  	v11 =	vor.u32 v10, v11;
	v12 =	vld.idx.msk [tilespmem:v13+s19+$0x0], $0xffff;
	_ =	sdelay $0x4  }
0x1ff: {  	s5 =	simm.s32 $0x2B00;
	[tilespmem:v11+s20+$0x0] =	vst.idx.msk $0xffff, v12  }
0x200: {  	[tilespmem:s5], [sflag:$0x2] =	stream.indirect.gather [hbm4b:s3+s21], $0x40, s21, s21, $0xb8;
	[tilespmem:$0x18D80] =	vst v63  }
0x201: {  	s25 =	simm.s32 $0x880;
	s10 =	simm.s32 $0xEB00  }
0x202: {  	[tilespmem:s10], [sflag:$0x2] =	stream.indirect.gather [hbm4b:s4+s21], $0x40, s25, s21, $0xb8;
	[tilespmem:$0x18D80] =	vst v63  }
0x203: {  	s26 =	simm.s32 $0x900;
	s28 =	simm.s32 $0x10B00  }
0x204: {  	[tilespmem:s28], [sflag:$0x2] =	stream.indirect.gather [hbm4b:s4+s21], $0x40, s26, s21, $0xb8;
	[tilespmem:$0x18D80] =	vst v63  }
0x205: {  	_ = 	snop  }
0x206: {  	[tilespmem:s29], [sflag:$0x2] =	stream.indirect.gather [hbm4b:s4+s21], $0x40, s6, s21, $0xb8;
	[tilespmem:$0x18D80] =	vst v63  }
0x207: {  	_ = 	snop  }
0x208: {  	[tilespmem:s30], [sflag:$0x2] =	stream.indirect.gather [hbm4b:s4+s21], $0x40, s7, s21, $0xb8;
	[tilespmem:$0x18D80] =	vst v63  }
0x209: {  	_ = 	snop  }
0x20a: {  	[tilespmem:s0], [sflag:$0x2] =	stream.indirect.gather [hbm4b:s4+s21], $0x40, s31, s21, $0xb8;
	[tilespmem:$0x18D80] =	vst v63  }
0x20b: {  	_ =	swait.ge [sflag:s1], $0x2000  }
0x20c: {  	[sflag:s1] =	ssyncset.done $0x0  }
0x20d: {  	[sflag:s1] =	ssyncadd.s32 $0xFFFFE000  }
0x20e: {  	_ =	swait.ge [sflag:s1], $0x2000  }
0x20f: {  	[sflag:s1] =	ssyncset.done $0x0  }
0x210: {  	[sflag:s1] =	ssyncadd.s32 $0xFFFFE000  }
0x211: {  	_ =	swait.ge [sflag:s1], $0x2000  }
0x212: {  	[sflag:s1] =	ssyncset.done $0x0  }
0x213: {  	[sflag:s1] =	ssyncadd.s32 $0xFFFFE000  }
0x214: {  	_ =	swait.ge [sflag:s1], $0x2000  }
0x215: {  	[sflag:s1] =	ssyncset.done $0x0  }
0x216: {  	[sflag:s1] =	ssyncadd.s32 $0xFFFFE000  }
0x217: {  	_ =	swait.ge [sflag:s1], $0x2000  }
0x218: {  	[sflag:s1] =	ssyncset.done $0x0  }
0x219: {  	[sflag:s1] =	ssyncadd.s32 $0xFFFFE000  }
0x21a: {  	_ =	swait.ge [sflag:s1], $0x2000  }
0x21b: {  	[sflag:s1] =	ssyncset.done $0x0  }
0x21c: {  	s5 =	simm.s32 $0x0;
	s10 =	simm.s32 $0x0;
	[sflag:s1] =	ssyncadd.s32 $0xFFFFE000  }
.LBB2_18:
0x21d: {  	v11 =	vmov s5  }
0x21e: {  	s11 =	sshll.u32 s10, $0x4;
	v12 =	vand.u32 $0x3C, v11  }
0x21f: {  	v11 =	vor.u32 s11, v0;
	v17 =	vbroadcast v12, $0x0  }
0x220: {  	v13 =	vshll.u32 v11, $0x6  }
0x221: {  	v18 =	vor.u32 v13, v17  }
0x222: {  	s28 =	simm.s32 $0x1;
	v12 =	vor.u32 $0x8000, v13  }
0x223: {  	v15 =	vmov s28;
	v14 =	vor.u32 $0x2000, v13;
	v19 =	vor.u32 v12, v17  }
0x224: {  	v16 =	vand.u32 $0x3D, v15;
	v15 =	vor.u32 $0x6000, v13;
	v20 =	vor.u32 v14, v17  }
0x225: {  	v21 =	vbroadcast v16, $0x0;
	v16 =	vor.u32 $0x4000, v13;
	v22 =	vor.u32 v15, v17  }
0x226: {  	s25 =	simm.s32 $0x2;
	v17 =	vor.u32 v16, v17;
	v23 =	vld.idx.msk [tilespmem:v18+s22+$0x0], $0xffff  }
0x227: {  	v25 =	vmov s25;
	v24 =	vor.u32 v12, v21;
	v18 =	vld.idx.msk [tilespmem:v18+s23+$0x0], $0xffff  }
0x228: {  	v25 =	vand.u32 $0x3E, v25;
	v26 =	vor.u32 v15, v21;
	v19 =	vld.idx.msk [tilespmem:v19+s23+$0x0], $0xffff  }
0x229: {  	v25 =	vbroadcast v25, $0x0;
	v27 =	vor.u32 v13, v21;
	v20 =	vld.idx.msk [tilespmem:v20+s23+$0x0], $0xffff  }
0x22a: {  	v28 =	vor.u32 v16, v21;
	v22 =	vld.idx.msk [tilespmem:v22+s23+$0x0], $0xffff  }
0x22b: {  	s26 =	simm.s32 $0x3;
	v29 =	vor.u32 v15, v25;
	v17 =	vld.idx.msk [tilespmem:v17+s23+$0x0], $0xffff  }
0x22c: {  	v32 =	vmov s26;
	v31 =	vor.u32 v13, v25;
	v24 =	vld.idx.msk [tilespmem:v24+s23+$0x0], $0xffff  }
0x22d: {  	v32 =	vand.u32 $0x3F, v32;
	v26 =	vld.idx.msk [tilespmem:v26+s23+$0x0], $0xffff  }
0x22e: {  	v32 =	vbroadcast v32, $0x0;
	v34 =	vor.u32 v12, v25;
	v33 =	vld.idx.msk [tilespmem:v27+s23+$0x0], $0xffff  }
0x22f: {  	s28 =	simm.s32 $0x4;
	v30 =	vor.u32 v14, v25;
	v25 =	vor.u32 v16, v25;
	v28 =	vld.idx.msk [tilespmem:v28+s23+$0x0], $0xffff  }
0x230: {  	v40 =	vmov s28;
	s28 =	simm.s32 $0x6;
	v36 =	vor.u32 v13, v32;
	v29 =	vld.idx.msk [tilespmem:v29+s23+$0x0], $0xffff  }
0x231: {  	v47 =	vmov s28;
	v39 =	vor.u32 v15, v32;
	v37 =	vld.idx.msk [tilespmem:v31+s22+$0x0], $0xffff  }
0x232: {  	v35 =	vimm.f32 $0.0e+00;
	s25 =	simm.s32 $0x7;
	s26 =	simm.s32 $0x5;
	v62 =	vand.u32 $0x3E, v47;
	v27 =	vld.idx.msk [tilespmem:v27+s22+$0x0], $0xffff  }
0x233: {  	v41 =	vmov s25;
	v59 =	vmov s26;
	v63 =	vbroadcast v62, $0x0;
	v34 =	vld.idx.msk [tilespmem:v34+s23+$0x0], $0xffff  }
0x234: {  	v21 =	vor.u32 v14, v21;
	v25 =	vld.idx.msk [tilespmem:v25+s23+$0x0], $0xffff;
	v18 =	vmul.f32 v18, v23;
	v19 =	vmul.f32 v19, v23  }
0x235: {  	v38 =	vor.u32 v16, v32;
	v43 =	vld.idx.msk [tilespmem:v36+s22+$0x0], $0xffff;
	v20 =	vmul.f32 v20, v23;
	v22 =	vmul.f32 v22, v23  }
0x236: {  	v58 =	vor.u32 v15, v63;
	v39 =	vld.idx.msk [tilespmem:v39+s23+$0x0], $0xffff;
	v17 =	vmul.f32 v17, v23;
	v44 =	vmul.f32 v29, v37  }
0x237: {  	v30 =	vld.idx.msk [tilespmem:v30+s23+$0x0], $0xffff;
	v23 =	vor.u32 v14, v32;
	v24 =	vmul.f32 v24, v27;
	v26 =	vmul.f32 v26, v27  }
0x238: {  	v28 =	vmul.f32 v28, v27;
	v42 =	vadd.f32 v17, v35;
	v17 =	vld.idx.msk [tilespmem:v31+s23+$0x0], $0xffff;
	v31 =	vand.u32 $0x3C, v40  }
0x239: {  	v48 =	vld.idx.msk [tilespmem:v21+s23+$0x0], $0xffff;
	v32 =	vor.u32 v12, v32;
	v33 =	vmul.f32 v33, v27;
	v31 =	vbroadcast v31, $0x0  }
0x23a: {  	v36 =	vld.idx.msk [tilespmem:v36+s23+$0x0], $0xffff;
	v21 =	vmul.f32 v34, v37;
	v25 =	vmul.f32 v25, v37;
	v18 =	vadd.f32 v18, v35  }
0x23b: {  	v54 =	vmul.f32 v39, v43;
	v40 =	vand.u32 $0x3F, v41;
	v60 =	vor.u32 v13, v31  }
0x23c: {  	v29 =	vld.idx.msk [tilespmem:v38+s23+$0x0], $0xffff;
	v41 =	vand.u32 $0x3D, v59;
	v18 =	vadd.f32 v33, v18;
	v61 =	vor.u32 v14, v31  }
0x23d: {  	v33 =	vld.idx.msk [tilespmem:v58+s23+$0x0], $0xffff;
	v45 =	vor.u32 v16, v31;
	v46 =	vor.u32 v15, v31;
	v31 =	vor.u32 v12, v31  }
0x23e: {  	v62 =	vmul.f32 v30, v37;
	v41 =	vbroadcast v41, $0x0;
	v32 =	vld.idx.msk [tilespmem:v32+s23+$0x0], $0xffff  }
0x23f: {  	v36 =	vmul.f32 v36, v43;
	v27 =	vmul.f32 v48, v27;
	v23 =	vld.idx.msk [tilespmem:v23+s23+$0x0], $0xffff  }
0x240: {  	v19 =	vadd.f32 v19, v35;
	v22 =	vadd.f32 v22, v35;
	v51 =	vor.u32 v12, v41;
	v50 =	vld.idx.msk [tilespmem:v60+s22+$0x0], $0xffff  }
0x241: {  	v20 =	vadd.f32 v20, v35;
	v35 =	vor.u32 v12, v63;
	v53 =	vmul.f32 v29, v43;
	v29 =	vld.idx.msk [tilespmem:v60+s23+$0x0], $0xffff  }
0x242: {  	v39 =	vbroadcast v40, $0x0;
	v47 =	vadd.f32 v26, v22;
	v34 =	vor.u32 v15, v41;
	v22 =	vld.idx.msk [tilespmem:v31+s23+$0x0], $0xffff  }
0x243: {  	v19 =	vadd.f32 v24, v19;
	v55 =	vadd.f32 v28, v42;
	v49 =	vor.u32 v13, v41;
	v31 =	vld.idx.msk [tilespmem:v61+s23+$0x0], $0xffff  }
0x244: {  	v28 =	vor.u32 v13, v63;
	v20 =	vadd.f32 v27, v20;
	v57 =	vor.u32 v16, v41;
	v56 =	vld.idx.msk [tilespmem:v46+s23+$0x0], $0xffff  }
0x245: {  	v19 =	vadd.f32 v21, v19;
	v59 =	vadd.f32 v25, v55;
	v52 =	vmul.f32 v17, v37;
	v21 =	vld.idx.msk [tilespmem:v51+s23+$0x0], $0xffff  }
0x246: {  	v26 =	vmul.f32 v32, v43;
	v24 =	vmul.f32 v23, v43;
	v60 =	vld.idx.msk [tilespmem:v45+s23+$0x0], $0xffff;
	v61 =	vor.u32 v14, v63  }
0x247: {  	v23 =	vld.idx.msk [tilespmem:v34+s23+$0x0], $0xffff;
	v32 =	vor.u32 v16, v63;
	v63 =	vadd.f32 v44, v47;
	v44 =	vadd.f32 v62, v20  }
0x248: {  	v27 =	vor.u32 v13, v39;
	v20 =	vld.idx.msk [tilespmem:v49+s22+$0x0], $0xffff;
	v37 =	vadd.f32 v26, v19;
	v19 =	vadd.f32 v52, v18  }
0x249: {  	v38 =	vor.u32 v16, v39;
	v17 =	vor.u32 v14, v41;
	v41 =	vor.u32 v15, v39;
	v26 =	vld.idx.msk [tilespmem:v57+s23+$0x0], $0xffff  }
0x24a: {  	v43 =	vadd.f32 v53, v59;
	v36 =	vadd.f32 v36, v19;
	v19 =	vld.idx.msk [tilespmem:v28+s22+$0x0], $0xffff;
	v25 =	vmul.f32 v29, v50  }
0x24b: {  	v40 =	vadd.f32 v54, v63;
	v34 =	vmul.f32 v22, v50;
	v22 =	vld.idx.msk [tilespmem:v49+s23+$0x0], $0xffff;
	v30 =	vmul.f32 v31, v50  }
0x24c: {  	s25 =	simm.s32 $0x8;
	v29 =	vmul.f32 v56, v50;
	v18 =	vld.idx.msk [tilespmem:v61+s23+$0x0], $0xffff;
	v42 =	vmul.f32 v60, v50;
	v31 =	vor.u32 v14, v39  }
.LBB2_19:
0x24d: {  	s11 =	sadd.s32 $0x3, s25  }
0x24e: {  	p0 =	slt.u32 s25, $0x3C;
	v34 =	vadd.f32 v34, v37;
	v35 =	vld.idx.msk [tilespmem:v35+s23+$0x0], $0xffff;
	v37 =	vor.u32 v12, v39;
	v24 =	vadd.f32 v24, v44;
	s26 =	smov.u32 s25;
	s25 =	sadd.s32 $0x4, s25  }
0x24f: {  	v42 =	vadd.f32 v42, v43;
	v39 =	vmov s26;
	v44 =	vmov s11;
	v28 =	vld.idx.msk [tilespmem:v28+s23+$0x0], $0xffff  }
0x250: {  	s11 =	sadd.s32 $0x1, s26;
	v39 =	vand.u32 $0x3C, v39;
	v43 =	vand.u32 $0x3F, v44;
	v44 =	vadd.f32 v30, v24;
	v24 =	vld.idx.msk [tilespmem:v32+s23+$0x0], $0xffff  }
0x251: {  	v25 =	vadd.f32 v25, v36;
	v32 =	vmov s11;
	v30 =	vbroadcast v39, $0x0;
	v36 =	vld.idx.msk [tilespmem:v27+s22+$0x0], $0xffff  }
0x252: {  	v29 =	vadd.f32 v29, v40;
	v32 =	vand.u32 $0x3D, v32;
	v40 =	vmul.f32 v33, v19;
	v33 =	vld.idx.msk [tilespmem:v38+s23+$0x0], $0xffff  }
0x253: {  	v21 =	vmul.f32 v21, v20;
	v38 =	vor.u32 v13, v30;
	v39 =	vor.u32 v14, v30;
	v41 =	vld.idx.msk [tilespmem:v41+s23+$0x0], $0xffff  }
0x254: {  	v23 =	vmul.f32 v23, v20;
	v45 =	vor.u32 v16, v30;
	v46 =	vor.u32 v15, v30;
	v37 =	vld.idx.msk [tilespmem:v37+s23+$0x0], $0xffff  }
0x255: {  	s11 =	sadd.s32 $0x2, s26;
	v32 =	vbroadcast v32, $0x0;
	v26 =	vmul.f32 v26, v20;
	v30 =	vor.u32 v12, v30;
	v31 =	vld.idx.msk [tilespmem:v31+s23+$0x0], $0xffff  }
0x256: {  	v47 =	vmov s11;
	v22 =	vmul.f32 v22, v20;
	v35 =	vmul.f32 v35, v19;
	v48 =	vld.idx.msk [tilespmem:v17+s23+$0x0], $0xffff  }
0x257: {  	v49 =	vor.u32 v13, v32;
	v50 =	vor.u32 v15, v32;
	v51 =	vmul.f32 v24, v19;
	v27 =	vld.idx.msk [tilespmem:v27+s23+$0x0], $0xffff  }
0x258: {  	v53 =	vor.u32 v12, v32;
	v54 =	vmul.f32 v28, v19;
	v55 =	vmul.f32 v33, v36;
	v52 =	vld.idx.msk [tilespmem:v38+s22+$0x0], $0xffff  }
0x259: {  	v24 =	vand.u32 $0x3E, v47;
	v47 =	vmul.f32 v41, v36;
	v33 =	vld.idx.msk [tilespmem:v38+s23+$0x0], $0xffff;
	v38 =	vadd.f32 v23, v29  }
0x25a: {  	v21 =	vadd.f32 v21, v34;
	v17 =	vor.u32 v14, v32;
	v29 =	vld.idx.msk [tilespmem:v30+s23+$0x0], $0xffff;
	v30 =	vmul.f32 v37, v36  }
0x25b: {  	v23 =	vadd.f32 v26, v42;
	v37 =	vbroadcast v24, $0x0;
	v24 =	vmul.f32 v31, v36;
	v39 =	vld.idx.msk [tilespmem:v39+s23+$0x0], $0xffff  }
0x25c: {  	v41 =	vadd.f32 v22, v25;
	v26 =	vor.u32 v16, v32;
	v42 =	vadd.f32 v35, v21;
	v31 =	vld.idx.msk [tilespmem:v46+s23+$0x0], $0xffff  }
0x25d: {  	v51 =	vadd.f32 v51, v23;
	v28 =	vor.u32 v13, v37;
	v46 =	vor.u32 v15, v37;
	v21 =	vld.idx.msk [tilespmem:v53+s23+$0x0], $0xffff  }
0x25e: {  	v56 =	vmul.f32 v18, v19;
	v19 =	vmul.f32 v27, v36;
	v53 =	vor.u32 v14, v37;
	v45 =	vld.idx.msk [tilespmem:v45+s23+$0x0], $0xffff  }
0x25f: {  	v18 =	vmul.f32 v48, v20;
	v35 =	vor.u32 v12, v37;
	v25 =	vmul.f32 v33, v52;
	v23 =	vld.idx.msk [tilespmem:v50+s23+$0x0], $0xffff  }
0x260: {  	v32 =	vor.u32 v16, v37;
	v37 =	vadd.f32 v30, v42;
	v34 =	vmul.f32 v29, v52;
	v22 =	vld.idx.msk [tilespmem:v49+s23+$0x0], $0xffff  }
.Ltmp8:
0x261: {  	v20 =	vadd.f32 v54, v41;
	v30 =	vmul.f32 v39, v52;
	v39 =	vbroadcast v43, $0x0;
	v26 =	vld.idx.msk [tilespmem:v26+s23+$0x0], $0xffff;
	(pc) =	sbr.rel @p0 .LBB2_19-.Ltmp8, $4  }
0x262: {  	v40 =	vadd.f32 v40, v38;
	v29 =	vmul.f32 v31, v52;
	v31 =	vadd.f32 v18, v44;
	v33 =	vld.idx.msk [tilespmem:v46+s23+$0x0], $0xffff  }
0x263: {  	v36 =	vadd.f32 v19, v20;
	v27 =	vor.u32 v13, v39;
	v38 =	vor.u32 v16, v39;
	v18 =	vld.idx.msk [tilespmem:v53+s23+$0x0], $0xffff  }
0x264: {  	v43 =	vadd.f32 v55, v51;
	v42 =	vmul.f32 v45, v52;
	v44 =	vadd.f32 v56, v31;
	v19 =	vld.idx.msk [tilespmem:v28+s22+$0x0], $0xffff  }
0x265: {  	v40 =	vadd.f32 v47, v40;
	v41 =	vor.u32 v15, v39;
	v31 =	vor.u32 v14, v39;
	v20 =	vld.idx.msk [tilespmem:v49+s22+$0x0], $0xffff  }
0x266: {  	_ =	sdelay $0x3  }
0x267: {  	v14 =	vld.idx.msk [tilespmem:v28+s23+$0x0], $0xffff  }
0x268: {  	v15 =	vld.idx.msk [tilespmem:v32+s23+$0x0], $0xffff  }
0x269: {  	v16 =	vld.idx.msk [tilespmem:v27+s22+$0x0], $0xffff  }
0x26a: {  	v12 =	vor.u32 v12, v39;
	v50 =	vld.idx.msk [tilespmem:v38+s23+$0x0], $0xffff;
	v24 =	vadd.f32 v24, v44;
	v34 =	vadd.f32 v34, v37  }
0x26b: {  	v52 =	vadd.f32 v42, v43;
	v17 =	vld.idx.msk [tilespmem:v17+s23+$0x0], $0xffff;
	v25 =	vadd.f32 v25, v36  }
0x26c: {  	v51 =	vld.idx.msk [tilespmem:v41+s23+$0x0], $0xffff;
	v11 =	vmul.u32 $0x5, v11;
	v29 =	vadd.f32 v29, v40;
	v33 =	vmul.f32 v33, v19  }
0x26d: {  	v53 =	vld.idx.msk [tilespmem:v27+s23+$0x0], $0xffff;
	v24 =	vadd.f32 v30, v24;
	v18 =	vmul.f32 v18, v19;
	v21 =	vmul.f32 v21, v20  }
0x26e: {  	v54 =	vld.idx.msk [tilespmem:v31+s23+$0x0], $0xffff;
	v59 =	vadd.s32 $0x1, v11;
	v23 =	vmul.f32 v23, v20;
	v26 =	vmul.f32 v26, v20  }
0x26f: {  	v60 =	vadd.s32 $0x2, v11;
	v22 =	vmul.f32 v22, v20;
	v12 =	vld.idx.msk [tilespmem:v12+s23+$0x0], $0xffff;
	v15 =	vmul.f32 v15, v19  }
0x270: {  	v13 =	vld.idx.msk [tilespmem:v35+s23+$0x0], $0xffff;
	v61 =	vadd.s32 $0x3, v11;
	v14 =	vmul.f32 v14, v19;
	v17 =	vmul.f32 v17, v20  }
0x271: {  	v28 =	vmul.f32 v50, v16;
	v23 =	vadd.f32 v23, v29;
	v56 =	vadd.f32 v22, v25  }
0x272: {  	v55 =	vmul.f32 v51, v16;
	v21 =	vadd.f32 v21, v34;
	v17 =	vadd.f32 v17, v24  }
0x273: {  	v58 =	vmul.f32 v53, v16;
	v57 =	vadd.f32 v26, v52;
	v14 =	vadd.f32 v14, v56  }
0x274: {  	v17 =	vadd.f32 v18, v17;
	v12 =	vmul.f32 v12, v16;
	v16 =	vmul.f32 v54, v16  }
0x275: {  	s10 =	sadd.s32 $0x1, s10;
	v13 =	vmul.f32 v13, v19;
	v15 =	vadd.f32 v15, v57;
	v14 =	vadd.f32 v58, v14  }
0x276: {  	p0 =	sne.s32 s10, $0x8;
	v63 =	vadd.s32 $0x4, v11;
	v62 =	vadd.f32 v33, v23;
	v16 =	vadd.f32 v16, v17  }
.Ltmp9:
0x277: {  	v13 =	vadd.f32 v13, v21;
	v15 =	vadd.f32 v28, v15;
	[tilespmem:v11+s8+$0x0] =	vst.idx.msk $0xffff, v14;
	(pc) =	sbr.rel @p0 .LBB2_18-.Ltmp9, $4  }
0x278: {  	v11 =	vadd.f32 v55, v62;
	[tilespmem:v59+s8+$0x0] =	vst.idx.msk $0xffff, v16  }
0x279: {  	v12 =	vadd.f32 v12, v13;
	[tilespmem:v60+s8+$0x0] =	vst.idx.msk $0xffff, v15  }
0x27a: {  	[tilespmem:v61+s8+$0x0] =	vst.idx.msk $0xffff, v11  }
0x27b: {  	[tilespmem:v63+s8+$0x0] =	vst.idx.msk $0xffff, v12  }
0x27c: {  	s5 =	simm.s32 $0x0  }
0x27d: {  	[hbm4b:s15+s5] =	stream.linear.scatter [tilespmem:s8], [sflag:$0x3], $0x280, $0x38;
	[tilespmem:$0x18D80] =	vst v63  }
0x27e: {  	_ =	swait.ge [sflag:s18], $0x280  }
0x27f: {  	[sflag:s18] =	ssyncset.done $0x0  }
0x280: {  	[sflag:s18] =	ssyncadd.s32 $0xFFFFFD80  }
0x281: {  	_ =	swait.ge [sflag:s24], $0x2000  }
0x282: {  	[sflag:s24] =	ssyncset.done $0x0  }
0x283: {  	[sflag:s24] =	ssyncadd.s32 $0xFFFFE000  }
0x284: {  	_ =	swait.ge [sflag:s24], $0x2000  }
0x285: {  	[sflag:s24] =	ssyncset.done $0x0  }
0x286: {  	[sflag:s24] =	ssyncadd.s32 $0xFFFFE000  }
0x287: {  	_ =	swait.ge [sflag:s24], $0x2000  }
0x288: {  	[sflag:s24] =	ssyncset.done $0x0  }
0x289: {  	[sflag:s24] =	ssyncadd.s32 $0xFFFFE000  }
0x28a: {  	_ =	swait.ge [sflag:s24], $0x2000  }
0x28b: {  	[sflag:s24] =	ssyncset.done $0x0  }
0x28c: {  	[sflag:s24] =	ssyncadd.s32 $0xFFFFE000  }
0x28d: {  	_ =	swait.ge [sflag:s24], $0x2000  }
0x28e: {  	[sflag:s24] =	ssyncset.done $0x0  }
0x28f: {  	[sflag:s24] =	ssyncadd.s32 $0xFFFFE000  }
0x290: {  	_ =	swait.ge [sflag:s24], $0x2000  }
0x291: {  	[sflag:s24] =	ssyncset.done $0x0  }
0x292: {  	s10 =	simm.s32 $0x0;
	[sflag:s24] =	ssyncadd.s32 $0xFFFFE000  }
.LBB2_22:
0x293: {  	s25 =	sshll.u32 s10, $0x4;
	v14 =	vmov s5  }
0x294: {  	s11 =	simm.s32 $0x1;
	v11 =	vor.u32 s25, v0;
	v15 =	vand.u32 $0x3C, v14  }
0x295: {  	v12 =	vmov s11;
	v17 =	vshll.u32 v11, $0x6;
	v21 =	vbroadcast v15, $0x0  }
0x296: {  	v12 =	vand.u32 $0x3D, v12;
	v15 =	vor.u32 $0x12000, v17  }
0x297: {  	v20 =	vbroadcast v12, $0x0;
	v14 =	vor.u32 $0x10000, v17;
	v25 =	vor.u32 v15, v21  }
0x298: {  	v13 =	vor.u32 $0x2000, v17;
	v26 =	vor.u32 v14, v21  }
0x299: {  	v12 =	vor.u32 $0xA000, v17;
	v16 =	vor.u32 v13, v20  }
0x29a: {  	v18 =	vor.u32 v12, v20  }
0x29b: {  	v22 =	vor.u32 v14, v20  }
0x29c: {  	v23 =	vor.u32 v13, v21;
	v25 =	vld.idx.msk [tilespmem:v25+s23+$0x0], $0xffff  }
0x29d: {  	v28 =	vor.u32 v12, v21;
	v33 =	vld.idx.msk [tilespmem:v26+s23+$0x0], $0xffff  }
0x29e: {  	s26 =	simm.s32 $0x2;
	v24 =	vor.u32 v15, v20;
	v19 =	vld.idx.msk [tilespmem:v16+s22+$0x0], $0xffff;
	v16 =	vor.u32 $0xE000, v17  }
0x29f: {  	v30 =	vld.idx.msk [tilespmem:v18+s23+$0x0], $0xffff;
	v18 =	vmov s26;
	v17 =	vor.u32 $0xC000, v17;
	v27 =	vor.u32 v16, v20  }
0x2a0: {  	v22 =	vld.idx.msk [tilespmem:v22+s23+$0x0], $0xffff;
	v29 =	vand.u32 $0x3E, v18;
	v20 =	vor.u32 v17, v20  }
0x2a1: {  	s28 =	simm.s32 $0x3;
	v18 =	vld.idx.msk [tilespmem:v23+s22+$0x0], $0xffff;
	v32 =	vor.u32 v16, v21;
	v31 =	vbroadcast v29, $0x0  }
0x2a2: {  	v40 =	vld.idx.msk [tilespmem:v28+s23+$0x0], $0xffff;
	v23 =	vmov s28;
	v43 =	vor.u32 v17, v21  }
0x2a3: {  	v24 =	vld.idx.msk [tilespmem:v24+s23+$0x0], $0xffff;
	v23 =	vand.u32 $0x3F, v23;
	v34 =	vor.u32 v12, v31  }
0x2a4: {  	v23 =	vbroadcast v23, $0x0;
	v36 =	vor.u32 v15, v31;
	v29 =	vld.idx.msk [tilespmem:v27+s23+$0x0], $0xffff  }
0x2a5: {  	v38 =	vor.u32 v13, v31;
	v44 =	vor.u32 v16, v31;
	v35 =	vmul.f32 v22, v19;
	v45 =	vld.idx.msk [tilespmem:v20+s23+$0x0], $0xffff  }
0x2a6: {  	v26 =	vor.u32 v14, v31;
	v21 =	vmul.f32 v30, v19;
	v28 =	vld.idx.msk [tilespmem:v32+s23+$0x0], $0xffff;
	v20 =	vmul.f32 v25, v18  }
0x2a7: {  	v27 =	vimm.f32 $0.0e+00;
	v25 =	vmul.f32 v33, v18;
	v41 =	vmul.f32 v40, v18;
	v40 =	vld.idx.msk [tilespmem:v43+s23+$0x0], $0xffff  }
0x2a8: {  	v24 =	vmul.f32 v24, v19;
	v32 =	vor.u32 v17, v31;
	v31 =	vadd.f32 v20, v27;
	v30 =	vld.idx.msk [tilespmem:v34+s23+$0x0], $0xffff  }
0x2a9: {  	v22 =	vor.u32 v14, v23;
	v37 =	vor.u32 v16, v23;
	v42 =	vadd.f32 v25, v27;
	v39 =	vld.idx.msk [tilespmem:v36+s23+$0x0], $0xffff  }
0x2aa: {  	v20 =	vld.idx.msk [tilespmem:v38+s22+$0x0], $0xffff;
	v34 =	vor.u32 v13, v23;
	v36 =	vor.u32 v15, v23;
	v33 =	vadd.f32 v24, v31  }
0x2ab: {  	s25 =	simm.s32 $0x4;
	v38 =	vld.idx.msk [tilespmem:v44+s23+$0x0], $0xffff;
	v31 =	vimm.f32 $0.0e+00;
	v24 =	vimm.f32 $0.0e+00;
	v25 =	vmul.f32 v45, v19  }
.LBB2_23:
0x2ac: {  	s11 =	sadd.s32 $0x1, s25;
	s26 =	sadd.s32 $0x2, s25;
	s28 =	sadd.s32 $0x3, s25;
	v43 =	vmul.f32 v29, v19;
	v29 =	vadd.f32 v35, v42;
	v19 =	vor.u32 v17, v23  }
0x2ad: {  	p0 =	slt.u32 s25, $0x3C;
	v35 =	vmov s11;
	v42 =	vmov s26;
	v44 =	vmov s28;
	s11 =	smov.u32 s25;
	s25 =	sadd.s32 $0x4, s25  }
0x2ae: {  	v27 =	vadd.f32 v41, v27;
	v35 =	vand.u32 $0x3D, v35;
	v44 =	vand.u32 $0x3F, v44;
	v26 =	vld.idx.msk [tilespmem:v26+s23+$0x0], $0xffff  }
0x2af: {  	v41 =	vmov s11;
	v39 =	vmul.f32 v39, v20;
	v35 =	vbroadcast v35, $0x0;
	v37 =	vld.idx.msk [tilespmem:v37+s23+$0x0], $0xffff  }
0x2b0: {  	v28 =	vmul.f32 v28, v18;
	v23 =	vor.u32 v12, v23;
	v41 =	vand.u32 $0x3C, v41;
	v32 =	vld.idx.msk [tilespmem:v32+s23+$0x0], $0xffff  }
0x2b1: {  	v30 =	vmul.f32 v30, v20;
	v41 =	vbroadcast v41, $0x0;
	v45 =	vor.u32 v13, v35;
	v36 =	vld.idx.msk [tilespmem:v36+s23+$0x0], $0xffff  }
0x2b2: {  	v38 =	vmul.f32 v38, v20;
	v46 =	vor.u32 v12, v35;
	v47 =	vor.u32 v14, v35;
	v48 =	vld.idx.msk [tilespmem:v19+s23+$0x0], $0xffff  }
0x2b3: {  	v18 =	vmul.f32 v40, v18;
	v49 =	vor.u32 v13, v41;
	v50 =	vor.u32 v12, v41;
	v34 =	vld.idx.msk [tilespmem:v34+s22+$0x0], $0xffff  }
0x2b4: {  	v40 =	vor.u32 v17, v41;
	v51 =	vor.u32 v16, v41;
	v52 =	vmul.f32 v26, v20;
	v22 =	vld.idx.msk [tilespmem:v22+s23+$0x0], $0xffff  }
0x2b5: {  	v53 =	vor.u32 v15, v35;
	v26 =	vor.u32 v15, v41;
	v23 =	vld.idx.msk [tilespmem:v23+s23+$0x0], $0xffff  }
0x2b6: {  	v18 =	vadd.f32 v18, v31;
	v31 =	vadd.f32 v39, v33;
	v41 =	vor.u32 v14, v41;
	v19 =	vld.idx.msk [tilespmem:v45+s22+$0x0], $0xffff  }
0x2b7: {  	v24 =	vadd.f32 v28, v24;
	v21 =	vadd.f32 v21, v27;
	v39 =	vand.u32 $0x3E, v42;
	v33 =	vld.idx.msk [tilespmem:v46+s23+$0x0], $0xffff  }
0x2b8: {  	v27 =	vor.u32 v16, v35;
	v39 =	vbroadcast v39, $0x0;
	v25 =	vadd.f32 v25, v18;
	v28 =	vld.idx.msk [tilespmem:v47+s23+$0x0], $0xffff  }
0x2b9: {  	v21 =	vadd.f32 v30, v21;
	v35 =	vor.u32 v17, v35;
	v42 =	vmul.f32 v48, v34;
	v18 =	vld.idx.msk [tilespmem:v49+s22+$0x0], $0xffff  }
0x2ba: {  	v20 =	vmul.f32 v32, v20;
	v45 =	vor.u32 v13, v39;
	v46 =	vor.u32 v15, v39;
	v30 =	vld.idx.msk [tilespmem:v53+s23+$0x0], $0xffff  }
0x2bb: {  	v48 =	vor.u32 v16, v39;
	v49 =	vadd.f32 v52, v29;
	v47 =	vld.idx.msk [tilespmem:v26+s23+$0x0], $0xffff;
	v26 =	vor.u32 v14, v39  }
0x2bc: {  	v52 =	vor.u32 v12, v39;
	v32 =	vmul.f32 v23, v34;
	v53 =	vmul.f32 v37, v34;
	v41 =	vld.idx.msk [tilespmem:v41+s23+$0x0], $0xffff  }
0x2bd: {  	v24 =	vadd.f32 v43, v24;
	v25 =	vadd.f32 v20, v25;
	v23 =	vbroadcast v44, $0x0;
	v29 =	vld.idx.msk [tilespmem:v27+s23+$0x0], $0xffff  }
0x2be: {  	v20 =	vmul.f32 v22, v34;
	v34 =	vmul.f32 v36, v34;
	v27 =	vadd.f32 v32, v21;
	v43 =	vld.idx.msk [tilespmem:v50+s23+$0x0], $0xffff  }
0x2bf: {  	v24 =	vadd.f32 v38, v24;
	v32 =	vor.u32 v17, v39;
	v44 =	vld.idx.msk [tilespmem:v35+s23+$0x0], $0xffff;
	v35 =	vmul.f32 v28, v19  }
0x2c0: {  	v36 =	vadd.f32 v20, v49;
	v21 =	vmul.f32 v33, v19;
	v33 =	vmul.f32 v30, v19;
	v28 =	vld.idx.msk [tilespmem:v51+s23+$0x0], $0xffff  }
.Ltmp10:
0x2c1: {  	v22 =	vor.u32 v14, v23;
	v31 =	vadd.f32 v34, v31;
	v20 =	vmul.f32 v47, v18;
	v30 =	vld.idx.msk [tilespmem:v52+s23+$0x0], $0xffff;
	(pc) =	sbr.rel @p0 .LBB2_23-.Ltmp10, $4  }
0x2c2: {  	v37 =	vor.u32 v16, v23;
	v24 =	vadd.f32 v53, v24;
	v38 =	vmul.f32 v41, v18;
	v39 =	vld.idx.msk [tilespmem:v46+s23+$0x0], $0xffff  }
0x2c3: {  	v34 =	vor.u32 v13, v23;
	v46 =	vadd.f32 v20, v31;
	v31 =	vadd.f32 v42, v25;
	v20 =	vld.idx.msk [tilespmem:v45+s22+$0x0], $0xffff  }
0x2c4: {  	v41 =	vmul.f32 v43, v18;
	v42 =	vadd.f32 v38, v36;
	v36 =	vor.u32 v15, v23;
	v38 =	vld.idx.msk [tilespmem:v48+s23+$0x0], $0xffff  }
0x2c5: {  	v25 =	vmul.f32 v44, v19;
	v33 =	vadd.f32 v33, v46;
	v40 =	vld.idx.msk [tilespmem:v40+s23+$0x0], $0xffff  }
0x2c6: {  	_ =	sdelay $0x1  }
0x2c7: {  	v12 =	vor.u32 v12, v23  }
0x2c8: {  	v13 =	vor.u32 v17, v23  }
0x2c9: {  	v14 =	vld.idx.msk [tilespmem:v26+s23+$0x0], $0xffff  }
0x2ca: {  	v15 =	vld.idx.msk [tilespmem:v32+s23+$0x0], $0xffff;
	v16 =	vmul.f32 v29, v19  }
0x2cb: {  	v46 =	vadd.f32 v41, v27;
	v49 =	vld.idx.msk [tilespmem:v34+s22+$0x0], $0xffff;
	v51 =	vmul.f32 v28, v18;
	v11 =	vmul.u32 $0x5, v11  }
0x2cc: {  	v50 =	vadd.f32 v35, v42;
	v47 =	vmul.f32 v39, v20;
	v48 =	vmul.f32 v40, v18;
	v12 =	vld.idx.msk [tilespmem:v12+s23+$0x0], $0xffff  }
0x2cd: {  	v52 =	vmul.f32 v30, v20;
	v17 =	vadd.f32 v21, v46;
	v58 =	vadd.s32 $0x1, v11;
	v13 =	vld.idx.msk [tilespmem:v13+s23+$0x0], $0xffff  }
0x2ce: {  	v53 =	vld.idx.msk [tilespmem:v37+s23+$0x0], $0xffff;
	v60 =	vadd.s32 $0x2, v11;
	v61 =	vadd.s32 $0x3, v11;
	v23 =	vadd.f32 v48, v31  }
0x2cf: {  	v55 =	vld.idx.msk [tilespmem:v22+s23+$0x0], $0xffff;
	v62 =	vadd.s32 $0x4, v11;
	v54 =	vmul.f32 v38, v20;
	v18 =	vadd.f32 v51, v24  }
0x2d0: {  	v57 =	vld.idx.msk [tilespmem:v36+s23+$0x0], $0xffff;
	v19 =	vadd.f32 v47, v33;
	v15 =	vmul.f32 v15, v20;
	v56 =	vadd.f32 v25, v23  }
0x2d1: {  	v17 =	vadd.f32 v52, v17;
	v16 =	vadd.f32 v16, v18;
	v12 =	vmul.f32 v12, v49  }
0x2d2: {  	v14 =	vmul.f32 v14, v20;
	v13 =	vmul.f32 v13, v49;
	v15 =	vadd.f32 v15, v56  }
0x2d3: {  	s10 =	sadd.s32 $0x1, s10;
	v59 =	vmul.f32 v53, v49;
	v16 =	vadd.f32 v54, v16;
	v12 =	vadd.f32 v12, v17  }
0x2d4: {  	p0 =	sne.s32 s10, $0x8;
	v21 =	vmul.f32 v55, v49;
	v14 =	vadd.f32 v14, v50;
	v13 =	vadd.f32 v13, v15  }
.Ltmp11:
0x2d5: {  	v23 =	vmul.f32 v57, v49;
	v16 =	vadd.f32 v59, v16;
	[tilespmem:v11+s8+$0x0] =	vst.idx.msk $0xffff, v12;
	(pc) =	sbr.rel @p0 .LBB2_22-.Ltmp11, $4  }
0x2d6: {  	v11 =	vadd.f32 v21, v14;
	[tilespmem:v58+s8+$0x0] =	vst.idx.msk $0xffff, v13  }
0x2d7: {  	v63 =	vadd.f32 v23, v19;
	[tilespmem:v60+s8+$0x0] =	vst.idx.msk $0xffff, v16  }
0x2d8: {  	[tilespmem:v61+s8+$0x0] =	vst.idx.msk $0xffff, v11  }
0x2d9: {  	[tilespmem:v62+s8+$0x0] =	vst.idx.msk $0xffff, v63  }
0x2da: {  	s9 =	sadd.s32 $0x1, s9  }
0x2db: {  	p0 =	sne.s32 s9, s17  }
.Ltmp12:
0x2dc: {  	_ = 	snop;
	(pc) =	sbr.rel @p0 .LBB2_1-.Ltmp12, $4  }
0x2dd: {  	[hbm4b:s16+s2] =	stream.linear.scatter [tilespmem:s8], [sflag:$0x3], $0x280, $0x38;
	[tilespmem:$0x18D80] =	vst v63  }
0x2de: {  	_ =	swait.ge [sflag:s18], $0x280  }
0x2df: {  	[sflag:s18] =	ssyncset.done $0x0  }
0x2e0: {  	[sflag:s18] =	ssyncadd.s32 $0xFFFFFD80  }
0x2e1: {  	_ =	sfence.sel $0x180000  }
0x2e2: {  	[bflag:$0x0] =	sbarrier.arrive $0xFFFF  }
0x2e3: {  	_ =	strace $0x90000047  }
0x2e4: {  	s0 =	stileid.u32;
	[bflag:$0x2] =	sbarrier.arrive $0xFFFF  }
0x2e5: {  	p0 =	sne.s32 s0, $0x0;
	s0 =	rddreg [dreg:$0x3]  }
0x2e6: {  	s0 =	sadd.s32 @!p0 $0x100000, s0  }
0x2e7: {  	[sflag:s0] =	ssyncadd.tile.s32 @!p0 $0x1;
	_ =	shalt  }
.Lfunc_end2:
_tile_overlayer_lowered:
.L_overlay_start_2:
0x2e8: {  	(tag) =	ssettag $0x2  }
0x2e9: {  	s0 =	rddreg [dreg:$0x0];
	s2 =	stileid.u32  }
0x2ea: {  	s1 =	rddreg [dreg:$0x1];
	p0 =	sne.s32 s2, $0x0  }
0x2eb: {  	s3 =	rddreg [dreg:$0x2];
	[bflag:$0x3] =	sbarrier.arrive $0xFFFF;
	s2 =	simm.s32 @!p0 $0x1C03  }
0x2ec: {  	[timem:s3], [sflag:s2] =	dma.local @!p0 [hbm:s0], s1  }
0x2ed: {  	s0 =	simm.s32 @!p0 $0x3  }
0x2ee: {  	_ =	swait.ge @!p0 [sflag:s0], s1  }
0x2ef: {  	s1 =	ssub.s32 @!p0 $0x0, s1;
	[sflag:s0] =	ssyncset.done @!p0 $0x0  }
0x2f0: {  	[sflag:s0] =	ssyncadd.s32 @!p0 s1  }
0x2f1: {  	[bflag:$0x3] =	sbarrier.arrive $0xFFFF  }
0x2f2: {  	_ =	shalt  }

</sc_bundles>
